<compile_context>
chip_gen: v7x
topology: tpu7x:2x2x1
jax: 0.10.2.dev20260603
libtpu: 0.0.44.dev20260713+nightly
codegen_flags: <defaults>
</compile_context>

<pallas_src>
import functools

import jax
import jax.numpy as jnp
from jax import lax
from jax.experimental import pallas as pl
from jax.experimental.pallas import tpu as pltpu
from jax.experimental.pallas import tpu_sc as plsc

_N = 10000
_E = 320000
_D = 128
_NC = 2
_NS = 16
_NW = _NC * _NS
_L = 16

_ESC = _E
_CH = _ESC // _NW
_G = 80
_NG = _CH // _G


def _gates_body(nf_ref, w2_ref, b2_ref, out_ref):
    out_ref[...] = lax.dot_general(
        w2_ref[...], nf_ref[...],
        (((1,), (1,)), ((), ())),
        preferred_element_type=jnp.float32,
    ) + b2_ref[...]


def _edge_body(ef_ref, we_ref, c_ref):
    c_ref[...] = lax.dot_general(
        ef_ref[...], we_ref[...],
        (((1,), (1,)), ((), ())),
        preferred_element_type=jnp.float32,
    )


def _sigmoid(m):
    return 1.0 / (1.0 + jnp.exp(-m))


def _vperm(v, p):
    return lax.gather(
        v, p.reshape(_L, 1),
        lax.GatherDimensionNumbers(
            offset_dims=(), collapsed_slice_dims=(0,), start_index_map=(0,)),
        slice_sizes=(1,),
        mode=lax.GatherScatterMode.PROMISE_IN_BOUNDS)


def _sc_heavy_body(tab_hbm, src_hbm, dst_hbm, ef_hbm, w_hbm, y_hbm,
                   tab_v, src_v, dst_v, w_v, y_v, tile0, tile1, dot_v,
                   sem0, sem1):
    cid = lax.axis_index("c")
    sid = lax.axis_index("s")
    wid = sid * _NC + cid
    ebase = wid * _CH
    pltpu.sync_copy(tab_hbm, tab_v)
    pltpu.sync_copy(src_hbm.at[pl.ds(ebase, _CH)], src_v)
    pltpu.sync_copy(dst_hbm.at[pl.ds(ebase, _CH)], dst_v)
    pltpu.sync_copy(w_hbm, w_v)

    wvecs = [w_v[pl.ds(cch * _L, _L)] for cch in range(_D // _L)]
    lane = lax.iota(jnp.int32, _L)
    perms = [lane ^ (1 << s) for s in range(4)]
    onehots = [lane == e for e in range(_L)]

    def start(g, tile, sem):
        pltpu.make_async_copy(
            ef_hbm.at[pl.ds((ebase + g * _G) * _D, _G * _D)], tile, sem
        ).start()

    def wait(g, tile, sem):
        pltpu.make_async_copy(
            ef_hbm.at[pl.ds((ebase + g * _G) * _D, _G * _D)], tile, sem
        ).wait()

    def compute(g, tile):
        def jbody(j, carry):
            base_j = j * (_L * _D)
            vs = []
            for e in range(_L):
                row = base_j + e * _D
                parts = [tile[pl.ds(row + cch * _L, _L)] * wvecs[cch]
                         for cch in range(_D // _L)]
                while len(parts) > 1:
                    parts = [parts[i] + parts[i + 1]
                             for i in range(0, len(parts), 2)]
                vs.append(parts[0])
            for p in perms:
                vs = [v + _vperm(v, p) for v in vs]
            for e in range(_L):
                plsc.store_scatter(dot_v, [lane], vs[e], mask=onehots[e])
            e_off = g * _G + j * _L
            si = src_v[pl.ds(e_off, _L)]
            di = dst_v[pl.ds(e_off, _L)] + _N
            m = (dot_v[pl.ds(0, _L)] + plsc.load_gather(tab_v, [si])
                 + plsc.load_gather(tab_v, [di]))
            y_v[pl.ds(e_off, _L)] = _sigmoid(m)
            return carry

        lax.fori_loop(0, _G // _L, jbody, 0)

    start(0, tile0, sem0)

    def body2(t, carry):
        g0 = 2 * t
        wait(g0, tile0, sem0)

        @pl.when(g0 + 1 < _NG)
        def _():
            start(g0 + 1, tile1, sem1)

        compute(g0, tile0)

        @pl.when(g0 + 1 < _NG)
        def _():
            wait(g0 + 1, tile1, sem1)

            @pl.when(g0 + 2 < _NG)
            def _():
                start(g0 + 2, tile0, sem0)

            compute(g0 + 1, tile1)
        return carry

    lax.fori_loop(0, (_NG + 1) // 2, body2, 0)
    pltpu.sync_copy(y_v, y_hbm.at[pl.ds(ebase, _CH)])


def _sc_final_body(tab_hbm, src_hbm, dst_hbm, c_hbm, y_hbm,
                   tab_v, src_v, dst_v, c_v, y_v):
    cid = lax.axis_index("c")
    sid = lax.axis_index("s")
    wid = sid * _NC + cid
    base = _ESC + wid * _CHT
    pltpu.sync_copy(tab_hbm, tab_v)
    pltpu.sync_copy(src_hbm.at[pl.ds(base, _CHT)], src_v)
    pltpu.sync_copy(dst_hbm.at[pl.ds(base, _CHT)], dst_v)
    pltpu.sync_copy(c_hbm.at[pl.ds(wid * _CHT, _CHT)], c_v)

    def body(i, carry):
        off = i * _L
        si = src_v[pl.ds(off, _L)]
        di = dst_v[pl.ds(off, _L)] + _N
        m = (plsc.load_gather(tab_v, [si]) + plsc.load_gather(tab_v, [di])
             + c_v[pl.ds(off, _L)])
        y_v[pl.ds(off, _L)] = _sigmoid(m)
        return carry

    lax.fori_loop(0, _CHT // _L, body, 0)
    pltpu.sync_copy(y_v, y_hbm.at[pl.ds(wid * _CHT, _CHT)])


@jax.jit
def kernel(node_feats, edge_feats, edge_index, W_src, b_src, W_dst, b_dst,
           W_edge, b_edge):
    src = edge_index[0].astype(jnp.int32)
    dst = edge_index[1].astype(jnp.int32)
    w2 = jnp.concatenate([W_src, W_dst], axis=0)
    b2 = jnp.stack([b_src, b_dst + b_edge]).reshape(2, 1)

    gates = pl.pallas_call(
        _gates_body,
        out_shape=jax.ShapeDtypeStruct((2, _N), jnp.float32),
    )(node_feats, w2, b2)
    table = gates.reshape(2 * _N)

    mesh = plsc.VectorSubcoreMesh(core_axis_name="c", subcore_axis_name="s")
    sc_params = pltpu.CompilerParams(needs_layout_passes=False)

    sc_heavy = pl.kernel(
        _sc_heavy_body,
        out_type=jax.ShapeDtypeStruct((_ESC,), jnp.float32),
        mesh=mesh,
        compiler_params=sc_params,
        scratch_types=[
            pltpu.VMEM((2 * _N,), jnp.float32),
            pltpu.VMEM((_CH,), jnp.int32),
            pltpu.VMEM((_CH,), jnp.int32),
            pltpu.VMEM((_D,), jnp.float32),
            pltpu.VMEM((_CH,), jnp.float32),
            pltpu.VMEM((_G * _D,), jnp.float32),
            pltpu.VMEM((_G * _D,), jnp.float32),
            pltpu.VMEM((_L,), jnp.float32),
            pltpu.SemaphoreType.DMA,
            pltpu.SemaphoreType.DMA,
        ],
    )
    y_sc = sc_heavy(table, src, dst, edge_feats.reshape(_E * _D),
                    W_edge.reshape(_D))
    return y_sc.reshape(_E, 1)

# --- scband reference (transcript-rebuilt; emitter-appended) ---
"""Pipeline reference for scband-bond-order-conv-64407329571242 (READ-ONLY COPY).

The authoritative reference and input builder live on the scoring server;
editing this copy changes nothing except your own understanding.
"""

import jax, jax.numpy as jnp
import numpy as np

N = 10000
E = 320000
D = 128
OUT = 1


def setup_inputs(seed: int = 0) -> dict:
    key = jax.random.key(seed)
    k1, k2, k3, k4, k5, k6, k7, k8, k9 = jax.random.split(key, 9)
    bound = 1.0 / np.sqrt(D)
    node_feats = jax.random.normal(k1, (N, D), dtype=jnp.float32)
    edge_feats = jax.random.normal(k2, (E, D), dtype=jnp.float32)
    edge_index = jax.random.randint(k3, (2, E), 0, N)
    W_src = jax.random.uniform(k4, (OUT, D), minval=-bound, maxval=bound, dtype=jnp.float32)
    b_src = jax.random.uniform(k5, (OUT,), minval=-bound, maxval=bound, dtype=jnp.float32)
    W_dst = jax.random.uniform(k6, (OUT, D), minval=-bound, maxval=bound, dtype=jnp.float32)
    b_dst = jax.random.uniform(k7, (OUT,), minval=-bound, maxval=bound, dtype=jnp.float32)
    W_edge = jax.random.uniform(k8, (OUT, D), minval=-bound, maxval=bound, dtype=jnp.float32)
    b_edge = jax.random.uniform(k9, (OUT,), minval=-bound, maxval=bound, dtype=jnp.float32)
    return {
        "node_feats": node_feats,
        "edge_feats": edge_feats,
        "edge_index": edge_index,
        "W_src": W_src,
        "b_src": b_src,
        "W_dst": W_dst,
        "b_dst": b_dst,
        "W_edge": W_edge,
        "b_edge": b_edge,
    }


def reference(node_feats, edge_feats, edge_index, W_src, b_src, W_dst, b_dst, W_edge, b_edge):
    # e_src = src_gate(node_feats), e_dst = dst_gate(node_feats)  [N, 1]
    e_src = node_feats @ W_src.T + b_src
    e_dst = node_feats @ W_dst.T + b_dst
    src = edge_index[0]
    dst = edge_index[1]
    # apply_edges(fn.u_add_v): gather per-edge src/dst node gate values
    e_nodes = jnp.take(e_src, src, axis=0) + jnp.take(e_dst, dst, axis=0)
    m = e_nodes + (edge_feats @ W_edge.T + b_edge)
    y = jax.nn.sigmoid(m)
    return y

if __name__ == "__main__":
    import jax
    _d = setup_inputs()
    print(jax.jit(kernel)(*tuple(_d.values())))

</pallas_src>

<mosaic_0001>
#map = affine_map<(d0, d1) -> (0)>
module attributes {stable_mosaic.version = 14 : i64} {
  func.func @_sc_heavy_body(%arg0: i32, %arg1: i32, %arg2: memref<20000xf32, #tpu.memory_space<hbm>>, %arg3: memref<320000xi32, #tpu.memory_space<hbm>>, %arg4: memref<320000xi32, #tpu.memory_space<hbm>>, %arg5: memref<40960000xf32, #tpu.memory_space<hbm>>, %arg6: memref<128xf32, #tpu.memory_space<hbm>>, %arg7: memref<320000xf32, #tpu.memory_space<hbm>>, %arg8: memref<20000xf32, #tpu.memory_space<vmem>>, %arg9: memref<10000xi32, #tpu.memory_space<vmem>>, %arg10: memref<10000xi32, #tpu.memory_space<vmem>>, %arg11: memref<128xf32, #tpu.memory_space<vmem>>, %arg12: memref<10000xf32, #tpu.memory_space<vmem>>, %arg13: memref<10240xf32, #tpu.memory_space<vmem>>, %arg14: memref<10240xf32, #tpu.memory_space<vmem>>, %arg15: memref<16xf32, #tpu.memory_space<vmem>>, %arg16: memref<!tpu.dma_semaphore, #tpu.memory_space<semaphore_mem>>, %arg17: memref<!tpu.dma_semaphore, #tpu.memory_space<semaphore_mem>>) attributes {dimension_semantics = [#tpu.dimension_semantics<core_parallel>, #tpu.dimension_semantics<subcore_parallel>], iteration_bounds = array<i64: 2, 16>, scalar_prefetch = 0 : i64, scratch_operands = 10 : i64, tpu.core_type = #tpu.core_type<sc_vector_subcore>, window_params = [{transform_indices = #map}, {transform_indices = #map}, {transform_indices = #map}, {transform_indices = #map}, {transform_indices = #map}, {transform_indices = #map}]} {
    %mul3A = arith.constant 2 : i32
    %mul3A_0 = arith.muli %arg1, %mul3A : i32
    %add3A = arith.addi %mul3A_0, %arg0 : i32
    %mul3A_1 = arith.constant 10000 : i32
    %mul3A_2 = arith.muli %add3A, %mul3A_1 : i32
    "tpu.region"() ({
      %run_scoped3A = tpu.sem_alloc : memref<!tpu.dma_semaphore, #tpu.memory_space<semaphore_mem>>
      tpu.enqueue_dma source(%arg2 : memref<20000xf32, #tpu.memory_space<hbm>>) target(%arg8 : memref<20000xf32, #tpu.memory_space<vmem>>) target_semaphore(%run_scoped3A : memref<!tpu.dma_semaphore, #tpu.memory_space<semaphore_mem>>)
      tpu.wait_dma2 semaphore(%run_scoped3A : memref<!tpu.dma_semaphore, #tpu.memory_space<semaphore_mem>>) src(%arg2 : memref<20000xf32, #tpu.memory_space<hbm>>) dst(%arg8 : memref<20000xf32, #tpu.memory_space<vmem>>)
      tpu.yield
    }) : () -> ()
    "tpu.region"() ({
      %run_scoped3A = tpu.sem_alloc : memref<!tpu.dma_semaphore, #tpu.memory_space<semaphore_mem>>
      %dma_start3A_86 = tpu.memref_slice %arg3[%mul3A_2] : memref<320000xi32, #tpu.memory_space<hbm>> -> memref<10000xi32, #tpu.memory_space<hbm>>
      %dma_start3A_87 = tpu.memref_slice %arg3[%mul3A_2] : memref<320000xi32, #tpu.memory_space<hbm>> -> memref<10000xi32, #tpu.memory_space<hbm>>
      tpu.enqueue_dma source(%dma_start3A_87 : memref<10000xi32, #tpu.memory_space<hbm>>) target(%arg9 : memref<10000xi32, #tpu.memory_space<vmem>>) target_semaphore(%run_scoped3A : memref<!tpu.dma_semaphore, #tpu.memory_space<semaphore_mem>>)
      %dma_wait3A = tpu.memref_slice %arg3[%mul3A_2] : memref<320000xi32, #tpu.memory_space<hbm>> -> memref<10000xi32, #tpu.memory_space<hbm>>
      %dma_wait3A_88 = tpu.memref_slice %arg3[%mul3A_2] : memref<320000xi32, #tpu.memory_space<hbm>> -> memref<10000xi32, #tpu.memory_space<hbm>>
      tpu.wait_dma2 semaphore(%run_scoped3A : memref<!tpu.dma_semaphore, #tpu.memory_space<semaphore_mem>>) src(%dma_wait3A_88 : memref<10000xi32, #tpu.memory_space<hbm>>) dst(%arg9 : memref<10000xi32, #tpu.memory_space<vmem>>)
      tpu.yield
    }) : () -> ()
    "tpu.region"() ({
      %run_scoped3A = tpu.sem_alloc : memref<!tpu.dma_semaphore, #tpu.memory_space<semaphore_mem>>
      %dma_start3A_86 = tpu.memref_slice %arg4[%mul3A_2] : memref<320000xi32, #tpu.memory_space<hbm>> -> memref<10000xi32, #tpu.memory_space<hbm>>
      %dma_start3A_87 = tpu.memref_slice %arg4[%mul3A_2] : memref<320000xi32, #tpu.memory_space<hbm>> -> memref<10000xi32, #tpu.memory_space<hbm>>
      tpu.enqueue_dma source(%dma_start3A_87 : memref<10000xi32, #tpu.memory_space<hbm>>) target(%arg10 : memref<10000xi32, #tpu.memory_space<vmem>>) target_semaphore(%run_scoped3A : memref<!tpu.dma_semaphore, #tpu.memory_space<semaphore_mem>>)
      %dma_wait3A = tpu.memref_slice %arg4[%mul3A_2] : memref<320000xi32, #tpu.memory_space<hbm>> -> memref<10000xi32, #tpu.memory_space<hbm>>
      %dma_wait3A_88 = tpu.memref_slice %arg4[%mul3A_2] : memref<320000xi32, #tpu.memory_space<hbm>> -> memref<10000xi32, #tpu.memory_space<hbm>>
      tpu.wait_dma2 semaphore(%run_scoped3A : memref<!tpu.dma_semaphore, #tpu.memory_space<semaphore_mem>>) src(%dma_wait3A_88 : memref<10000xi32, #tpu.memory_space<hbm>>) dst(%arg10 : memref<10000xi32, #tpu.memory_space<vmem>>)
      tpu.yield
    }) : () -> ()
    "tpu.region"() ({
      %run_scoped3A = tpu.sem_alloc : memref<!tpu.dma_semaphore, #tpu.memory_space<semaphore_mem>>
      tpu.enqueue_dma source(%arg6 : memref<128xf32, #tpu.memory_space<hbm>>) target(%arg11 : memref<128xf32, #tpu.memory_space<vmem>>) target_semaphore(%run_scoped3A : memref<!tpu.dma_semaphore, #tpu.memory_space<semaphore_mem>>)
      tpu.wait_dma2 semaphore(%run_scoped3A : memref<!tpu.dma_semaphore, #tpu.memory_space<semaphore_mem>>) src(%arg6 : memref<128xf32, #tpu.memory_space<hbm>>) dst(%arg11 : memref<128xf32, #tpu.memory_space<vmem>>)
      tpu.yield
    }) : () -> ()
    %get3A = arith.constant 0 : index
    %get3A_3 = tpu.vector_load %arg11[%get3A] {strides = array<i32>} : memref<128xf32, #tpu.memory_space<vmem>>, vector<16xf32>,
    %get3A_4 = arith.constant 16 : index
    %get3A_5 = tpu.vector_load %arg11[%get3A_4] {strides = array<i32>} : memref<128xf32, #tpu.memory_space<vmem>>, vector<16xf32>,
    %get3A_6 = arith.constant 32 : index
    %get3A_7 = tpu.vector_load %arg11[%get3A_6] {strides = array<i32>} : memref<128xf32, #tpu.memory_space<vmem>>, vector<16xf32>,
    %get3A_8 = arith.constant 48 : index
    %get3A_9 = tpu.vector_load %arg11[%get3A_8] {strides = array<i32>} : memref<128xf32, #tpu.memory_space<vmem>>, vector<16xf32>,
    %get3A_10 = arith.constant 64 : index
    %get3A_11 = tpu.vector_load %arg11[%get3A_10] {strides = array<i32>} : memref<128xf32, #tpu.memory_space<vmem>>, vector<16xf32>,
    %get3A_12 = arith.constant 80 : index
    %get3A_13 = tpu.vector_load %arg11[%get3A_12] {strides = array<i32>} : memref<128xf32, #tpu.memory_space<vmem>>, vector<16xf32>,
    %get3A_14 = arith.constant 96 : index
    %get3A_15 = tpu.vector_load %arg11[%get3A_14] {strides = array<i32>} : memref<128xf32, #tpu.memory_space<vmem>>, vector<16xf32>,
    %get3A_16 = arith.constant 112 : index
    %get3A_17 = tpu.vector_load %arg11[%get3A_16] {strides = array<i32>} : memref<128xf32, #tpu.memory_space<vmem>>, vector<16xf32>,
    %iota3A = tpu.iota {dimensions = array<i32: 0>} : vector<16xi32>
    %xor3A = arith.constant 1 : i32
    %xor3A_18 = vector.broadcast %xor3A : i32 to vector<16xi32>
    %xor3A_19 = arith.xori %iota3A, %xor3A_18 : vector<16xi32>
    %xor3A_20 = arith.constant 2 : i32
    %xor3A_21 = vector.broadcast %xor3A_20 : i32 to vector<16xi32>
    %xor3A_22 = arith.xori %iota3A, %xor3A_21 : vector<16xi32>
    %xor3A_23 = arith.constant 4 : i32
    %xor3A_24 = vector.broadcast %xor3A_23 : i32 to vector<16xi32>
    %xor3A_25 = arith.xori %iota3A, %xor3A_24 : vector<16xi32>
    %xor3A_26 = arith.constant 8 : i32
    %xor3A_27 = vector.broadcast %xor3A_26 : i32 to vector<16xi32>
    %xor3A_28 = arith.xori %iota3A, %xor3A_27 : vector<16xi32>
    %eq3A = arith.constant 0 : i32
    %eq3A_29 = vector.broadcast %eq3A : i32 to vector<16xi32>
    %eq3A_30 = arith.cmpi eq, %iota3A, %eq3A_29 : vector<16xi32>
    %eq3A_31 = arith.constant 1 : i32
    %eq3A_32 = vector.broadcast %eq3A_31 : i32 to vector<16xi32>
    %eq3A_33 = arith.cmpi eq, %iota3A, %eq3A_32 : vector<16xi32>
    %eq3A_34 = arith.constant 2 : i32
    %eq3A_35 = vector.broadcast %eq3A_34 : i32 to vector<16xi32>
    %eq3A_36 = arith.cmpi eq, %iota3A, %eq3A_35 : vector<16xi32>
    %eq3A_37 = arith.constant 3 : i32
    %eq3A_38 = vector.broadcast %eq3A_37 : i32 to vector<16xi32>
    %eq3A_39 = arith.cmpi eq, %iota3A, %eq3A_38 : vector<16xi32>
    %eq3A_40 = arith.constant 4 : i32
    %eq3A_41 = vector.broadcast %eq3A_40 : i32 to vector<16xi32>
    %eq3A_42 = arith.cmpi eq, %iota3A, %eq3A_41 : vector<16xi32>
    %eq3A_43 = arith.constant 5 : i32
    %eq3A_44 = vector.broadcast %eq3A_43 : i32 to vector<16xi32>
    %eq3A_45 = arith.cmpi eq, %iota3A, %eq3A_44 : vector<16xi32>
    %eq3A_46 = arith.constant 6 : i32
    %eq3A_47 = vector.broadcast %eq3A_46 : i32 to vector<16xi32>
    %eq3A_48 = arith.cmpi eq, %iota3A, %eq3A_47 : vector<16xi32>
    %eq3A_49 = arith.constant 7 : i32
    %eq3A_50 = vector.broadcast %eq3A_49 : i32 to vector<16xi32>
    %eq3A_51 = arith.cmpi eq, %iota3A, %eq3A_50 : vector<16xi32>
    %eq3A_52 = arith.constant 8 : i32
    %eq3A_53 = vector.broadcast %eq3A_52 : i32 to vector<16xi32>
    %eq3A_54 = arith.cmpi eq, %iota3A, %eq3A_53 : vector<16xi32>
    %eq3A_55 = arith.constant 9 : i32
    %eq3A_56 = vector.broadcast %eq3A_55 : i32 to vector<16xi32>
    %eq3A_57 = arith.cmpi eq, %iota3A, %eq3A_56 : vector<16xi32>
    %eq3A_58 = arith.constant 10 : i32
    %eq3A_59 = vector.broadcast %eq3A_58 : i32 to vector<16xi32>
    %eq3A_60 = arith.cmpi eq, %iota3A, %eq3A_59 : vector<16xi32>
    %eq3A_61 = arith.constant 11 : i32
    %eq3A_62 = vector.broadcast %eq3A_61 : i32 to vector<16xi32>
    %eq3A_63 = arith.cmpi eq, %iota3A, %eq3A_62 : vector<16xi32>
    %eq3A_64 = arith.constant 12 : i32
    %eq3A_65 = vector.broadcast %eq3A_64 : i32 to vector<16xi32>
    %eq3A_66 = arith.cmpi eq, %iota3A, %eq3A_65 : vector<16xi32>
    %eq3A_67 = arith.constant 13 : i32
    %eq3A_68 = vector.broadcast %eq3A_67 : i32 to vector<16xi32>
    %eq3A_69 = arith.cmpi eq, %iota3A, %eq3A_68 : vector<16xi32>
    %eq3A_70 = arith.constant 14 : i32
    %eq3A_71 = vector.broadcast %eq3A_70 : i32 to vector<16xi32>
    %eq3A_72 = arith.cmpi eq, %iota3A, %eq3A_71 : vector<16xi32>
    %eq3A_73 = arith.constant 15 : i32
    %eq3A_74 = vector.broadcast %eq3A_73 : i32 to vector<16xi32>
    %eq3A_75 = arith.cmpi eq, %iota3A, %eq3A_74 : vector<16xi32>
    %add3A_76 = arith.constant 0 : i32
    %add3A_77 = arith.addi %mul3A_2, %add3A_76 : i32
    %mul3A_78 = arith.constant 128 : i32
    %mul3A_79 = arith.muli %add3A_77, %mul3A_78 : i32
    %dma_start3A = tpu.memref_slice %arg5[%mul3A_79] : memref<40960000xf32, #tpu.memory_space<hbm>> -> memref<10240xf32, #tpu.memory_space<hbm>>
    %dma_start3A_80 = tpu.memref_slice %arg5[%mul3A_79] : memref<40960000xf32, #tpu.memory_space<hbm>> -> memref<10240xf32, #tpu.memory_space<hbm>>
    tpu.enqueue_dma source(%dma_start3A_80 : memref<10240xf32, #tpu.memory_space<hbm>>) target(%arg13 : memref<10240xf32, #tpu.memory_space<vmem>>) target_semaphore(%arg16 : memref<!tpu.dma_semaphore, #tpu.memory_space<semaphore_mem>>)
    %scan3A = arith.constant 0 : i32
    %scan3A_81 = arith.constant 0 : i32
    %scan3A_82 = arith.constant 63 : i32
    %scan3A_83 = arith.addi %scan3A_81, %scan3A_82 : i32
    %scan3A_84 = arith.constant 1 : i32
    scf.for %scan3A_86 = %scan3A_81 to %scan3A_83 step %scan3A_84  : i32 {
      %mul3A_87 = arith.constant 2 : i32
      %mul3A_88 = arith.muli %mul3A_87, %scan3A_86 : i32
      %mul3A_89 = arith.constant 80 : i32
      %mul3A_90 = arith.muli %mul3A_88, %mul3A_89 : i32
      %add3A_91 = arith.addi %mul3A_2, %mul3A_90 : i32
      %mul3A_92 = arith.constant 128 : i32
      %mul3A_93 = arith.muli %add3A_91, %mul3A_92 : i32
      %dma_wait3A = tpu.memref_slice %arg5[%mul3A_93] : memref<40960000xf32, #tpu.memory_space<hbm>> -> memref<10240xf32, #tpu.memory_space<hbm>>
      %dma_wait3A_94 = tpu.memref_slice %arg5[%mul3A_93] : memref<40960000xf32, #tpu.memory_space<hbm>> -> memref<10240xf32, #tpu.memory_space<hbm>>
      tpu.wait_dma2 semaphore(%arg16 : memref<!tpu.dma_semaphore, #tpu.memory_space<semaphore_mem>>) src(%dma_wait3A_94 : memref<10240xf32, #tpu.memory_space<hbm>>) dst(%arg13 : memref<10240xf32, #tpu.memory_space<vmem>>)
      %add3A_95 = arith.constant 1 : i32
      %add3A_96 = arith.addi %mul3A_88, %add3A_95 : i32
      %lt3A = arith.constant 125 : i32
      %lt3A_97 = arith.cmpi slt, %add3A_96, %lt3A : i32
      %convert_element_type3A = arith.extui %lt3A_97 : i1 to i32
      %cond3A = arith.constant 0 : i32
      %cond3A_98 = arith.cmpi ne, %convert_element_type3A, %cond3A : i32
      scf.if %cond3A_98 {
        %add3A_112 = arith.constant 1 : i32
        %add3A_113 = arith.addi %mul3A_88, %add3A_112 : i32
        %mul3A_114 = arith.constant 80 : i32
        %mul3A_115 = arith.muli %add3A_113, %mul3A_114 : i32
        %add3A_116 = arith.addi %mul3A_2, %mul3A_115 : i32
        %mul3A_117 = arith.constant 128 : i32
        %mul3A_118 = arith.muli %add3A_116, %mul3A_117 : i32
        %dma_start3A_119 = tpu.memref_slice %arg5[%mul3A_118] : memref<40960000xf32, #tpu.memory_space<hbm>> -> memref<10240xf32, #tpu.memory_space<hbm>>
        %dma_start3A_120 = tpu.memref_slice %arg5[%mul3A_118] : memref<40960000xf32, #tpu.memory_space<hbm>> -> memref<10240xf32, #tpu.memory_space<hbm>>
        tpu.enqueue_dma source(%dma_start3A_120 : memref<10240xf32, #tpu.memory_space<hbm>>) target(%arg14 : memref<10240xf32, #tpu.memory_space<vmem>>) target_semaphore(%arg17 : memref<!tpu.dma_semaphore, #tpu.memory_space<semaphore_mem>>)
      } else {
      }
      %scan3A_99 = arith.constant 0 : i32
      %scan3A_100 = arith.constant 0 : i32
      %scan3A_101 = arith.constant 5 : i32
      %scan3A_102 = arith.addi %scan3A_100, %scan3A_101 : i32
      %scan3A_103 = arith.constant 1 : i32
      scf.for %scan3A_112 = %scan3A_100 to %scan3A_102 step %scan3A_103  : i32 {
        %mul3A_113 = arith.constant 2048 : i32
        %mul3A_114 = arith.muli %scan3A_112, %mul3A_113 : i32
        %add3A_115 = arith.constant 0 : i32
        %add3A_116 = arith.addi %mul3A_114, %add3A_115 : i32
        %add3A_117 = arith.constant 0 : i32
        %add3A_118 = arith.addi %add3A_116, %add3A_117 : i32
        %get3A_119 = arith.index_cast %add3A_118 : i32 to index
        %get3A_120 = tpu.vector_load %arg13[%get3A_119] {strides = array<i32>} : memref<10240xf32, #tpu.memory_space<vmem>>, vector<16xf32>,
        %mul3A_121 = arith.mulf %get3A_120, %get3A_3 : vector<16xf32>
        %add3A_122 = arith.constant 16 : i32
        %add3A_123 = arith.addi %add3A_116, %add3A_122 : i32
        %get3A_124 = arith.index_cast %add3A_123 : i32 to index
        %get3A_125 = tpu.vector_load %arg13[%get3A_124] {strides = array<i32>} : memref<10240xf32, #tpu.memory_space<vmem>>, vector<16xf32>,
        %mul3A_126 = arith.mulf %get3A_125, %get3A_5 : vector<16xf32>
        %add3A_127 = arith.constant 32 : i32
        %add3A_128 = arith.addi %add3A_116, %add3A_127 : i32
        %get3A_129 = arith.index_cast %add3A_128 : i32 to index
        %get3A_130 = tpu.vector_load %arg13[%get3A_129] {strides = array<i32>} : memref<10240xf32, #tpu.memory_space<vmem>>, vector<16xf32>,
        %mul3A_131 = arith.mulf %get3A_130, %get3A_7 : vector<16xf32>
        %add3A_132 = arith.constant 48 : i32
        %add3A_133 = arith.addi %add3A_116, %add3A_132 : i32
        %get3A_134 = arith.index_cast %add3A_133 : i32 to index
        %get3A_135 = tpu.vector_load %arg13[%get3A_134] {strides = array<i32>} : memref<10240xf32, #tpu.memory_space<vmem>>, vector<16xf32>,
        %mul3A_136 = arith.mulf %get3A_135, %get3A_9 : vector<16xf32>
        %add3A_137 = arith.constant 64 : i32
        %add3A_138 = arith.addi %add3A_116, %add3A_137 : i32
        %get3A_139 = arith.index_cast %add3A_138 : i32 to index
        %get3A_140 = tpu.vector_load %arg13[%get3A_139] {strides = array<i32>} : memref<10240xf32, #tpu.memory_space<vmem>>, vector<16xf32>,
        %mul3A_141 = arith.mulf %get3A_140, %get3A_11 : vector<16xf32>
        %add3A_142 = arith.constant 80 : i32
        %add3A_143 = arith.addi %add3A_116, %add3A_142 : i32
        %get3A_144 = arith.index_cast %add3A_143 : i32 to index
        %get3A_145 = tpu.vector_load %arg13[%get3A_144] {strides = array<i32>} : memref<10240xf32, #tpu.memory_space<vmem>>, vector<16xf32>,
        %mul3A_146 = arith.mulf %get3A_145, %get3A_13 : vector<16xf32>
        %add3A_147 = arith.constant 96 : i32
        %add3A_148 = arith.addi %add3A_116, %add3A_147 : i32
        %get3A_149 = arith.index_cast %add3A_148 : i32 to index
        %get3A_150 = tpu.vector_load %arg13[%get3A_149] {strides = array<i32>} : memref<10240xf32, #tpu.memory_space<vmem>>, vector<16xf32>,
        %mul3A_151 = arith.mulf %get3A_150, %get3A_15 : vector<16xf32>
        %add3A_152 = arith.constant 112 : i32
        %add3A_153 = arith.addi %add3A_116, %add3A_152 : i32
        %get3A_154 = arith.index_cast %add3A_153 : i32 to index
        %get3A_155 = tpu.vector_load %arg13[%get3A_154] {strides = array<i32>} : memref<10240xf32, #tpu.memory_space<vmem>>, vector<16xf32>,
        %mul3A_156 = arith.mulf %get3A_155, %get3A_17 : vector<16xf32>
        %add3A_157 = arith.addf %mul3A_121, %mul3A_126 : vector<16xf32>
        %add3A_158 = arith.addf %mul3A_131, %mul3A_136 : vector<16xf32>
        %add3A_159 = arith.addf %mul3A_141, %mul3A_146 : vector<16xf32>
        %add3A_160 = arith.addf %mul3A_151, %mul3A_156 : vector<16xf32>
        %add3A_161 = arith.addf %add3A_157, %add3A_158 : vector<16xf32>
        %add3A_162 = arith.addf %add3A_159, %add3A_160 : vector<16xf32>
        %add3A_163 = arith.addf %add3A_161, %add3A_162 : vector<16xf32>
        %add3A_164 = arith.constant 128 : i32
        %add3A_165 = arith.addi %mul3A_114, %add3A_164 : i32
        %add3A_166 = arith.constant 0 : i32
        %add3A_167 = arith.addi %add3A_165, %add3A_166 : i32
        %get3A_168 = arith.index_cast %add3A_167 : i32 to index
        %get3A_169 = tpu.vector_load %arg13[%get3A_168] {strides = array<i32>} : memref<10240xf32, #tpu.memory_space<vmem>>, vector<16xf32>,
        %mul3A_170 = arith.mulf %get3A_169, %get3A_3 : vector<16xf32>
        %add3A_171 = arith.constant 16 : i32
        %add3A_172 = arith.addi %add3A_165, %add3A_171 : i32
        %get3A_173 = arith.index_cast %add3A_172 : i32 to index
        %get3A_174 = tpu.vector_load %arg13[%get3A_173] {strides = array<i32>} : memref<10240xf32, #tpu.memory_space<vmem>>, vector<16xf32>,
        %mul3A_175 = arith.mulf %get3A_174, %get3A_5 : vector<16xf32>
        %add3A_176 = arith.constant 32 : i32
        %add3A_177 = arith.addi %add3A_165, %add3A_176 : i32
        %get3A_178 = arith.index_cast %add3A_177 : i32 to index
        %get3A_179 = tpu.vector_load %arg13[%get3A_178] {strides = array<i32>} : memref<10240xf32, #tpu.memory_space<vmem>>, vector<16xf32>,
        %mul3A_180 = arith.mulf %get3A_179, %get3A_7 : vector<16xf32>
        %add3A_181 = arith.constant 48 : i32
        %add3A_182 = arith.addi %add3A_165, %add3A_181 : i32
        %get3A_183 = arith.index_cast %add3A_182 : i32 to index
        %get3A_184 = tpu.vector_load %arg13[%get3A_183] {strides = array<i32>} : memref<10240xf32, #tpu.memory_space<vmem>>, vector<16xf32>,
        %mul3A_185 = arith.mulf %get3A_184, %get3A_9 : vector<16xf32>
        %add3A_186 = arith.constant 64 : i32
        %add3A_187 = arith.addi %add3A_165, %add3A_186 : i32
        %get3A_188 = arith.index_cast %add3A_187 : i32 to index
        %get3A_189 = tpu.vector_load %arg13[%get3A_188] {strides = array<i32>} : memref<10240xf32, #tpu.memory_space<vmem>>, vector<16xf32>,
        %mul3A_190 = arith.mulf %get3A_189, %get3A_11 : vector<16xf32>
        %add3A_191 = arith.constant 80 : i32
        %add3A_192 = arith.addi %add3A_165, %add3A_191 : i32
        %get3A_193 = arith.index_cast %add3A_192 : i32 to index
        %get3A_194 = tpu.vector_load %arg13[%get3A_193] {strides = array<i32>} : memref<10240xf32, #tpu.memory_space<vmem>>, vector<16xf32>,
        %mul3A_195 = arith.mulf %get3A_194, %get3A_13 : vector<16xf32>
        %add3A_196 = arith.constant 96 : i32
        %add3A_197 = arith.addi %add3A_165, %add3A_196 : i32
        %get3A_198 = arith.index_cast %add3A_197 : i32 to index
        %get3A_199 = tpu.vector_load %arg13[%get3A_198] {strides = array<i32>} : memref<10240xf32, #tpu.memory_space<vmem>>, vector<16xf32>,
        %mul3A_200 = arith.mulf %get3A_199, %get3A_15 : vector<16xf32>
        %add3A_201 = arith.constant 112 : i32
        %add3A_202 = arith.addi %add3A_165, %add3A_201 : i32
        %get3A_203 = arith.index_cast %add3A_202 : i32 to index
        %get3A_204 = tpu.vector_load %arg13[%get3A_203] {strides = array<i32>} : memref<10240xf32, #tpu.memory_space<vmem>>, vector<16xf32>,
        %mul3A_205 = arith.mulf %get3A_204, %get3A_17 : vector<16xf32>
        %add3A_206 = arith.addf %mul3A_170, %mul3A_175 : vector<16xf32>
        %add3A_207 = arith.addf %mul3A_180, %mul3A_185 : vector<16xf32>
        %add3A_208 = arith.addf %mul3A_190, %mul3A_195 : vector<16xf32>
        %add3A_209 = arith.addf %mul3A_200, %mul3A_205 : vector<16xf32>
        %add3A_210 = arith.addf %add3A_206, %add3A_207 : vector<16xf32>
        %add3A_211 = arith.addf %add3A_208, %add3A_209 : vector<16xf32>
        %add3A_212 = arith.addf %add3A_210, %add3A_211 : vector<16xf32>
        %add3A_213 = arith.constant 256 : i32
        %add3A_214 = arith.addi %mul3A_114, %add3A_213 : i32
        %add3A_215 = arith.constant 0 : i32
        %add3A_216 = arith.addi %add3A_214, %add3A_215 : i32
        %get3A_217 = arith.index_cast %add3A_216 : i32 to index
        %get3A_218 = tpu.vector_load %arg13[%get3A_217] {strides = array<i32>} : memref<10240xf32, #tpu.memory_space<vmem>>, vector<16xf32>,
        %mul3A_219 = arith.mulf %get3A_218, %get3A_3 : vector<16xf32>
        %add3A_220 = arith.constant 16 : i32
        %add3A_221 = arith.addi %add3A_214, %add3A_220 : i32
        %get3A_222 = arith.index_cast %add3A_221 : i32 to index
        %get3A_223 = tpu.vector_load %arg13[%get3A_222] {strides = array<i32>} : memref<10240xf32, #tpu.memory_space<vmem>>, vector<16xf32>,
        %mul3A_224 = arith.mulf %get3A_223, %get3A_5 : vector<16xf32>
        %add3A_225 = arith.constant 32 : i32
        %add3A_226 = arith.addi %add3A_214, %add3A_225 : i32
        %get3A_227 = arith.index_cast %add3A_226 : i32 to index
        %get3A_228 = tpu.vector_load %arg13[%get3A_227] {strides = array<i32>} : memref<10240xf32, #tpu.memory_space<vmem>>, vector<16xf32>,
        %mul3A_229 = arith.mulf %get3A_228, %get3A_7 : vector<16xf32>
        %add3A_230 = arith.constant 48 : i32
        %add3A_231 = arith.addi %add3A_214, %add3A_230 : i32
        %get3A_232 = arith.index_cast %add3A_231 : i32 to index
        %get3A_233 = tpu.vector_load %arg13[%get3A_232] {strides = array<i32>} : memref<10240xf32, #tpu.memory_space<vmem>>, vector<16xf32>,
        %mul3A_234 = arith.mulf %get3A_233, %get3A_9 : vector<16xf32>
        %add3A_235 = arith.constant 64 : i32
        %add3A_236 = arith.addi %add3A_214, %add3A_235 : i32
        %get3A_237 = arith.index_cast %add3A_236 : i32 to index
        %get3A_238 = tpu.vector_load %arg13[%get3A_237] {strides = array<i32>} : memref<10240xf32, #tpu.memory_space<vmem>>, vector<16xf32>,
        %mul3A_239 = arith.mulf %get3A_238, %get3A_11 : vector<16xf32>
        %add3A_240 = arith.constant 80 : i32
        %add3A_241 = arith.addi %add3A_214, %add3A_240 : i32
        %get3A_242 = arith.index_cast %add3A_241 : i32 to index
        %get3A_243 = tpu.vector_load %arg13[%get3A_242] {strides = array<i32>} : memref<10240xf32, #tpu.memory_space<vmem>>, vector<16xf32>,
        %mul3A_244 = arith.mulf %get3A_243, %get3A_13 : vector<16xf32>
        %add3A_245 = arith.constant 96 : i32
        %add3A_246 = arith.addi %add3A_214, %add3A_245 : i32
        %get3A_247 = arith.index_cast %add3A_246 : i32 to index
        %get3A_248 = tpu.vector_load %arg13[%get3A_247] {strides = array<i32>} : memref<10240xf32, #tpu.memory_space<vmem>>, vector<16xf32>,
        %mul3A_249 = arith.mulf %get3A_248, %get3A_15 : vector<16xf32>
        %add3A_250 = arith.constant 112 : i32
        %add3A_251 = arith.addi %add3A_214, %add3A_250 : i32
        %get3A_252 = arith.index_cast %add3A_251 : i32 to index
        %get3A_253 = tpu.vector_load %arg13[%get3A_252] {strides = array<i32>} : memref<10240xf32, #tpu.memory_space<vmem>>, vector<16xf32>,
        %mul3A_254 = arith.mulf %get3A_253, %get3A_17 : vector<16xf32>
        %add3A_255 = arith.addf %mul3A_219, %mul3A_224 : vector<16xf32>
        %add3A_256 = arith.addf %mul3A_229, %mul3A_234 : vector<16xf32>
        %add3A_257 = arith.addf %mul3A_239, %mul3A_244 : vector<16xf32>
        %add3A_258 = arith.addf %mul3A_249, %mul3A_254 : vector<16xf32>
        %add3A_259 = arith.addf %add3A_255, %add3A_256 : vector<16xf32>
        %add3A_260 = arith.addf %add3A_257, %add3A_258 : vector<16xf32>
        %add3A_261 = arith.addf %add3A_259, %add3A_260 : vector<16xf32>
        %add3A_262 = arith.constant 384 : i32
        %add3A_263 = arith.addi %mul3A_114, %add3A_262 : i32
        %add3A_264 = arith.constant 0 : i32
        %add3A_265 = arith.addi %add3A_263, %add3A_264 : i32
        %get3A_266 = arith.index_cast %add3A_265 : i32 to index
        %get3A_267 = tpu.vector_load %arg13[%get3A_266] {strides = array<i32>} : memref<10240xf32, #tpu.memory_space<vmem>>, vector<16xf32>,
        %mul3A_268 = arith.mulf %get3A_267, %get3A_3 : vector<16xf32>
        %add3A_269 = arith.constant 16 : i32
        %add3A_270 = arith.addi %add3A_263, %add3A_269 : i32
        %get3A_271 = arith.index_cast %add3A_270 : i32 to index
        %get3A_272 = tpu.vector_load %arg13[%get3A_271] {strides = array<i32>} : memref<10240xf32, #tpu.memory_space<vmem>>, vector<16xf32>,
        %mul3A_273 = arith.mulf %get3A_272, %get3A_5 : vector<16xf32>
        %add3A_274 = arith.constant 32 : i32
        %add3A_275 = arith.addi %add3A_263, %add3A_274 : i32
        %get3A_276 = arith.index_cast %add3A_275 : i32 to index
        %get3A_277 = tpu.vector_load %arg13[%get3A_276] {strides = array<i32>} : memref<10240xf32, #tpu.memory_space<vmem>>, vector<16xf32>,
        %mul3A_278 = arith.mulf %get3A_277, %get3A_7 : vector<16xf32>
        %add3A_279 = arith.constant 48 : i32
        %add3A_280 = arith.addi %add3A_263, %add3A_279 : i32
        %get3A_281 = arith.index_cast %add3A_280 : i32 to index
        %get3A_282 = tpu.vector_load %arg13[%get3A_281] {strides = array<i32>} : memref<10240xf32, #tpu.memory_space<vmem>>, vector<16xf32>,
        %mul3A_283 = arith.mulf %get3A_282, %get3A_9 : vector<16xf32>
        %add3A_284 = arith.constant 64 : i32
        %add3A_285 = arith.addi %add3A_263, %add3A_284 : i32
        %get3A_286 = arith.index_cast %add3A_285 : i32 to index
        %get3A_287 = tpu.vector_load %arg13[%get3A_286] {strides = array<i32>} : memref<10240xf32, #tpu.memory_space<vmem>>, vector<16xf32>,
        %mul3A_288 = arith.mulf %get3A_287, %get3A_11 : vector<16xf32>
        %add3A_289 = arith.constant 80 : i32
        %add3A_290 = arith.addi %add3A_263, %add3A_289 : i32
        %get3A_291 = arith.index_cast %add3A_290 : i32 to index
        %get3A_292 = tpu.vector_load %arg13[%get3A_291] {strides = array<i32>} : memref<10240xf32, #tpu.memory_space<vmem>>, vector<16xf32>,
        %mul3A_293 = arith.mulf %get3A_292, %get3A_13 : vector<16xf32>
        %add3A_294 = arith.constant 96 : i32
        %add3A_295 = arith.addi %add3A_263, %add3A_294 : i32
        %get3A_296 = arith.index_cast %add3A_295 : i32 to index
        %get3A_297 = tpu.vector_load %arg13[%get3A_296] {strides = array<i32>} : memref<10240xf32, #tpu.memory_space<vmem>>, vector<16xf32>,
        %mul3A_298 = arith.mulf %get3A_297, %get3A_15 : vector<16xf32>
        %add3A_299 = arith.constant 112 : i32
        %add3A_300 = arith.addi %add3A_263, %add3A_299 : i32
        %get3A_301 = arith.index_cast %add3A_300 : i32 to index
        %get3A_302 = tpu.vector_load %arg13[%get3A_301] {strides = array<i32>} : memref<10240xf32, #tpu.memory_space<vmem>>, vector<16xf32>,
        %mul3A_303 = arith.mulf %get3A_302, %get3A_17 : vector<16xf32>
        %add3A_304 = arith.addf %mul3A_268, %mul3A_273 : vector<16xf32>
        %add3A_305 = arith.addf %mul3A_278, %mul3A_283 : vector<16xf32>
        %add3A_306 = arith.addf %mul3A_288, %mul3A_293 : vector<16xf32>
        %add3A_307 = arith.addf %mul3A_298, %mul3A_303 : vector<16xf32>
        %add3A_308 = arith.addf %add3A_304, %add3A_305 : vector<16xf32>
        %add3A_309 = arith.addf %add3A_306, %add3A_307 : vector<16xf32>
        %add3A_310 = arith.addf %add3A_308, %add3A_309 : vector<16xf32>
        %add3A_311 = arith.constant 512 : i32
        %add3A_312 = arith.addi %mul3A_114, %add3A_311 : i32
        %add3A_313 = arith.constant 0 : i32
        %add3A_314 = arith.addi %add3A_312, %add3A_313 : i32
        %get3A_315 = arith.index_cast %add3A_314 : i32 to index
        %get3A_316 = tpu.vector_load %arg13[%get3A_315] {strides = array<i32>} : memref<10240xf32, #tpu.memory_space<vmem>>, vector<16xf32>,
        %mul3A_317 = arith.mulf %get3A_316, %get3A_3 : vector<16xf32>
        %add3A_318 = arith.constant 16 : i32
        %add3A_319 = arith.addi %add3A_312, %add3A_318 : i32
        %get3A_320 = arith.index_cast %add3A_319 : i32 to index
        %get3A_321 = tpu.vector_load %arg13[%get3A_320] {strides = array<i32>} : memref<10240xf32, #tpu.memory_space<vmem>>, vector<16xf32>,
        %mul3A_322 = arith.mulf %get3A_321, %get3A_5 : vector<16xf32>
        %add3A_323 = arith.constant 32 : i32
        %add3A_324 = arith.addi %add3A_312, %add3A_323 : i32
        %get3A_325 = arith.index_cast %add3A_324 : i32 to index
        %get3A_326 = tpu.vector_load %arg13[%get3A_325] {strides = array<i32>} : memref<10240xf32, #tpu.memory_space<vmem>>, vector<16xf32>,
        %mul3A_327 = arith.mulf %get3A_326, %get3A_7 : vector<16xf32>
        %add3A_328 = arith.constant 48 : i32
        %add3A_329 = arith.addi %add3A_312, %add3A_328 : i32
        %get3A_330 = arith.index_cast %add3A_329 : i32 to index
        %get3A_331 = tpu.vector_load %arg13[%get3A_330] {strides = array<i32>} : memref<10240xf32, #tpu.memory_space<vmem>>, vector<16xf32>,
        %mul3A_332 = arith.mulf %get3A_331, %get3A_9 : vector<16xf32>
        %add3A_333 = arith.constant 64 : i32
        %add3A_334 = arith.addi %add3A_312, %add3A_333 : i32
        %get3A_335 = arith.index_cast %add3A_334 : i32 to index
        %get3A_336 = tpu.vector_load %arg13[%get3A_335] {strides = array<i32>} : memref<10240xf32, #tpu.memory_space<vmem>>, vector<16xf32>,
        %mul3A_337 = arith.mulf %get3A_336, %get3A_11 : vector<16xf32>
        %add3A_338 = arith.constant 80 : i32
        %add3A_339 = arith.addi %add3A_312, %add3A_338 : i32
        %get3A_340 = arith.index_cast %add3A_339 : i32 to index
        %get3A_341 = tpu.vector_load %arg13[%get3A_340] {strides = array<i32>} : memref<10240xf32, #tpu.memory_space<vmem>>, vector<16xf32>,
        %mul3A_342 = arith.mulf %get3A_341, %get3A_13 : vector<16xf32>
        %add3A_343 = arith.constant 96 : i32
        %add3A_344 = arith.addi %add3A_312, %add3A_343 : i32
        %get3A_345 = arith.index_cast %add3A_344 : i32 to index
        %get3A_346 = tpu.vector_load %arg13[%get3A_345] {strides = array<i32>} : memref<10240xf32, #tpu.memory_space<vmem>>, vector<16xf32>,
        %mul3A_347 = arith.mulf %get3A_346, %get3A_15 : vector<16xf32>
        %add3A_348 = arith.constant 112 : i32
        %add3A_349 = arith.addi %add3A_312, %add3A_348 : i32
        %get3A_350 = arith.index_cast %add3A_349 : i32 to index
        %get3A_351 = tpu.vector_load %arg13[%get3A_350] {strides = array<i32>} : memref<10240xf32, #tpu.memory_space<vmem>>, vector<16xf32>,
        %mul3A_352 = arith.mulf %get3A_351, %get3A_17 : vector<16xf32>
        %add3A_353 = arith.addf %mul3A_317, %mul3A_322 : vector<16xf32>
        %add3A_354 = arith.addf %mul3A_327, %mul3A_332 : vector<16xf32>
        %add3A_355 = arith.addf %mul3A_337, %mul3A_342 : vector<16xf32>
        %add3A_356 = arith.addf %mul3A_347, %mul3A_352 : vector<16xf32>
        %add3A_357 = arith.addf %add3A_353, %add3A_354 : vector<16xf32>
        %add3A_358 = arith.addf %add3A_355, %add3A_356 : vector<16xf32>
        %add3A_359 = arith.addf %add3A_357, %add3A_358 : vector<16xf32>
        %add3A_360 = arith.constant 640 : i32
        %add3A_361 = arith.addi %mul3A_114, %add3A_360 : i32
        %add3A_362 = arith.constant 0 : i32
        %add3A_363 = arith.addi %add3A_361, %add3A_362 : i32
        %get3A_364 = arith.index_cast %add3A_363 : i32 to index
        %get3A_365 = tpu.vector_load %arg13[%get3A_364] {strides = array<i32>} : memref<10240xf32, #tpu.memory_space<vmem>>, vector<16xf32>,
        %mul3A_366 = arith.mulf %get3A_365, %get3A_3 : vector<16xf32>
        %add3A_367 = arith.constant 16 : i32
        %add3A_368 = arith.addi %add3A_361, %add3A_367 : i32
        %get3A_369 = arith.index_cast %add3A_368 : i32 to index
        %get3A_370 = tpu.vector_load %arg13[%get3A_369] {strides = array<i32>} : memref<10240xf32, #tpu.memory_space<vmem>>, vector<16xf32>,
        %mul3A_371 = arith.mulf %get3A_370, %get3A_5 : vector<16xf32>
        %add3A_372 = arith.constant 32 : i32
        %add3A_373 = arith.addi %add3A_361, %add3A_372 : i32
        %get3A_374 = arith.index_cast %add3A_373 : i32 to index
        %get3A_375 = tpu.vector_load %arg13[%get3A_374] {strides = array<i32>} : memref<10240xf32, #tpu.memory_space<vmem>>, vector<16xf32>,
        %mul3A_376 = arith.mulf %get3A_375, %get3A_7 : vector<16xf32>
        %add3A_377 = arith.constant 48 : i32
        %add3A_378 = arith.addi %add3A_361, %add3A_377 : i32
        %get3A_379 = arith.index_cast %add3A_378 : i32 to index
        %get3A_380 = tpu.vector_load %arg13[%get3A_379] {strides = array<i32>} : memref<10240xf32, #tpu.memory_space<vmem>>, vector<16xf32>,
        %mul3A_381 = arith.mulf %get3A_380, %get3A_9 : vector<16xf32>
        %add3A_382 = arith.constant 64 : i32
        %add3A_383 = arith.addi %add3A_361, %add3A_382 : i32
        %get3A_384 = arith.index_cast %add3A_383 : i32 to index
        %get3A_385 = tpu.vector_load %arg13[%get3A_384] {strides = array<i32>} : memref<10240xf32, #tpu.memory_space<vmem>>, vector<16xf32>,
        %mul3A_386 = arith.mulf %get3A_385, %get3A_11 : vector<16xf32>
        %add3A_387 = arith.constant 80 : i32
        %add3A_388 = arith.addi %add3A_361, %add3A_387 : i32
        %get3A_389 = arith.index_cast %add3A_388 : i32 to index
        %get3A_390 = tpu.vector_load %arg13[%get3A_389] {strides = array<i32>} : memref<10240xf32, #tpu.memory_space<vmem>>, vector<16xf32>,
        %mul3A_391 = arith.mulf %get3A_390, %get3A_13 : vector<16xf32>
        %add3A_392 = arith.constant 96 : i32
        %add3A_393 = arith.addi %add3A_361, %add3A_392 : i32
        %get3A_394 = arith.index_cast %add3A_393 : i32 to index
        %get3A_395 = tpu.vector_load %arg13[%get3A_394] {strides = array<i32>} : memref<10240xf32, #tpu.memory_space<vmem>>, vector<16xf32>,
        %mul3A_396 = arith.mulf %get3A_395, %get3A_15 : vector<16xf32>
        %add3A_397 = arith.constant 112 : i32
        %add3A_398 = arith.addi %add3A_361, %add3A_397 : i32
        %get3A_399 = arith.index_cast %add3A_398 : i32 to index
        %get3A_400 = tpu.vector_load %arg13[%get3A_399] {strides = array<i32>} : memref<10240xf32, #tpu.memory_space<vmem>>, vector<16xf32>,
        %mul3A_401 = arith.mulf %get3A_400, %get3A_17 : vector<16xf32>
        %add3A_402 = arith.addf %mul3A_366, %mul3A_371 : vector<16xf32>
        %add3A_403 = arith.addf %mul3A_376, %mul3A_381 : vector<16xf32>
        %add3A_404 = arith.addf %mul3A_386, %mul3A_391 : vector<16xf32>
        %add3A_405 = arith.addf %mul3A_396, %mul3A_401 : vector<16xf32>
        %add3A_406 = arith.addf %add3A_402, %add3A_403 : vector<16xf32>
        %add3A_407 = arith.addf %add3A_404, %add3A_405 : vector<16xf32>
        %add3A_408 = arith.addf %add3A_406, %add3A_407 : vector<16xf32>
        %add3A_409 = arith.constant 768 : i32
        %add3A_410 = arith.addi %mul3A_114, %add3A_409 : i32
        %add3A_411 = arith.constant 0 : i32
        %add3A_412 = arith.addi %add3A_410, %add3A_411 : i32
        %get3A_413 = arith.index_cast %add3A_412 : i32 to index
        %get3A_414 = tpu.vector_load %arg13[%get3A_413] {strides = array<i32>} : memref<10240xf32, #tpu.memory_space<vmem>>, vector<16xf32>,
        %mul3A_415 = arith.mulf %get3A_414, %get3A_3 : vector<16xf32>
        %add3A_416 = arith.constant 16 : i32
        %add3A_417 = arith.addi %add3A_410, %add3A_416 : i32
        %get3A_418 = arith.index_cast %add3A_417 : i32 to index
        %get3A_419 = tpu.vector_load %arg13[%get3A_418] {strides = array<i32>} : memref<10240xf32, #tpu.memory_space<vmem>>, vector<16xf32>,
        %mul3A_420 = arith.mulf %get3A_419, %get3A_5 : vector<16xf32>
        %add3A_421 = arith.constant 32 : i32
        %add3A_422 = arith.addi %add3A_410, %add3A_421 : i32
        %get3A_423 = arith.index_cast %add3A_422 : i32 to index
        %get3A_424 = tpu.vector_load %arg13[%get3A_423] {strides = array<i32>} : memref<10240xf32, #tpu.memory_space<vmem>>, vector<16xf32>,
        %mul3A_425 = arith.mulf %get3A_424, %get3A_7 : vector<16xf32>
        %add3A_426 = arith.constant 48 : i32
        %add3A_427 = arith.addi %add3A_410, %add3A_426 : i32
        %get3A_428 = arith.index_cast %add3A_427 : i32 to index
        %get3A_429 = tpu.vector_load %arg13[%get3A_428] {strides = array<i32>} : memref<10240xf32, #tpu.memory_space<vmem>>, vector<16xf32>,
        %mul3A_430 = arith.mulf %get3A_429, %get3A_9 : vector<16xf32>
        %add3A_431 = arith.constant 64 : i32
        %add3A_432 = arith.addi %add3A_410, %add3A_431 : i32
        %get3A_433 = arith.index_cast %add3A_432 : i32 to index
        %get3A_434 = tpu.vector_load %arg13[%get3A_433] {strides = array<i32>} : memref<10240xf32, #tpu.memory_space<vmem>>, vector<16xf32>,
        %mul3A_435 = arith.mulf %get3A_434, %get3A_11 : vector<16xf32>
        %add3A_436 = arith.constant 80 : i32
        %add3A_437 = arith.addi %add3A_410, %add3A_436 : i32
        %get3A_438 = arith.index_cast %add3A_437 : i32 to index
        %get3A_439 = tpu.vector_load %arg13[%get3A_438] {strides = array<i32>} : memref<10240xf32, #tpu.memory_space<vmem>>, vector<16xf32>,
        %mul3A_440 = arith.mulf %get3A_439, %get3A_13 : vector<16xf32>
        %add3A_441 = arith.constant 96 : i32
        %add3A_442 = arith.addi %add3A_410, %add3A_441 : i32
        %get3A_443 = arith.index_cast %add3A_442 : i32 to index
        %get3A_444 = tpu.vector_load %arg13[%get3A_443] {strides = array<i32>} : memref<10240xf32, #tpu.memory_space<vmem>>, vector<16xf32>,
        %mul3A_445 = arith.mulf %get3A_444, %get3A_15 : vector<16xf32>
        %add3A_446 = arith.constant 112 : i32
        %add3A_447 = arith.addi %add3A_410, %add3A_446 : i32
        %get3A_448 = arith.index_cast %add3A_447 : i32 to index
        %get3A_449 = tpu.vector_load %arg13[%get3A_448] {strides = array<i32>} : memref<10240xf32, #tpu.memory_space<vmem>>, vector<16xf32>,
        %mul3A_450 = arith.mulf %get3A_449, %get3A_17 : vector<16xf32>
        %add3A_451 = arith.addf %mul3A_415, %mul3A_420 : vector<16xf32>
        %add3A_452 = arith.addf %mul3A_425, %mul3A_430 : vector<16xf32>
        %add3A_453 = arith.addf %mul3A_435, %mul3A_440 : vector<16xf32>
        %add3A_454 = arith.addf %mul3A_445, %mul3A_450 : vector<16xf32>
        %add3A_455 = arith.addf %add3A_451, %add3A_452 : vector<16xf32>
        %add3A_456 = arith.addf %add3A_453, %add3A_454 : vector<16xf32>
        %add3A_457 = arith.addf %add3A_455, %add3A_456 : vector<16xf32>
        %add3A_458 = arith.constant 896 : i32
        %add3A_459 = arith.addi %mul3A_114, %add3A_458 : i32
        %add3A_460 = arith.constant 0 : i32
        %add3A_461 = arith.addi %add3A_459, %add3A_460 : i32
        %get3A_462 = arith.index_cast %add3A_461 : i32 to index
        %get3A_463 = tpu.vector_load %arg13[%get3A_462] {strides = array<i32>} : memref<10240xf32, #tpu.memory_space<vmem>>, vector<16xf32>,
        %mul3A_464 = arith.mulf %get3A_463, %get3A_3 : vector<16xf32>
        %add3A_465 = arith.constant 16 : i32
        %add3A_466 = arith.addi %add3A_459, %add3A_465 : i32
        %get3A_467 = arith.index_cast %add3A_466 : i32 to index
        %get3A_468 = tpu.vector_load %arg13[%get3A_467] {strides = array<i32>} : memref<10240xf32, #tpu.memory_space<vmem>>, vector<16xf32>,
        %mul3A_469 = arith.mulf %get3A_468, %get3A_5 : vector<16xf32>
        %add3A_470 = arith.constant 32 : i32
        %add3A_471 = arith.addi %add3A_459, %add3A_470 : i32
        %get3A_472 = arith.index_cast %add3A_471 : i32 to index
        %get3A_473 = tpu.vector_load %arg13[%get3A_472] {strides = array<i32>} : memref<10240xf32, #tpu.memory_space<vmem>>, vector<16xf32>,
        %mul3A_474 = arith.mulf %get3A_473, %get3A_7 : vector<16xf32>
        %add3A_475 = arith.constant 48 : i32
        %add3A_476 = arith.addi %add3A_459, %add3A_475 : i32
        %get3A_477 = arith.index_cast %add3A_476 : i32 to index
        %get3A_478 = tpu.vector_load %arg13[%get3A_477] {strides = array<i32>} : memref<10240xf32, #tpu.memory_space<vmem>>, vector<16xf32>,
        %mul3A_479 = arith.mulf %get3A_478, %get3A_9 : vector<16xf32>
        %add3A_480 = arith.constant 64 : i32
        %add3A_481 = arith.addi %add3A_459, %add3A_480 : i32
        %get3A_482 = arith.index_cast %add3A_481 : i32 to index
        %get3A_483 = tpu.vector_load %arg13[%get3A_482] {strides = array<i32>} : memref<10240xf32, #tpu.memory_space<vmem>>, vector<16xf32>,
        %mul3A_484 = arith.mulf %get3A_483, %get3A_11 : vector<16xf32>
        %add3A_485 = arith.constant 80 : i32
        %add3A_486 = arith.addi %add3A_459, %add3A_485 : i32
        %get3A_487 = arith.index_cast %add3A_486 : i32 to index
        %get3A_488 = tpu.vector_load %arg13[%get3A_487] {strides = array<i32>} : memref<10240xf32, #tpu.memory_space<vmem>>, vector<16xf32>,
        %mul3A_489 = arith.mulf %get3A_488, %get3A_13 : vector<16xf32>
        %add3A_490 = arith.constant 96 : i32
        %add3A_491 = arith.addi %add3A_459, %add3A_490 : i32
        %get3A_492 = arith.index_cast %add3A_491 : i32 to index
        %get3A_493 = tpu.vector_load %arg13[%get3A_492] {strides = array<i32>} : memref<10240xf32, #tpu.memory_space<vmem>>, vector<16xf32>,
        %mul3A_494 = arith.mulf %get3A_493, %get3A_15 : vector<16xf32>
        %add3A_495 = arith.constant 112 : i32
        %add3A_496 = arith.addi %add3A_459, %add3A_495 : i32
        %get3A_497 = arith.index_cast %add3A_496 : i32 to index
        %get3A_498 = tpu.vector_load %arg13[%get3A_497] {strides = array<i32>} : memref<10240xf32, #tpu.memory_space<vmem>>, vector<16xf32>,
        %mul3A_499 = arith.mulf %get3A_498, %get3A_17 : vector<16xf32>
        %add3A_500 = arith.addf %mul3A_464, %mul3A_469 : vector<16xf32>
        %add3A_501 = arith.addf %mul3A_474, %mul3A_479 : vector<16xf32>
        %add3A_502 = arith.addf %mul3A_484, %mul3A_489 : vector<16xf32>
        %add3A_503 = arith.addf %mul3A_494, %mul3A_499 : vector<16xf32>
        %add3A_504 = arith.addf %add3A_500, %add3A_501 : vector<16xf32>
        %add3A_505 = arith.addf %add3A_502, %add3A_503 : vector<16xf32>
        %add3A_506 = arith.addf %add3A_504, %add3A_505 : vector<16xf32>
        %add3A_507 = arith.constant 1024 : i32
        %add3A_508 = arith.addi %mul3A_114, %add3A_507 : i32
        %add3A_509 = arith.constant 0 : i32
        %add3A_510 = arith.addi %add3A_508, %add3A_509 : i32
        %get3A_511 = arith.index_cast %add3A_510 : i32 to index
        %get3A_512 = tpu.vector_load %arg13[%get3A_511] {strides = array<i32>} : memref<10240xf32, #tpu.memory_space<vmem>>, vector<16xf32>,
        %mul3A_513 = arith.mulf %get3A_512, %get3A_3 : vector<16xf32>
        %add3A_514 = arith.constant 16 : i32
        %add3A_515 = arith.addi %add3A_508, %add3A_514 : i32
        %get3A_516 = arith.index_cast %add3A_515 : i32 to index
        %get3A_517 = tpu.vector_load %arg13[%get3A_516] {strides = array<i32>} : memref<10240xf32, #tpu.memory_space<vmem>>, vector<16xf32>,
        %mul3A_518 = arith.mulf %get3A_517, %get3A_5 : vector<16xf32>
        %add3A_519 = arith.constant 32 : i32
        %add3A_520 = arith.addi %add3A_508, %add3A_519 : i32
        %get3A_521 = arith.index_cast %add3A_520 : i32 to index
        %get3A_522 = tpu.vector_load %arg13[%get3A_521] {strides = array<i32>} : memref<10240xf32, #tpu.memory_space<vmem>>, vector<16xf32>,
        %mul3A_523 = arith.mulf %get3A_522, %get3A_7 : vector<16xf32>
        %add3A_524 = arith.constant 48 : i32
        %add3A_525 = arith.addi %add3A_508, %add3A_524 : i32
        %get3A_526 = arith.index_cast %add3A_525 : i32 to index
        %get3A_527 = tpu.vector_load %arg13[%get3A_526] {strides = array<i32>} : memref<10240xf32, #tpu.memory_space<vmem>>, vector<16xf32>,
        %mul3A_528 = arith.mulf %get3A_527, %get3A_9 : vector<16xf32>
        %add3A_529 = arith.constant 64 : i32
        %add3A_530 = arith.addi %add3A_508, %add3A_529 : i32
        %get3A_531 = arith.index_cast %add3A_530 : i32 to index
        %get3A_532 = tpu.vector_load %arg13[%get3A_531] {strides = array<i32>} : memref<10240xf32, #tpu.memory_space<vmem>>, vector<16xf32>,
        %mul3A_533 = arith.mulf %get3A_532, %get3A_11 : vector<16xf32>
        %add3A_534 = arith.constant 80 : i32
        %add3A_535 = arith.addi %add3A_508, %add3A_534 : i32
        %get3A_536 = arith.index_cast %add3A_535 : i32 to index
        %get3A_537 = tpu.vector_load %arg13[%get3A_536] {strides = array<i32>} : memref<10240xf32, #tpu.memory_space<vmem>>, vector<16xf32>,
        %mul3A_538 = arith.mulf %get3A_537, %get3A_13 : vector<16xf32>
        %add3A_539 = arith.constant 96 : i32
        %add3A_540 = arith.addi %add3A_508, %add3A_539 : i32
        %get3A_541 = arith.index_cast %add3A_540 : i32 to index
        %get3A_542 = tpu.vector_load %arg13[%get3A_541] {strides = array<i32>} : memref<10240xf32, #tpu.memory_space<vmem>>, vector<16xf32>,
        %mul3A_543 = arith.mulf %get3A_542, %get3A_15 : vector<16xf32>
        %add3A_544 = arith.constant 112 : i32
        %add3A_545 = arith.addi %add3A_508, %add3A_544 : i32
        %get3A_546 = arith.index_cast %add3A_545 : i32 to index
        %get3A_547 = tpu.vector_load %arg13[%get3A_546] {strides = array<i32>} : memref<10240xf32, #tpu.memory_space<vmem>>, vector<16xf32>,
        %mul3A_548 = arith.mulf %get3A_547, %get3A_17 : vector<16xf32>
        %add3A_549 = arith.addf %mul3A_513, %mul3A_518 : vector<16xf32>
        %add3A_550 = arith.addf %mul3A_523, %mul3A_528 : vector<16xf32>
        %add3A_551 = arith.addf %mul3A_533, %mul3A_538 : vector<16xf32>
        %add3A_552 = arith.addf %mul3A_543, %mul3A_548 : vector<16xf32>
        %add3A_553 = arith.addf %add3A_549, %add3A_550 : vector<16xf32>
        %add3A_554 = arith.addf %add3A_551, %add3A_552 : vector<16xf32>
        %add3A_555 = arith.addf %add3A_553, %add3A_554 : vector<16xf32>
        %add3A_556 = arith.constant 1152 : i32
        %add3A_557 = arith.addi %mul3A_114, %add3A_556 : i32
        %add3A_558 = arith.constant 0 : i32
        %add3A_559 = arith.addi %add3A_557, %add3A_558 : i32
        %get3A_560 = arith.index_cast %add3A_559 : i32 to index
        %get3A_561 = tpu.vector_load %arg13[%get3A_560] {strides = array<i32>} : memref<10240xf32, #tpu.memory_space<vmem>>, vector<16xf32>,
        %mul3A_562 = arith.mulf %get3A_561, %get3A_3 : vector<16xf32>
        %add3A_563 = arith.constant 16 : i32
        %add3A_564 = arith.addi %add3A_557, %add3A_563 : i32
        %get3A_565 = arith.index_cast %add3A_564 : i32 to index
        %get3A_566 = tpu.vector_load %arg13[%get3A_565] {strides = array<i32>} : memref<10240xf32, #tpu.memory_space<vmem>>, vector<16xf32>,
        %mul3A_567 = arith.mulf %get3A_566, %get3A_5 : vector<16xf32>
        %add3A_568 = arith.constant 32 : i32
        %add3A_569 = arith.addi %add3A_557, %add3A_568 : i32
        %get3A_570 = arith.index_cast %add3A_569 : i32 to index
        %get3A_571 = tpu.vector_load %arg13[%get3A_570] {strides = array<i32>} : memref<10240xf32, #tpu.memory_space<vmem>>, vector<16xf32>,
        %mul3A_572 = arith.mulf %get3A_571, %get3A_7 : vector<16xf32>
        %add3A_573 = arith.constant 48 : i32
        %add3A_574 = arith.addi %add3A_557, %add3A_573 : i32
        %get3A_575 = arith.index_cast %add3A_574 : i32 to index
        %get3A_576 = tpu.vector_load %arg13[%get3A_575] {strides = array<i32>} : memref<10240xf32, #tpu.memory_space<vmem>>, vector<16xf32>,
        %mul3A_577 = arith.mulf %get3A_576, %get3A_9 : vector<16xf32>
        %add3A_578 = arith.constant 64 : i32
        %add3A_579 = arith.addi %add3A_557, %add3A_578 : i32
        %get3A_580 = arith.index_cast %add3A_579 : i32 to index
        %get3A_581 = tpu.vector_load %arg13[%get3A_580] {strides = array<i32>} : memref<10240xf32, #tpu.memory_space<vmem>>, vector<16xf32>,
        %mul3A_582 = arith.mulf %get3A_581, %get3A_11 : vector<16xf32>
        %add3A_583 = arith.constant 80 : i32
        %add3A_584 = arith.addi %add3A_557, %add3A_583 : i32
        %get3A_585 = arith.index_cast %add3A_584 : i32 to index
        %get3A_586 = tpu.vector_load %arg13[%get3A_585] {strides = array<i32>} : memref<10240xf32, #tpu.memory_space<vmem>>, vector<16xf32>,
        %mul3A_587 = arith.mulf %get3A_586, %get3A_13 : vector<16xf32>
        %add3A_588 = arith.constant 96 : i32
        %add3A_589 = arith.addi %add3A_557, %add3A_588 : i32
        %get3A_590 = arith.index_cast %add3A_589 : i32 to index
        %get3A_591 = tpu.vector_load %arg13[%get3A_590] {strides = array<i32>} : memref<10240xf32, #tpu.memory_space<vmem>>, vector<16xf32>,
        %mul3A_592 = arith.mulf %get3A_591, %get3A_15 : vector<16xf32>
        %add3A_593 = arith.constant 112 : i32
        %add3A_594 = arith.addi %add3A_557, %add3A_593 : i32
        %get3A_595 = arith.index_cast %add3A_594 : i32 to index
        %get3A_596 = tpu.vector_load %arg13[%get3A_595] {strides = array<i32>} : memref<10240xf32, #tpu.memory_space<vmem>>, vector<16xf32>,
        %mul3A_597 = arith.mulf %get3A_596, %get3A_17 : vector<16xf32>
        %add3A_598 = arith.addf %mul3A_562, %mul3A_567 : vector<16xf32>
        %add3A_599 = arith.addf %mul3A_572, %mul3A_577 : vector<16xf32>
        %add3A_600 = arith.addf %mul3A_582, %mul3A_587 : vector<16xf32>
        %add3A_601 = arith.addf %mul3A_592, %mul3A_597 : vector<16xf32>
        %add3A_602 = arith.addf %add3A_598, %add3A_599 : vector<16xf32>
        %add3A_603 = arith.addf %add3A_600, %add3A_601 : vector<16xf32>
        %add3A_604 = arith.addf %add3A_602, %add3A_603 : vector<16xf32>
        %add3A_605 = arith.constant 1280 : i32
        %add3A_606 = arith.addi %mul3A_114, %add3A_605 : i32
        %add3A_607 = arith.constant 0 : i32
        %add3A_608 = arith.addi %add3A_606, %add3A_607 : i32
        %get3A_609 = arith.index_cast %add3A_608 : i32 to index
        %get3A_610 = tpu.vector_load %arg13[%get3A_609] {strides = array<i32>} : memref<10240xf32, #tpu.memory_space<vmem>>, vector<16xf32>,
        %mul3A_611 = arith.mulf %get3A_610, %get3A_3 : vector<16xf32>
        %add3A_612 = arith.constant 16 : i32
        %add3A_613 = arith.addi %add3A_606, %add3A_612 : i32
        %get3A_614 = arith.index_cast %add3A_613 : i32 to index
        %get3A_615 = tpu.vector_load %arg13[%get3A_614] {strides = array<i32>} : memref<10240xf32, #tpu.memory_space<vmem>>, vector<16xf32>,
        %mul3A_616 = arith.mulf %get3A_615, %get3A_5 : vector<16xf32>
        %add3A_617 = arith.constant 32 : i32
        %add3A_618 = arith.addi %add3A_606, %add3A_617 : i32
        %get3A_619 = arith.index_cast %add3A_618 : i32 to index
        %get3A_620 = tpu.vector_load %arg13[%get3A_619] {strides = array<i32>} : memref<10240xf32, #tpu.memory_space<vmem>>, vector<16xf32>,
        %mul3A_621 = arith.mulf %get3A_620, %get3A_7 : vector<16xf32>
        %add3A_622 = arith.constant 48 : i32
        %add3A_623 = arith.addi %add3A_606, %add3A_622 : i32
        %get3A_624 = arith.index_cast %add3A_623 : i32 to index
        %get3A_625 = tpu.vector_load %arg13[%get3A_624] {strides = array<i32>} : memref<10240xf32, #tpu.memory_space<vmem>>, vector<16xf32>,
        %mul3A_626 = arith.mulf %get3A_625, %get3A_9 : vector<16xf32>
        %add3A_627 = arith.constant 64 : i32
        %add3A_628 = arith.addi %add3A_606, %add3A_627 : i32
        %get3A_629 = arith.index_cast %add3A_628 : i32 to index
        %get3A_630 = tpu.vector_load %arg13[%get3A_629] {strides = array<i32>} : memref<10240xf32, #tpu.memory_space<vmem>>, vector<16xf32>,
        %mul3A_631 = arith.mulf %get3A_630, %get3A_11 : vector<16xf32>
        %add3A_632 = arith.constant 80 : i32
        %add3A_633 = arith.addi %add3A_606, %add3A_632 : i32
        %get3A_634 = arith.index_cast %add3A_633 : i32 to index
        %get3A_635 = tpu.vector_load %arg13[%get3A_634] {strides = array<i32>} : memref<10240xf32, #tpu.memory_space<vmem>>, vector<16xf32>,
        %mul3A_636 = arith.mulf %get3A_635, %get3A_13 : vector<16xf32>
        %add3A_637 = arith.constant 96 : i32
        %add3A_638 = arith.addi %add3A_606, %add3A_637 : i32
        %get3A_639 = arith.index_cast %add3A_638 : i32 to index
        %get3A_640 = tpu.vector_load %arg13[%get3A_639] {strides = array<i32>} : memref<10240xf32, #tpu.memory_space<vmem>>, vector<16xf32>,
        %mul3A_641 = arith.mulf %get3A_640, %get3A_15 : vector<16xf32>
        %add3A_642 = arith.constant 112 : i32
        %add3A_643 = arith.addi %add3A_606, %add3A_642 : i32
        %get3A_644 = arith.index_cast %add3A_643 : i32 to index
        %get3A_645 = tpu.vector_load %arg13[%get3A_644] {strides = array<i32>} : memref<10240xf32, #tpu.memory_space<vmem>>, vector<16xf32>,
        %mul3A_646 = arith.mulf %get3A_645, %get3A_17 : vector<16xf32>
        %add3A_647 = arith.addf %mul3A_611, %mul3A_616 : vector<16xf32>
        %add3A_648 = arith.addf %mul3A_621, %mul3A_626 : vector<16xf32>
        %add3A_649 = arith.addf %mul3A_631, %mul3A_636 : vector<16xf32>
        %add3A_650 = arith.addf %mul3A_641, %mul3A_646 : vector<16xf32>
        %add3A_651 = arith.addf %add3A_647, %add3A_648 : vector<16xf32>
        %add3A_652 = arith.addf %add3A_649, %add3A_650 : vector<16xf32>
        %add3A_653 = arith.addf %add3A_651, %add3A_652 : vector<16xf32>
        %add3A_654 = arith.constant 1408 : i32
        %add3A_655 = arith.addi %mul3A_114, %add3A_654 : i32
        %add3A_656 = arith.constant 0 : i32
        %add3A_657 = arith.addi %add3A_655, %add3A_656 : i32
        %get3A_658 = arith.index_cast %add3A_657 : i32 to index
        %get3A_659 = tpu.vector_load %arg13[%get3A_658] {strides = array<i32>} : memref<10240xf32, #tpu.memory_space<vmem>>, vector<16xf32>,
        %mul3A_660 = arith.mulf %get3A_659, %get3A_3 : vector<16xf32>
        %add3A_661 = arith.constant 16 : i32
        %add3A_662 = arith.addi %add3A_655, %add3A_661 : i32
        %get3A_663 = arith.index_cast %add3A_662 : i32 to index
        %get3A_664 = tpu.vector_load %arg13[%get3A_663] {strides = array<i32>} : memref<10240xf32, #tpu.memory_space<vmem>>, vector<16xf32>,
        %mul3A_665 = arith.mulf %get3A_664, %get3A_5 : vector<16xf32>
        %add3A_666 = arith.constant 32 : i32
        %add3A_667 = arith.addi %add3A_655, %add3A_666 : i32
        %get3A_668 = arith.index_cast %add3A_667 : i32 to index
        %get3A_669 = tpu.vector_load %arg13[%get3A_668] {strides = array<i32>} : memref<10240xf32, #tpu.memory_space<vmem>>, vector<16xf32>,
        %mul3A_670 = arith.mulf %get3A_669, %get3A_7 : vector<16xf32>
        %add3A_671 = arith.constant 48 : i32
        %add3A_672 = arith.addi %add3A_655, %add3A_671 : i32
        %get3A_673 = arith.index_cast %add3A_672 : i32 to index
        %get3A_674 = tpu.vector_load %arg13[%get3A_673] {strides = array<i32>} : memref<10240xf32, #tpu.memory_space<vmem>>, vector<16xf32>,
        %mul3A_675 = arith.mulf %get3A_674, %get3A_9 : vector<16xf32>
        %add3A_676 = arith.constant 64 : i32
        %add3A_677 = arith.addi %add3A_655, %add3A_676 : i32
        %get3A_678 = arith.index_cast %add3A_677 : i32 to index
        %get3A_679 = tpu.vector_load %arg13[%get3A_678] {strides = array<i32>} : memref<10240xf32, #tpu.memory_space<vmem>>, vector<16xf32>,
        %mul3A_680 = arith.mulf %get3A_679, %get3A_11 : vector<16xf32>
        %add3A_681 = arith.constant 80 : i32
        %add3A_682 = arith.addi %add3A_655, %add3A_681 : i32
        %get3A_683 = arith.index_cast %add3A_682 : i32 to index
        %get3A_684 = tpu.vector_load %arg13[%get3A_683] {strides = array<i32>} : memref<10240xf32, #tpu.memory_space<vmem>>, vector<16xf32>,
        %mul3A_685 = arith.mulf %get3A_684, %get3A_13 : vector<16xf32>
        %add3A_686 = arith.constant 96 : i32
        %add3A_687 = arith.addi %add3A_655, %add3A_686 : i32
        %get3A_688 = arith.index_cast %add3A_687 : i32 to index
        %get3A_689 = tpu.vector_load %arg13[%get3A_688] {strides = array<i32>} : memref<10240xf32, #tpu.memory_space<vmem>>, vector<16xf32>,
        %mul3A_690 = arith.mulf %get3A_689, %get3A_15 : vector<16xf32>
        %add3A_691 = arith.constant 112 : i32
        %add3A_692 = arith.addi %add3A_655, %add3A_691 : i32
        %get3A_693 = arith.index_cast %add3A_692 : i32 to index
        %get3A_694 = tpu.vector_load %arg13[%get3A_693] {strides = array<i32>} : memref<10240xf32, #tpu.memory_space<vmem>>, vector<16xf32>,
        %mul3A_695 = arith.mulf %get3A_694, %get3A_17 : vector<16xf32>
        %add3A_696 = arith.addf %mul3A_660, %mul3A_665 : vector<16xf32>
        %add3A_697 = arith.addf %mul3A_670, %mul3A_675 : vector<16xf32>
        %add3A_698 = arith.addf %mul3A_680, %mul3A_685 : vector<16xf32>
        %add3A_699 = arith.addf %mul3A_690, %mul3A_695 : vector<16xf32>
        %add3A_700 = arith.addf %add3A_696, %add3A_697 : vector<16xf32>
        %add3A_701 = arith.addf %add3A_698, %add3A_699 : vector<16xf32>
        %add3A_702 = arith.addf %add3A_700, %add3A_701 : vector<16xf32>
        %add3A_703 = arith.constant 1536 : i32
        %add3A_704 = arith.addi %mul3A_114, %add3A_703 : i32
        %add3A_705 = arith.constant 0 : i32
        %add3A_706 = arith.addi %add3A_704, %add3A_705 : i32
        %get3A_707 = arith.index_cast %add3A_706 : i32 to index
        %get3A_708 = tpu.vector_load %arg13[%get3A_707] {strides = array<i32>} : memref<10240xf32, #tpu.memory_space<vmem>>, vector<16xf32>,
        %mul3A_709 = arith.mulf %get3A_708, %get3A_3 : vector<16xf32>
        %add3A_710 = arith.constant 16 : i32
        %add3A_711 = arith.addi %add3A_704, %add3A_710 : i32
        %get3A_712 = arith.index_cast %add3A_711 : i32 to index
        %get3A_713 = tpu.vector_load %arg13[%get3A_712] {strides = array<i32>} : memref<10240xf32, #tpu.memory_space<vmem>>, vector<16xf32>,
        %mul3A_714 = arith.mulf %get3A_713, %get3A_5 : vector<16xf32>
        %add3A_715 = arith.constant 32 : i32
        %add3A_716 = arith.addi %add3A_704, %add3A_715 : i32
        %get3A_717 = arith.index_cast %add3A_716 : i32 to index
        %get3A_718 = tpu.vector_load %arg13[%get3A_717] {strides = array<i32>} : memref<10240xf32, #tpu.memory_space<vmem>>, vector<16xf32>,
        %mul3A_719 = arith.mulf %get3A_718, %get3A_7 : vector<16xf32>
        %add3A_720 = arith.constant 48 : i32
        %add3A_721 = arith.addi %add3A_704, %add3A_720 : i32
        %get3A_722 = arith.index_cast %add3A_721 : i32 to index
        %get3A_723 = tpu.vector_load %arg13[%get3A_722] {strides = array<i32>} : memref<10240xf32, #tpu.memory_space<vmem>>, vector<16xf32>,
        %mul3A_724 = arith.mulf %get3A_723, %get3A_9 : vector<16xf32>
        %add3A_725 = arith.constant 64 : i32
        %add3A_726 = arith.addi %add3A_704, %add3A_725 : i32
        %get3A_727 = arith.index_cast %add3A_726 : i32 to index
        %get3A_728 = tpu.vector_load %arg13[%get3A_727] {strides = array<i32>} : memref<10240xf32, #tpu.memory_space<vmem>>, vector<16xf32>,
        %mul3A_729 = arith.mulf %get3A_728, %get3A_11 : vector<16xf32>
        %add3A_730 = arith.constant 80 : i32
        %add3A_731 = arith.addi %add3A_704, %add3A_730 : i32
        %get3A_732 = arith.index_cast %add3A_731 : i32 to index
        %get3A_733 = tpu.vector_load %arg13[%get3A_732] {strides = array<i32>} : memref<10240xf32, #tpu.memory_space<vmem>>, vector<16xf32>,
        %mul3A_734 = arith.mulf %get3A_733, %get3A_13 : vector<16xf32>
        %add3A_735 = arith.constant 96 : i32
        %add3A_736 = arith.addi %add3A_704, %add3A_735 : i32
        %get3A_737 = arith.index_cast %add3A_736 : i32 to index
        %get3A_738 = tpu.vector_load %arg13[%get3A_737] {strides = array<i32>} : memref<10240xf32, #tpu.memory_space<vmem>>, vector<16xf32>,
        %mul3A_739 = arith.mulf %get3A_738, %get3A_15 : vector<16xf32>
        %add3A_740 = arith.constant 112 : i32
        %add3A_741 = arith.addi %add3A_704, %add3A_740 : i32
        %get3A_742 = arith.index_cast %add3A_741 : i32 to index
        %get3A_743 = tpu.vector_load %arg13[%get3A_742] {strides = array<i32>} : memref<10240xf32, #tpu.memory_space<vmem>>, vector<16xf32>,
        %mul3A_744 = arith.mulf %get3A_743, %get3A_17 : vector<16xf32>
        %add3A_745 = arith.addf %mul3A_709, %mul3A_714 : vector<16xf32>
        %add3A_746 = arith.addf %mul3A_719, %mul3A_724 : vector<16xf32>
        %add3A_747 = arith.addf %mul3A_729, %mul3A_734 : vector<16xf32>
        %add3A_748 = arith.addf %mul3A_739, %mul3A_744 : vector<16xf32>
        %add3A_749 = arith.addf %add3A_745, %add3A_746 : vector<16xf32>
        %add3A_750 = arith.addf %add3A_747, %add3A_748 : vector<16xf32>
        %add3A_751 = arith.addf %add3A_749, %add3A_750 : vector<16xf32>
        %add3A_752 = arith.constant 1664 : i32
        %add3A_753 = arith.addi %mul3A_114, %add3A_752 : i32
        %add3A_754 = arith.constant 0 : i32
        %add3A_755 = arith.addi %add3A_753, %add3A_754 : i32
        %get3A_756 = arith.index_cast %add3A_755 : i32 to index
        %get3A_757 = tpu.vector_load %arg13[%get3A_756] {strides = array<i32>} : memref<10240xf32, #tpu.memory_space<vmem>>, vector<16xf32>,
        %mul3A_758 = arith.mulf %get3A_757, %get3A_3 : vector<16xf32>
        %add3A_759 = arith.constant 16 : i32
        %add3A_760 = arith.addi %add3A_753, %add3A_759 : i32
        %get3A_761 = arith.index_cast %add3A_760 : i32 to index
        %get3A_762 = tpu.vector_load %arg13[%get3A_761] {strides = array<i32>} : memref<10240xf32, #tpu.memory_space<vmem>>, vector<16xf32>,
        %mul3A_763 = arith.mulf %get3A_762, %get3A_5 : vector<16xf32>
        %add3A_764 = arith.constant 32 : i32
        %add3A_765 = arith.addi %add3A_753, %add3A_764 : i32
        %get3A_766 = arith.index_cast %add3A_765 : i32 to index
        %get3A_767 = tpu.vector_load %arg13[%get3A_766] {strides = array<i32>} : memref<10240xf32, #tpu.memory_space<vmem>>, vector<16xf32>,
        %mul3A_768 = arith.mulf %get3A_767, %get3A_7 : vector<16xf32>
        %add3A_769 = arith.constant 48 : i32
        %add3A_770 = arith.addi %add3A_753, %add3A_769 : i32
        %get3A_771 = arith.index_cast %add3A_770 : i32 to index
        %get3A_772 = tpu.vector_load %arg13[%get3A_771] {strides = array<i32>} : memref<10240xf32, #tpu.memory_space<vmem>>, vector<16xf32>,
        %mul3A_773 = arith.mulf %get3A_772, %get3A_9 : vector<16xf32>
        %add3A_774 = arith.constant 64 : i32
        %add3A_775 = arith.addi %add3A_753, %add3A_774 : i32
        %get3A_776 = arith.index_cast %add3A_775 : i32 to index
        %get3A_777 = tpu.vector_load %arg13[%get3A_776] {strides = array<i32>} : memref<10240xf32, #tpu.memory_space<vmem>>, vector<16xf32>,
        %mul3A_778 = arith.mulf %get3A_777, %get3A_11 : vector<16xf32>
        %add3A_779 = arith.constant 80 : i32
        %add3A_780 = arith.addi %add3A_753, %add3A_779 : i32
        %get3A_781 = arith.index_cast %add3A_780 : i32 to index
        %get3A_782 = tpu.vector_load %arg13[%get3A_781] {strides = array<i32>} : memref<10240xf32, #tpu.memory_space<vmem>>, vector<16xf32>,
        %mul3A_783 = arith.mulf %get3A_782, %get3A_13 : vector<16xf32>
        %add3A_784 = arith.constant 96 : i32
        %add3A_785 = arith.addi %add3A_753, %add3A_784 : i32
        %get3A_786 = arith.index_cast %add3A_785 : i32 to index
        %get3A_787 = tpu.vector_load %arg13[%get3A_786] {strides = array<i32>} : memref<10240xf32, #tpu.memory_space<vmem>>, vector<16xf32>,
        %mul3A_788 = arith.mulf %get3A_787, %get3A_15 : vector<16xf32>
        %add3A_789 = arith.constant 112 : i32
        %add3A_790 = arith.addi %add3A_753, %add3A_789 : i32
        %get3A_791 = arith.index_cast %add3A_790 : i32 to index
        %get3A_792 = tpu.vector_load %arg13[%get3A_791] {strides = array<i32>} : memref<10240xf32, #tpu.memory_space<vmem>>, vector<16xf32>,
        %mul3A_793 = arith.mulf %get3A_792, %get3A_17 : vector<16xf32>
        %add3A_794 = arith.addf %mul3A_758, %mul3A_763 : vector<16xf32>
        %add3A_795 = arith.addf %mul3A_768, %mul3A_773 : vector<16xf32>
        %add3A_796 = arith.addf %mul3A_778, %mul3A_783 : vector<16xf32>
        %add3A_797 = arith.addf %mul3A_788, %mul3A_793 : vector<16xf32>
        %add3A_798 = arith.addf %add3A_794, %add3A_795 : vector<16xf32>
        %add3A_799 = arith.addf %add3A_796, %add3A_797 : vector<16xf32>
        %add3A_800 = arith.addf %add3A_798, %add3A_799 : vector<16xf32>
        %add3A_801 = arith.constant 1792 : i32
        %add3A_802 = arith.addi %mul3A_114, %add3A_801 : i32
        %add3A_803 = arith.constant 0 : i32
        %add3A_804 = arith.addi %add3A_802, %add3A_803 : i32
        %get3A_805 = arith.index_cast %add3A_804 : i32 to index
        %get3A_806 = tpu.vector_load %arg13[%get3A_805] {strides = array<i32>} : memref<10240xf32, #tpu.memory_space<vmem>>, vector<16xf32>,
        %mul3A_807 = arith.mulf %get3A_806, %get3A_3 : vector<16xf32>
        %add3A_808 = arith.constant 16 : i32
        %add3A_809 = arith.addi %add3A_802, %add3A_808 : i32
        %get3A_810 = arith.index_cast %add3A_809 : i32 to index
        %get3A_811 = tpu.vector_load %arg13[%get3A_810] {strides = array<i32>} : memref<10240xf32, #tpu.memory_space<vmem>>, vector<16xf32>,
        %mul3A_812 = arith.mulf %get3A_811, %get3A_5 : vector<16xf32>
        %add3A_813 = arith.constant 32 : i32
        %add3A_814 = arith.addi %add3A_802, %add3A_813 : i32
        %get3A_815 = arith.index_cast %add3A_814 : i32 to index
        %get3A_816 = tpu.vector_load %arg13[%get3A_815] {strides = array<i32>} : memref<10240xf32, #tpu.memory_space<vmem>>, vector<16xf32>,
        %mul3A_817 = arith.mulf %get3A_816, %get3A_7 : vector<16xf32>
        %add3A_818 = arith.constant 48 : i32
        %add3A_819 = arith.addi %add3A_802, %add3A_818 : i32
        %get3A_820 = arith.index_cast %add3A_819 : i32 to index
        %get3A_821 = tpu.vector_load %arg13[%get3A_820] {strides = array<i32>} : memref<10240xf32, #tpu.memory_space<vmem>>, vector<16xf32>,
        %mul3A_822 = arith.mulf %get3A_821, %get3A_9 : vector<16xf32>
        %add3A_823 = arith.constant 64 : i32
        %add3A_824 = arith.addi %add3A_802, %add3A_823 : i32
        %get3A_825 = arith.index_cast %add3A_824 : i32 to index
        %get3A_826 = tpu.vector_load %arg13[%get3A_825] {strides = array<i32>} : memref<10240xf32, #tpu.memory_space<vmem>>, vector<16xf32>,
        %mul3A_827 = arith.mulf %get3A_826, %get3A_11 : vector<16xf32>
        %add3A_828 = arith.constant 80 : i32
        %add3A_829 = arith.addi %add3A_802, %add3A_828 : i32
        %get3A_830 = arith.index_cast %add3A_829 : i32 to index
        %get3A_831 = tpu.vector_load %arg13[%get3A_830] {strides = array<i32>} : memref<10240xf32, #tpu.memory_space<vmem>>, vector<16xf32>,
        %mul3A_832 = arith.mulf %get3A_831, %get3A_13 : vector<16xf32>
        %add3A_833 = arith.constant 96 : i32
        %add3A_834 = arith.addi %add3A_802, %add3A_833 : i32
        %get3A_835 = arith.index_cast %add3A_834 : i32 to index
        %get3A_836 = tpu.vector_load %arg13[%get3A_835] {strides = array<i32>} : memref<10240xf32, #tpu.memory_space<vmem>>, vector<16xf32>,
        %mul3A_837 = arith.mulf %get3A_836, %get3A_15 : vector<16xf32>
        %add3A_838 = arith.constant 112 : i32
        %add3A_839 = arith.addi %add3A_802, %add3A_838 : i32
        %get3A_840 = arith.index_cast %add3A_839 : i32 to index
        %get3A_841 = tpu.vector_load %arg13[%get3A_840] {strides = array<i32>} : memref<10240xf32, #tpu.memory_space<vmem>>, vector<16xf32>,
        %mul3A_842 = arith.mulf %get3A_841, %get3A_17 : vector<16xf32>
        %add3A_843 = arith.addf %mul3A_807, %mul3A_812 : vector<16xf32>
        %add3A_844 = arith.addf %mul3A_817, %mul3A_822 : vector<16xf32>
        %add3A_845 = arith.addf %mul3A_827, %mul3A_832 : vector<16xf32>
        %add3A_846 = arith.addf %mul3A_837, %mul3A_842 : vector<16xf32>
        %add3A_847 = arith.addf %add3A_843, %add3A_844 : vector<16xf32>
        %add3A_848 = arith.addf %add3A_845, %add3A_846 : vector<16xf32>
        %add3A_849 = arith.addf %add3A_847, %add3A_848 : vector<16xf32>
        %add3A_850 = arith.constant 1920 : i32
        %add3A_851 = arith.addi %mul3A_114, %add3A_850 : i32
        %add3A_852 = arith.constant 0 : i32
        %add3A_853 = arith.addi %add3A_851, %add3A_852 : i32
        %get3A_854 = arith.index_cast %add3A_853 : i32 to index
        %get3A_855 = tpu.vector_load %arg13[%get3A_854] {strides = array<i32>} : memref<10240xf32, #tpu.memory_space<vmem>>, vector<16xf32>,
        %mul3A_856 = arith.mulf %get3A_855, %get3A_3 : vector<16xf32>
        %add3A_857 = arith.constant 16 : i32
        %add3A_858 = arith.addi %add3A_851, %add3A_857 : i32
        %get3A_859 = arith.index_cast %add3A_858 : i32 to index
        %get3A_860 = tpu.vector_load %arg13[%get3A_859] {strides = array<i32>} : memref<10240xf32, #tpu.memory_space<vmem>>, vector<16xf32>,
        %mul3A_861 = arith.mulf %get3A_860, %get3A_5 : vector<16xf32>
        %add3A_862 = arith.constant 32 : i32
        %add3A_863 = arith.addi %add3A_851, %add3A_862 : i32
        %get3A_864 = arith.index_cast %add3A_863 : i32 to index
        %get3A_865 = tpu.vector_load %arg13[%get3A_864] {strides = array<i32>} : memref<10240xf32, #tpu.memory_space<vmem>>, vector<16xf32>,
        %mul3A_866 = arith.mulf %get3A_865, %get3A_7 : vector<16xf32>
        %add3A_867 = arith.constant 48 : i32
        %add3A_868 = arith.addi %add3A_851, %add3A_867 : i32
        %get3A_869 = arith.index_cast %add3A_868 : i32 to index
        %get3A_870 = tpu.vector_load %arg13[%get3A_869] {strides = array<i32>} : memref<10240xf32, #tpu.memory_space<vmem>>, vector<16xf32>,
        %mul3A_871 = arith.mulf %get3A_870, %get3A_9 : vector<16xf32>
        %add3A_872 = arith.constant 64 : i32
        %add3A_873 = arith.addi %add3A_851, %add3A_872 : i32
        %get3A_874 = arith.index_cast %add3A_873 : i32 to index
        %get3A_875 = tpu.vector_load %arg13[%get3A_874] {strides = array<i32>} : memref<10240xf32, #tpu.memory_space<vmem>>, vector<16xf32>,
        %mul3A_876 = arith.mulf %get3A_875, %get3A_11 : vector<16xf32>
        %add3A_877 = arith.constant 80 : i32
        %add3A_878 = arith.addi %add3A_851, %add3A_877 : i32
        %get3A_879 = arith.index_cast %add3A_878 : i32 to index
        %get3A_880 = tpu.vector_load %arg13[%get3A_879] {strides = array<i32>} : memref<10240xf32, #tpu.memory_space<vmem>>, vector<16xf32>,
        %mul3A_881 = arith.mulf %get3A_880, %get3A_13 : vector<16xf32>
        %add3A_882 = arith.constant 96 : i32
        %add3A_883 = arith.addi %add3A_851, %add3A_882 : i32
        %get3A_884 = arith.index_cast %add3A_883 : i32 to index
        %get3A_885 = tpu.vector_load %arg13[%get3A_884] {strides = array<i32>} : memref<10240xf32, #tpu.memory_space<vmem>>, vector<16xf32>,
        %mul3A_886 = arith.mulf %get3A_885, %get3A_15 : vector<16xf32>
        %add3A_887 = arith.constant 112 : i32
        %add3A_888 = arith.addi %add3A_851, %add3A_887 : i32
        %get3A_889 = arith.index_cast %add3A_888 : i32 to index
        %get3A_890 = tpu.vector_load %arg13[%get3A_889] {strides = array<i32>} : memref<10240xf32, #tpu.memory_space<vmem>>, vector<16xf32>,
        %mul3A_891 = arith.mulf %get3A_890, %get3A_17 : vector<16xf32>
        %add3A_892 = arith.addf %mul3A_856, %mul3A_861 : vector<16xf32>
        %add3A_893 = arith.addf %mul3A_866, %mul3A_871 : vector<16xf32>
        %add3A_894 = arith.addf %mul3A_876, %mul3A_881 : vector<16xf32>
        %add3A_895 = arith.addf %mul3A_886, %mul3A_891 : vector<16xf32>
        %add3A_896 = arith.addf %add3A_892, %add3A_893 : vector<16xf32>
        %add3A_897 = arith.addf %add3A_894, %add3A_895 : vector<16xf32>
        %add3A_898 = arith.addf %add3A_896, %add3A_897 : vector<16xf32>
        %reshape3A = vector.shape_cast %xor3A_19 : vector<16xi32> to vector<16x1xi32>
        %gather3A = vector.shape_cast %reshape3A : vector<16x1xi32> to vector<16xi32>
        %gather3A_899 = tpu.dynamic_gather %add3A_163[%gather3A] in [0] : vector<16xf32>, vector<16xi32> -> vector<16xf32>
        %add3A_900 = arith.addf %add3A_163, %gather3A_899 : vector<16xf32>
        %reshape3A_901 = vector.shape_cast %xor3A_19 : vector<16xi32> to vector<16x1xi32>
        %gather3A_902 = vector.shape_cast %reshape3A_901 : vector<16x1xi32> to vector<16xi32>
        %gather3A_903 = tpu.dynamic_gather %add3A_212[%gather3A_902] in [0] : vector<16xf32>, vector<16xi32> -> vector<16xf32>
        %add3A_904 = arith.addf %add3A_212, %gather3A_903 : vector<16xf32>
        %reshape3A_905 = vector.shape_cast %xor3A_19 : vector<16xi32> to vector<16x1xi32>
        %gather3A_906 = vector.shape_cast %reshape3A_905 : vector<16x1xi32> to vector<16xi32>
        %gather3A_907 = tpu.dynamic_gather %add3A_261[%gather3A_906] in [0] : vector<16xf32>, vector<16xi32> -> vector<16xf32>
        %add3A_908 = arith.addf %add3A_261, %gather3A_907 : vector<16xf32>
        %reshape3A_909 = vector.shape_cast %xor3A_19 : vector<16xi32> to vector<16x1xi32>
        %gather3A_910 = vector.shape_cast %reshape3A_909 : vector<16x1xi32> to vector<16xi32>
        %gather3A_911 = tpu.dynamic_gather %add3A_310[%gather3A_910] in [0] : vector<16xf32>, vector<16xi32> -> vector<16xf32>
        %add3A_912 = arith.addf %add3A_310, %gather3A_911 : vector<16xf32>
        %reshape3A_913 = vector.shape_cast %xor3A_19 : vector<16xi32> to vector<16x1xi32>
        %gather3A_914 = vector.shape_cast %reshape3A_913 : vector<16x1xi32> to vector<16xi32>
        %gather3A_915 = tpu.dynamic_gather %add3A_359[%gather3A_914] in [0] : vector<16xf32>, vector<16xi32> -> vector<16xf32>
        %add3A_916 = arith.addf %add3A_359, %gather3A_915 : vector<16xf32>
        %reshape3A_917 = vector.shape_cast %xor3A_19 : vector<16xi32> to vector<16x1xi32>
        %gather3A_918 = vector.shape_cast %reshape3A_917 : vector<16x1xi32> to vector<16xi32>
        %gather3A_919 = tpu.dynamic_gather %add3A_408[%gather3A_918] in [0] : vector<16xf32>, vector<16xi32> -> vector<16xf32>
        %add3A_920 = arith.addf %add3A_408, %gather3A_919 : vector<16xf32>
        %reshape3A_921 = vector.shape_cast %xor3A_19 : vector<16xi32> to vector<16x1xi32>
        %gather3A_922 = vector.shape_cast %reshape3A_921 : vector<16x1xi32> to vector<16xi32>
        %gather3A_923 = tpu.dynamic_gather %add3A_457[%gather3A_922] in [0] : vector<16xf32>, vector<16xi32> -> vector<16xf32>
        %add3A_924 = arith.addf %add3A_457, %gather3A_923 : vector<16xf32>
        %reshape3A_925 = vector.shape_cast %xor3A_19 : vector<16xi32> to vector<16x1xi32>
        %gather3A_926 = vector.shape_cast %reshape3A_925 : vector<16x1xi32> to vector<16xi32>
        %gather3A_927 = tpu.dynamic_gather %add3A_506[%gather3A_926] in [0] : vector<16xf32>, vector<16xi32> -> vector<16xf32>
        %add3A_928 = arith.addf %add3A_506, %gather3A_927 : vector<16xf32>
        %reshape3A_929 = vector.shape_cast %xor3A_19 : vector<16xi32> to vector<16x1xi32>
        %gather3A_930 = vector.shape_cast %reshape3A_929 : vector<16x1xi32> to vector<16xi32>
        %gather3A_931 = tpu.dynamic_gather %add3A_555[%gather3A_930] in [0] : vector<16xf32>, vector<16xi32> -> vector<16xf32>
        %add3A_932 = arith.addf %add3A_555, %gather3A_931 : vector<16xf32>
        %reshape3A_933 = vector.shape_cast %xor3A_19 : vector<16xi32> to vector<16x1xi32>
        %gather3A_934 = vector.shape_cast %reshape3A_933 : vector<16x1xi32> to vector<16xi32>
        %gather3A_935 = tpu.dynamic_gather %add3A_604[%gather3A_934] in [0] : vector<16xf32>, vector<16xi32> -> vector<16xf32>
        %add3A_936 = arith.addf %add3A_604, %gather3A_935 : vector<16xf32>
        %reshape3A_937 = vector.shape_cast %xor3A_19 : vector<16xi32> to vector<16x1xi32>
        %gather3A_938 = vector.shape_cast %reshape3A_937 : vector<16x1xi32> to vector<16xi32>
        %gather3A_939 = tpu.dynamic_gather %add3A_653[%gather3A_938] in [0] : vector<16xf32>, vector<16xi32> -> vector<16xf32>
        %add3A_940 = arith.addf %add3A_653, %gather3A_939 : vector<16xf32>
        %reshape3A_941 = vector.shape_cast %xor3A_19 : vector<16xi32> to vector<16x1xi32>
        %gather3A_942 = vector.shape_cast %reshape3A_941 : vector<16x1xi32> to vector<16xi32>
        %gather3A_943 = tpu.dynamic_gather %add3A_702[%gather3A_942] in [0] : vector<16xf32>, vector<16xi32> -> vector<16xf32>
        %add3A_944 = arith.addf %add3A_702, %gather3A_943 : vector<16xf32>
        %reshape3A_945 = vector.shape_cast %xor3A_19 : vector<16xi32> to vector<16x1xi32>
        %gather3A_946 = vector.shape_cast %reshape3A_945 : vector<16x1xi32> to vector<16xi32>
        %gather3A_947 = tpu.dynamic_gather %add3A_751[%gather3A_946] in [0] : vector<16xf32>, vector<16xi32> -> vector<16xf32>
        %add3A_948 = arith.addf %add3A_751, %gather3A_947 : vector<16xf32>
        %reshape3A_949 = vector.shape_cast %xor3A_19 : vector<16xi32> to vector<16x1xi32>
        %gather3A_950 = vector.shape_cast %reshape3A_949 : vector<16x1xi32> to vector<16xi32>
        %gather3A_951 = tpu.dynamic_gather %add3A_800[%gather3A_950] in [0] : vector<16xf32>, vector<16xi32> -> vector<16xf32>
        %add3A_952 = arith.addf %add3A_800, %gather3A_951 : vector<16xf32>
        %reshape3A_953 = vector.shape_cast %xor3A_19 : vector<16xi32> to vector<16x1xi32>
        %gather3A_954 = vector.shape_cast %reshape3A_953 : vector<16x1xi32> to vector<16xi32>
        %gather3A_955 = tpu.dynamic_gather %add3A_849[%gather3A_954] in [0] : vector<16xf32>, vector<16xi32> -> vector<16xf32>
        %add3A_956 = arith.addf %add3A_849, %gather3A_955 : vector<16xf32>
        %reshape3A_957 = vector.shape_cast %xor3A_19 : vector<16xi32> to vector<16x1xi32>
        %gather3A_958 = vector.shape_cast %reshape3A_957 : vector<16x1xi32> to vector<16xi32>
        %gather3A_959 = tpu.dynamic_gather %add3A_898[%gather3A_958] in [0] : vector<16xf32>, vector<16xi32> -> vector<16xf32>
        %add3A_960 = arith.addf %add3A_898, %gather3A_959 : vector<16xf32>
        %reshape3A_961 = vector.shape_cast %xor3A_22 : vector<16xi32> to vector<16x1xi32>
        %gather3A_962 = vector.shape_cast %reshape3A_961 : vector<16x1xi32> to vector<16xi32>
        %gather3A_963 = tpu.dynamic_gather %add3A_900[%gather3A_962] in [0] : vector<16xf32>, vector<16xi32> -> vector<16xf32>
        %add3A_964 = arith.addf %add3A_900, %gather3A_963 : vector<16xf32>
        %reshape3A_965 = vector.shape_cast %xor3A_22 : vector<16xi32> to vector<16x1xi32>
        %gather3A_966 = vector.shape_cast %reshape3A_965 : vector<16x1xi32> to vector<16xi32>
        %gather3A_967 = tpu.dynamic_gather %add3A_904[%gather3A_966] in [0] : vector<16xf32>, vector<16xi32> -> vector<16xf32>
        %add3A_968 = arith.addf %add3A_904, %gather3A_967 : vector<16xf32>
        %reshape3A_969 = vector.shape_cast %xor3A_22 : vector<16xi32> to vector<16x1xi32>
        %gather3A_970 = vector.shape_cast %reshape3A_969 : vector<16x1xi32> to vector<16xi32>
        %gather3A_971 = tpu.dynamic_gather %add3A_908[%gather3A_970] in [0] : vector<16xf32>, vector<16xi32> -> vector<16xf32>
        %add3A_972 = arith.addf %add3A_908, %gather3A_971 : vector<16xf32>
        %reshape3A_973 = vector.shape_cast %xor3A_22 : vector<16xi32> to vector<16x1xi32>
        %gather3A_974 = vector.shape_cast %reshape3A_973 : vector<16x1xi32> to vector<16xi32>
        %gather3A_975 = tpu.dynamic_gather %add3A_912[%gather3A_974] in [0] : vector<16xf32>, vector<16xi32> -> vector<16xf32>
        %add3A_976 = arith.addf %add3A_912, %gather3A_975 : vector<16xf32>
        %reshape3A_977 = vector.shape_cast %xor3A_22 : vector<16xi32> to vector<16x1xi32>
        %gather3A_978 = vector.shape_cast %reshape3A_977 : vector<16x1xi32> to vector<16xi32>
        %gather3A_979 = tpu.dynamic_gather %add3A_916[%gather3A_978] in [0] : vector<16xf32>, vector<16xi32> -> vector<16xf32>
        %add3A_980 = arith.addf %add3A_916, %gather3A_979 : vector<16xf32>
        %reshape3A_981 = vector.shape_cast %xor3A_22 : vector<16xi32> to vector<16x1xi32>
        %gather3A_982 = vector.shape_cast %reshape3A_981 : vector<16x1xi32> to vector<16xi32>
        %gather3A_983 = tpu.dynamic_gather %add3A_920[%gather3A_982] in [0] : vector<16xf32>, vector<16xi32> -> vector<16xf32>
        %add3A_984 = arith.addf %add3A_920, %gather3A_983 : vector<16xf32>
        %reshape3A_985 = vector.shape_cast %xor3A_22 : vector<16xi32> to vector<16x1xi32>
        %gather3A_986 = vector.shape_cast %reshape3A_985 : vector<16x1xi32> to vector<16xi32>
        %gather3A_987 = tpu.dynamic_gather %add3A_924[%gather3A_986] in [0] : vector<16xf32>, vector<16xi32> -> vector<16xf32>
        %add3A_988 = arith.addf %add3A_924, %gather3A_987 : vector<16xf32>
        %reshape3A_989 = vector.shape_cast %xor3A_22 : vector<16xi32> to vector<16x1xi32>
        %gather3A_990 = vector.shape_cast %reshape3A_989 : vector<16x1xi32> to vector<16xi32>
        %gather3A_991 = tpu.dynamic_gather %add3A_928[%gather3A_990] in [0] : vector<16xf32>, vector<16xi32> -> vector<16xf32>
        %add3A_992 = arith.addf %add3A_928, %gather3A_991 : vector<16xf32>
        %reshape3A_993 = vector.shape_cast %xor3A_22 : vector<16xi32> to vector<16x1xi32>
        %gather3A_994 = vector.shape_cast %reshape3A_993 : vector<16x1xi32> to vector<16xi32>
        %gather3A_995 = tpu.dynamic_gather %add3A_932[%gather3A_994] in [0] : vector<16xf32>, vector<16xi32> -> vector<16xf32>
        %add3A_996 = arith.addf %add3A_932, %gather3A_995 : vector<16xf32>
        %reshape3A_997 = vector.shape_cast %xor3A_22 : vector<16xi32> to vector<16x1xi32>
        %gather3A_998 = vector.shape_cast %reshape3A_997 : vector<16x1xi32> to vector<16xi32>
        %gather3A_999 = tpu.dynamic_gather %add3A_936[%gather3A_998] in [0] : vector<16xf32>, vector<16xi32> -> vector<16xf32>
        %add3A_1000 = arith.addf %add3A_936, %gather3A_999 : vector<16xf32>
        %reshape3A_1001 = vector.shape_cast %xor3A_22 : vector<16xi32> to vector<16x1xi32>
        %gather3A_1002 = vector.shape_cast %reshape3A_1001 : vector<16x1xi32> to vector<16xi32>
        %gather3A_1003 = tpu.dynamic_gather %add3A_940[%gather3A_1002] in [0] : vector<16xf32>, vector<16xi32> -> vector<16xf32>
        %add3A_1004 = arith.addf %add3A_940, %gather3A_1003 : vector<16xf32>
        %reshape3A_1005 = vector.shape_cast %xor3A_22 : vector<16xi32> to vector<16x1xi32>
        %gather3A_1006 = vector.shape_cast %reshape3A_1005 : vector<16x1xi32> to vector<16xi32>
        %gather3A_1007 = tpu.dynamic_gather %add3A_944[%gather3A_1006] in [0] : vector<16xf32>, vector<16xi32> -> vector<16xf32>
        %add3A_1008 = arith.addf %add3A_944, %gather3A_1007 : vector<16xf32>
        %reshape3A_1009 = vector.shape_cast %xor3A_22 : vector<16xi32> to vector<16x1xi32>
        %gather3A_1010 = vector.shape_cast %reshape3A_1009 : vector<16x1xi32> to vector<16xi32>
        %gather3A_1011 = tpu.dynamic_gather %add3A_948[%gather3A_1010] in [0] : vector<16xf32>, vector<16xi32> -> vector<16xf32>
        %add3A_1012 = arith.addf %add3A_948, %gather3A_1011 : vector<16xf32>
        %reshape3A_1013 = vector.shape_cast %xor3A_22 : vector<16xi32> to vector<16x1xi32>
        %gather3A_1014 = vector.shape_cast %reshape3A_1013 : vector<16x1xi32> to vector<16xi32>
        %gather3A_1015 = tpu.dynamic_gather %add3A_952[%gather3A_1014] in [0] : vector<16xf32>, vector<16xi32> -> vector<16xf32>
        %add3A_1016 = arith.addf %add3A_952, %gather3A_1015 : vector<16xf32>
        %reshape3A_1017 = vector.shape_cast %xor3A_22 : vector<16xi32> to vector<16x1xi32>
        %gather3A_1018 = vector.shape_cast %reshape3A_1017 : vector<16x1xi32> to vector<16xi32>
        %gather3A_1019 = tpu.dynamic_gather %add3A_956[%gather3A_1018] in [0] : vector<16xf32>, vector<16xi32> -> vector<16xf32>
        %add3A_1020 = arith.addf %add3A_956, %gather3A_1019 : vector<16xf32>
        %reshape3A_1021 = vector.shape_cast %xor3A_22 : vector<16xi32> to vector<16x1xi32>
        %gather3A_1022 = vector.shape_cast %reshape3A_1021 : vector<16x1xi32> to vector<16xi32>
        %gather3A_1023 = tpu.dynamic_gather %add3A_960[%gather3A_1022] in [0] : vector<16xf32>, vector<16xi32> -> vector<16xf32>
        %add3A_1024 = arith.addf %add3A_960, %gather3A_1023 : vector<16xf32>
        %reshape3A_1025 = vector.shape_cast %xor3A_25 : vector<16xi32> to vector<16x1xi32>
        %gather3A_1026 = vector.shape_cast %reshape3A_1025 : vector<16x1xi32> to vector<16xi32>
        %gather3A_1027 = tpu.dynamic_gather %add3A_964[%gather3A_1026] in [0] : vector<16xf32>, vector<16xi32> -> vector<16xf32>
        %add3A_1028 = arith.addf %add3A_964, %gather3A_1027 : vector<16xf32>
        %reshape3A_1029 = vector.shape_cast %xor3A_25 : vector<16xi32> to vector<16x1xi32>
        %gather3A_1030 = vector.shape_cast %reshape3A_1029 : vector<16x1xi32> to vector<16xi32>
        %gather3A_1031 = tpu.dynamic_gather %add3A_968[%gather3A_1030] in [0] : vector<16xf32>, vector<16xi32> -> vector<16xf32>
        %add3A_1032 = arith.addf %add3A_968, %gather3A_1031 : vector<16xf32>
        %reshape3A_1033 = vector.shape_cast %xor3A_25 : vector<16xi32> to vector<16x1xi32>
        %gather3A_1034 = vector.shape_cast %reshape3A_1033 : vector<16x1xi32> to vector<16xi32>
        %gather3A_1035 = tpu.dynamic_gather %add3A_972[%gather3A_1034] in [0] : vector<16xf32>, vector<16xi32> -> vector<16xf32>
        %add3A_1036 = arith.addf %add3A_972, %gather3A_1035 : vector<16xf32>
        %reshape3A_1037 = vector.shape_cast %xor3A_25 : vector<16xi32> to vector<16x1xi32>
        %gather3A_1038 = vector.shape_cast %reshape3A_1037 : vector<16x1xi32> to vector<16xi32>
        %gather3A_1039 = tpu.dynamic_gather %add3A_976[%gather3A_1038] in [0] : vector<16xf32>, vector<16xi32> -> vector<16xf32>
        %add3A_1040 = arith.addf %add3A_976, %gather3A_1039 : vector<16xf32>
        %reshape3A_1041 = vector.shape_cast %xor3A_25 : vector<16xi32> to vector<16x1xi32>
        %gather3A_1042 = vector.shape_cast %reshape3A_1041 : vector<16x1xi32> to vector<16xi32>
        %gather3A_1043 = tpu.dynamic_gather %add3A_980[%gather3A_1042] in [0] : vector<16xf32>, vector<16xi32> -> vector<16xf32>
        %add3A_1044 = arith.addf %add3A_980, %gather3A_1043 : vector<16xf32>
        %reshape3A_1045 = vector.shape_cast %xor3A_25 : vector<16xi32> to vector<16x1xi32>
        %gather3A_1046 = vector.shape_cast %reshape3A_1045 : vector<16x1xi32> to vector<16xi32>
        %gather3A_1047 = tpu.dynamic_gather %add3A_984[%gather3A_1046] in [0] : vector<16xf32>, vector<16xi32> -> vector<16xf32>
        %add3A_1048 = arith.addf %add3A_984, %gather3A_1047 : vector<16xf32>
        %reshape3A_1049 = vector.shape_cast %xor3A_25 : vector<16xi32> to vector<16x1xi32>
        %gather3A_1050 = vector.shape_cast %reshape3A_1049 : vector<16x1xi32> to vector<16xi32>
        %gather3A_1051 = tpu.dynamic_gather %add3A_988[%gather3A_1050] in [0] : vector<16xf32>, vector<16xi32> -> vector<16xf32>
        %add3A_1052 = arith.addf %add3A_988, %gather3A_1051 : vector<16xf32>
        %reshape3A_1053 = vector.shape_cast %xor3A_25 : vector<16xi32> to vector<16x1xi32>
        %gather3A_1054 = vector.shape_cast %reshape3A_1053 : vector<16x1xi32> to vector<16xi32>
        %gather3A_1055 = tpu.dynamic_gather %add3A_992[%gather3A_1054] in [0] : vector<16xf32>, vector<16xi32> -> vector<16xf32>
        %add3A_1056 = arith.addf %add3A_992, %gather3A_1055 : vector<16xf32>
        %reshape3A_1057 = vector.shape_cast %xor3A_25 : vector<16xi32> to vector<16x1xi32>
        %gather3A_1058 = vector.shape_cast %reshape3A_1057 : vector<16x1xi32> to vector<16xi32>
        %gather3A_1059 = tpu.dynamic_gather %add3A_996[%gather3A_1058] in [0] : vector<16xf32>, vector<16xi32> -> vector<16xf32>
        %add3A_1060 = arith.addf %add3A_996, %gather3A_1059 : vector<16xf32>
        %reshape3A_1061 = vector.shape_cast %xor3A_25 : vector<16xi32> to vector<16x1xi32>
        %gather3A_1062 = vector.shape_cast %reshape3A_1061 : vector<16x1xi32> to vector<16xi32>
        %gather3A_1063 = tpu.dynamic_gather %add3A_1000[%gather3A_1062] in [0] : vector<16xf32>, vector<16xi32> -> vector<16xf32>
        %add3A_1064 = arith.addf %add3A_1000, %gather3A_1063 : vector<16xf32>
        %reshape3A_1065 = vector.shape_cast %xor3A_25 : vector<16xi32> to vector<16x1xi32>
        %gather3A_1066 = vector.shape_cast %reshape3A_1065 : vector<16x1xi32> to vector<16xi32>
        %gather3A_1067 = tpu.dynamic_gather %add3A_1004[%gather3A_1066] in [0] : vector<16xf32>, vector<16xi32> -> vector<16xf32>
        %add3A_1068 = arith.addf %add3A_1004, %gather3A_1067 : vector<16xf32>
        %reshape3A_1069 = vector.shape_cast %xor3A_25 : vector<16xi32> to vector<16x1xi32>
        %gather3A_1070 = vector.shape_cast %reshape3A_1069 : vector<16x1xi32> to vector<16xi32>
        %gather3A_1071 = tpu.dynamic_gather %add3A_1008[%gather3A_1070] in [0] : vector<16xf32>, vector<16xi32> -> vector<16xf32>
        %add3A_1072 = arith.addf %add3A_1008, %gather3A_1071 : vector<16xf32>
        %reshape3A_1073 = vector.shape_cast %xor3A_25 : vector<16xi32> to vector<16x1xi32>
        %gather3A_1074 = vector.shape_cast %reshape3A_1073 : vector<16x1xi32> to vector<16xi32>
        %gather3A_1075 = tpu.dynamic_gather %add3A_1012[%gather3A_1074] in [0] : vector<16xf32>, vector<16xi32> -> vector<16xf32>
        %add3A_1076 = arith.addf %add3A_1012, %gather3A_1075 : vector<16xf32>
        %reshape3A_1077 = vector.shape_cast %xor3A_25 : vector<16xi32> to vector<16x1xi32>
        %gather3A_1078 = vector.shape_cast %reshape3A_1077 : vector<16x1xi32> to vector<16xi32>
        %gather3A_1079 = tpu.dynamic_gather %add3A_1016[%gather3A_1078] in [0] : vector<16xf32>, vector<16xi32> -> vector<16xf32>
        %add3A_1080 = arith.addf %add3A_1016, %gather3A_1079 : vector<16xf32>
        %reshape3A_1081 = vector.shape_cast %xor3A_25 : vector<16xi32> to vector<16x1xi32>
        %gather3A_1082 = vector.shape_cast %reshape3A_1081 : vector<16x1xi32> to vector<16xi32>
        %gather3A_1083 = tpu.dynamic_gather %add3A_1020[%gather3A_1082] in [0] : vector<16xf32>, vector<16xi32> -> vector<16xf32>
        %add3A_1084 = arith.addf %add3A_1020, %gather3A_1083 : vector<16xf32>
        %reshape3A_1085 = vector.shape_cast %xor3A_25 : vector<16xi32> to vector<16x1xi32>
        %gather3A_1086 = vector.shape_cast %reshape3A_1085 : vector<16x1xi32> to vector<16xi32>
        %gather3A_1087 = tpu.dynamic_gather %add3A_1024[%gather3A_1086] in [0] : vector<16xf32>, vector<16xi32> -> vector<16xf32>
        %add3A_1088 = arith.addf %add3A_1024, %gather3A_1087 : vector<16xf32>
        %reshape3A_1089 = vector.shape_cast %xor3A_28 : vector<16xi32> to vector<16x1xi32>
        %gather3A_1090 = vector.shape_cast %reshape3A_1089 : vector<16x1xi32> to vector<16xi32>
        %gather3A_1091 = tpu.dynamic_gather %add3A_1028[%gather3A_1090] in [0] : vector<16xf32>, vector<16xi32> -> vector<16xf32>
        %add3A_1092 = arith.addf %add3A_1028, %gather3A_1091 : vector<16xf32>
        %reshape3A_1093 = vector.shape_cast %xor3A_28 : vector<16xi32> to vector<16x1xi32>
        %gather3A_1094 = vector.shape_cast %reshape3A_1093 : vector<16x1xi32> to vector<16xi32>
        %gather3A_1095 = tpu.dynamic_gather %add3A_1032[%gather3A_1094] in [0] : vector<16xf32>, vector<16xi32> -> vector<16xf32>
        %add3A_1096 = arith.addf %add3A_1032, %gather3A_1095 : vector<16xf32>
        %reshape3A_1097 = vector.shape_cast %xor3A_28 : vector<16xi32> to vector<16x1xi32>
        %gather3A_1098 = vector.shape_cast %reshape3A_1097 : vector<16x1xi32> to vector<16xi32>
        %gather3A_1099 = tpu.dynamic_gather %add3A_1036[%gather3A_1098] in [0] : vector<16xf32>, vector<16xi32> -> vector<16xf32>
        %add3A_1100 = arith.addf %add3A_1036, %gather3A_1099 : vector<16xf32>
        %reshape3A_1101 = vector.shape_cast %xor3A_28 : vector<16xi32> to vector<16x1xi32>
        %gather3A_1102 = vector.shape_cast %reshape3A_1101 : vector<16x1xi32> to vector<16xi32>
        %gather3A_1103 = tpu.dynamic_gather %add3A_1040[%gather3A_1102] in [0] : vector<16xf32>, vector<16xi32> -> vector<16xf32>
        %add3A_1104 = arith.addf %add3A_1040, %gather3A_1103 : vector<16xf32>
        %reshape3A_1105 = vector.shape_cast %xor3A_28 : vector<16xi32> to vector<16x1xi32>
        %gather3A_1106 = vector.shape_cast %reshape3A_1105 : vector<16x1xi32> to vector<16xi32>
        %gather3A_1107 = tpu.dynamic_gather %add3A_1044[%gather3A_1106] in [0] : vector<16xf32>, vector<16xi32> -> vector<16xf32>
        %add3A_1108 = arith.addf %add3A_1044, %gather3A_1107 : vector<16xf32>
        %reshape3A_1109 = vector.shape_cast %xor3A_28 : vector<16xi32> to vector<16x1xi32>
        %gather3A_1110 = vector.shape_cast %reshape3A_1109 : vector<16x1xi32> to vector<16xi32>
        %gather3A_1111 = tpu.dynamic_gather %add3A_1048[%gather3A_1110] in [0] : vector<16xf32>, vector<16xi32> -> vector<16xf32>
        %add3A_1112 = arith.addf %add3A_1048, %gather3A_1111 : vector<16xf32>
        %reshape3A_1113 = vector.shape_cast %xor3A_28 : vector<16xi32> to vector<16x1xi32>
        %gather3A_1114 = vector.shape_cast %reshape3A_1113 : vector<16x1xi32> to vector<16xi32>
        %gather3A_1115 = tpu.dynamic_gather %add3A_1052[%gather3A_1114] in [0] : vector<16xf32>, vector<16xi32> -> vector<16xf32>
        %add3A_1116 = arith.addf %add3A_1052, %gather3A_1115 : vector<16xf32>
        %reshape3A_1117 = vector.shape_cast %xor3A_28 : vector<16xi32> to vector<16x1xi32>
        %gather3A_1118 = vector.shape_cast %reshape3A_1117 : vector<16x1xi32> to vector<16xi32>
        %gather3A_1119 = tpu.dynamic_gather %add3A_1056[%gather3A_1118] in [0] : vector<16xf32>, vector<16xi32> -> vector<16xf32>
        %add3A_1120 = arith.addf %add3A_1056, %gather3A_1119 : vector<16xf32>
        %reshape3A_1121 = vector.shape_cast %xor3A_28 : vector<16xi32> to vector<16x1xi32>
        %gather3A_1122 = vector.shape_cast %reshape3A_1121 : vector<16x1xi32> to vector<16xi32>
        %gather3A_1123 = tpu.dynamic_gather %add3A_1060[%gather3A_1122] in [0] : vector<16xf32>, vector<16xi32> -> vector<16xf32>
        %add3A_1124 = arith.addf %add3A_1060, %gather3A_1123 : vector<16xf32>
        %reshape3A_1125 = vector.shape_cast %xor3A_28 : vector<16xi32> to vector<16x1xi32>
        %gather3A_1126 = vector.shape_cast %reshape3A_1125 : vector<16x1xi32> to vector<16xi32>
        %gather3A_1127 = tpu.dynamic_gather %add3A_1064[%gather3A_1126] in [0] : vector<16xf32>, vector<16xi32> -> vector<16xf32>
        %add3A_1128 = arith.addf %add3A_1064, %gather3A_1127 : vector<16xf32>
        %reshape3A_1129 = vector.shape_cast %xor3A_28 : vector<16xi32> to vector<16x1xi32>
        %gather3A_1130 = vector.shape_cast %reshape3A_1129 : vector<16x1xi32> to vector<16xi32>
        %gather3A_1131 = tpu.dynamic_gather %add3A_1068[%gather3A_1130] in [0] : vector<16xf32>, vector<16xi32> -> vector<16xf32>
        %add3A_1132 = arith.addf %add3A_1068, %gather3A_1131 : vector<16xf32>
        %reshape3A_1133 = vector.shape_cast %xor3A_28 : vector<16xi32> to vector<16x1xi32>
        %gather3A_1134 = vector.shape_cast %reshape3A_1133 : vector<16x1xi32> to vector<16xi32>
        %gather3A_1135 = tpu.dynamic_gather %add3A_1072[%gather3A_1134] in [0] : vector<16xf32>, vector<16xi32> -> vector<16xf32>
        %add3A_1136 = arith.addf %add3A_1072, %gather3A_1135 : vector<16xf32>
        %reshape3A_1137 = vector.shape_cast %xor3A_28 : vector<16xi32> to vector<16x1xi32>
        %gather3A_1138 = vector.shape_cast %reshape3A_1137 : vector<16x1xi32> to vector<16xi32>
        %gather3A_1139 = tpu.dynamic_gather %add3A_1076[%gather3A_1138] in [0] : vector<16xf32>, vector<16xi32> -> vector<16xf32>
        %add3A_1140 = arith.addf %add3A_1076, %gather3A_1139 : vector<16xf32>
        %reshape3A_1141 = vector.shape_cast %xor3A_28 : vector<16xi32> to vector<16x1xi32>
        %gather3A_1142 = vector.shape_cast %reshape3A_1141 : vector<16x1xi32> to vector<16xi32>
        %gather3A_1143 = tpu.dynamic_gather %add3A_1080[%gather3A_1142] in [0] : vector<16xf32>, vector<16xi32> -> vector<16xf32>
        %add3A_1144 = arith.addf %add3A_1080, %gather3A_1143 : vector<16xf32>
        %reshape3A_1145 = vector.shape_cast %xor3A_28 : vector<16xi32> to vector<16x1xi32>
        %gather3A_1146 = vector.shape_cast %reshape3A_1145 : vector<16x1xi32> to vector<16xi32>
        %gather3A_1147 = tpu.dynamic_gather %add3A_1084[%gather3A_1146] in [0] : vector<16xf32>, vector<16xi32> -> vector<16xf32>
        %add3A_1148 = arith.addf %add3A_1084, %gather3A_1147 : vector<16xf32>
        %reshape3A_1149 = vector.shape_cast %xor3A_28 : vector<16xi32> to vector<16x1xi32>
        %gather3A_1150 = vector.shape_cast %reshape3A_1149 : vector<16x1xi32> to vector<16xi32>
        %gather3A_1151 = tpu.dynamic_gather %add3A_1088[%gather3A_1150] in [0] : vector<16xf32>, vector<16xi32> -> vector<16xf32>
        %add3A_1152 = arith.addf %add3A_1088, %gather3A_1151 : vector<16xf32>
        tpu.vector_store_idx %arg15[%iota3A], %add3A_1092 masked %eq3A_30 : memref<16xf32, #tpu.memory_space<vmem>>[vector<16xi32>], vector<16xf32>, vector<16xi1>
        tpu.vector_store_idx %arg15[%iota3A], %add3A_1096 masked %eq3A_33 : memref<16xf32, #tpu.memory_space<vmem>>[vector<16xi32>], vector<16xf32>, vector<16xi1>
        tpu.vector_store_idx %arg15[%iota3A], %add3A_1100 masked %eq3A_36 : memref<16xf32, #tpu.memory_space<vmem>>[vector<16xi32>], vector<16xf32>, vector<16xi1>
        tpu.vector_store_idx %arg15[%iota3A], %add3A_1104 masked %eq3A_39 : memref<16xf32, #tpu.memory_space<vmem>>[vector<16xi32>], vector<16xf32>, vector<16xi1>
        tpu.vector_store_idx %arg15[%iota3A], %add3A_1108 masked %eq3A_42 : memref<16xf32, #tpu.memory_space<vmem>>[vector<16xi32>], vector<16xf32>, vector<16xi1>
        tpu.vector_store_idx %arg15[%iota3A], %add3A_1112 masked %eq3A_45 : memref<16xf32, #tpu.memory_space<vmem>>[vector<16xi32>], vector<16xf32>, vector<16xi1>
        tpu.vector_store_idx %arg15[%iota3A], %add3A_1116 masked %eq3A_48 : memref<16xf32, #tpu.memory_space<vmem>>[vector<16xi32>], vector<16xf32>, vector<16xi1>
        tpu.vector_store_idx %arg15[%iota3A], %add3A_1120 masked %eq3A_51 : memref<16xf32, #tpu.memory_space<vmem>>[vector<16xi32>], vector<16xf32>, vector<16xi1>
        tpu.vector_store_idx %arg15[%iota3A], %add3A_1124 masked %eq3A_54 : memref<16xf32, #tpu.memory_space<vmem>>[vector<16xi32>], vector<16xf32>, vector<16xi1>
        tpu.vector_store_idx %arg15[%iota3A], %add3A_1128 masked %eq3A_57 : memref<16xf32, #tpu.memory_space<vmem>>[vector<16xi32>], vector<16xf32>, vector<16xi1>
        tpu.vector_store_idx %arg15[%iota3A], %add3A_1132 masked %eq3A_60 : memref<16xf32, #tpu.memory_space<vmem>>[vector<16xi32>], vector<16xf32>, vector<16xi1>
        tpu.vector_store_idx %arg15[%iota3A], %add3A_1136 masked %eq3A_63 : memref<16xf32, #tpu.memory_space<vmem>>[vector<16xi32>], vector<16xf32>, vector<16xi1>
        tpu.vector_store_idx %arg15[%iota3A], %add3A_1140 masked %eq3A_66 : memref<16xf32, #tpu.memory_space<vmem>>[vector<16xi32>], vector<16xf32>, vector<16xi1>
        tpu.vector_store_idx %arg15[%iota3A], %add3A_1144 masked %eq3A_69 : memref<16xf32, #tpu.memory_space<vmem>>[vector<16xi32>], vector<16xf32>, vector<16xi1>
        tpu.vector_store_idx %arg15[%iota3A], %add3A_1148 masked %eq3A_72 : memref<16xf32, #tpu.memory_space<vmem>>[vector<16xi32>], vector<16xf32>, vector<16xi1>
        tpu.vector_store_idx %arg15[%iota3A], %add3A_1152 masked %eq3A_75 : memref<16xf32, #tpu.memory_space<vmem>>[vector<16xi32>], vector<16xf32>, vector<16xi1>
        %mul3A_1153 = arith.constant 80 : i32
        %mul3A_1154 = arith.muli %mul3A_88, %mul3A_1153 : i32
        %mul3A_1155 = arith.constant 16 : i32
        %mul3A_1156 = arith.muli %scan3A_112, %mul3A_1155 : i32
        %add3A_1157 = arith.addi %mul3A_1154, %mul3A_1156 : i32
        %get3A_1158 = arith.index_cast %add3A_1157 : i32 to index
        %get3A_1159 = tpu.vector_load %arg9[%get3A_1158] {strides = array<i32>} : memref<10000xi32, #tpu.memory_space<vmem>>, vector<16xi32>,
        %get3A_1160 = arith.index_cast %add3A_1157 : i32 to index
        %get3A_1161 = tpu.vector_load %arg10[%get3A_1160] {strides = array<i32>} : memref<10000xi32, #tpu.memory_space<vmem>>, vector<16xi32>,
        %add3A_1162 = arith.constant 10000 : i32
        %add3A_1163 = vector.broadcast %add3A_1162 : i32 to vector<16xi32>
        %add3A_1164 = arith.addi %get3A_1161, %add3A_1163 : vector<16xi32>
        %get3A_1165 = arith.constant 0 : index
        %get3A_1166 = tpu.vector_load %arg15[%get3A_1165] {strides = array<i32>} : memref<16xf32, #tpu.memory_space<vmem>>, vector<16xf32>,
        %gather3A_1167 = tpu.vector_load_idx %arg8[%get3A_1159] : memref<20000xf32, #tpu.memory_space<vmem>>[vector<16xi32>], vector<16xf32>,
        %add3A_1168 = arith.addf %get3A_1166, %gather3A_1167 : vector<16xf32>
        %gather3A_1169 = tpu.vector_load_idx %arg8[%add3A_1164] : memref<20000xf32, #tpu.memory_space<vmem>>[vector<16xi32>], vector<16xf32>,
        %add3A_1170 = arith.addf %add3A_1168, %gather3A_1169 : vector<16xf32>
        %neg3A = arith.constant 0.000000e+00 : f32
        %neg3A_1171 = vector.broadcast %neg3A : f32 to vector<16xf32>
        %neg3A_1172 = arith.subf %neg3A_1171, %add3A_1170 : vector<16xf32>
        %exp3A = math.exp %neg3A_1172 : vector<16xf32>
        %add3A_1173 = arith.constant 1.000000e+00 : f32
        %add3A_1174 = vector.broadcast %add3A_1173 : f32 to vector<16xf32>
        %add3A_1175 = arith.addf %add3A_1174, %exp3A : vector<16xf32>
        %div3A = arith.constant 1.000000e+00 : f32
        %div3A_1176 = vector.broadcast %div3A : f32 to vector<16xf32>
        %div3A_1177 = arith.divf %div3A_1176, %add3A_1175 : vector<16xf32>
        %swap3A = arith.index_cast %add3A_1157 : i32 to index
        %swap3A_1178 = tpu.vector_load %arg12[%swap3A] {strides = array<i32>} : memref<10000xf32, #tpu.memory_space<vmem>>, vector<16xf32>,
        tpu.vector_store %arg12[%swap3A], %div3A_1177 {strides = array<i32>} : memref<10000xf32, #tpu.memory_space<vmem>>, vector<16xf32>,
      }
      %scan3A_104 = arith.constant 5 : i32
      %add3A_105 = arith.constant 1 : i32
      %add3A_106 = arith.addi %mul3A_88, %add3A_105 : i32
      %lt3A_107 = arith.constant 125 : i32
      %lt3A_108 = arith.cmpi slt, %add3A_106, %lt3A_107 : i32
      %convert_element_type3A_109 = arith.extui %lt3A_108 : i1 to i32
      %cond3A_110 = arith.constant 0 : i32
      %cond3A_111 = arith.cmpi ne, %convert_element_type3A_109, %cond3A_110 : i32
      scf.if %cond3A_111 {
        %add3A_112 = arith.constant 1 : i32
        %add3A_113 = arith.addi %mul3A_88, %add3A_112 : i32
        %mul3A_114 = arith.constant 80 : i32
        %mul3A_115 = arith.muli %add3A_113, %mul3A_114 : i32
        %add3A_116 = arith.addi %mul3A_2, %mul3A_115 : i32
        %mul3A_117 = arith.constant 128 : i32
        %mul3A_118 = arith.muli %add3A_116, %mul3A_117 : i32
        %dma_wait3A_119 = tpu.memref_slice %arg5[%mul3A_118] : memref<40960000xf32, #tpu.memory_space<hbm>> -> memref<10240xf32, #tpu.memory_space<hbm>>
        %dma_wait3A_120 = tpu.memref_slice %arg5[%mul3A_118] : memref<40960000xf32, #tpu.memory_space<hbm>> -> memref<10240xf32, #tpu.memory_space<hbm>>
        tpu.wait_dma2 semaphore(%arg17 : memref<!tpu.dma_semaphore, #tpu.memory_space<semaphore_mem>>) src(%dma_wait3A_120 : memref<10240xf32, #tpu.memory_space<hbm>>) dst(%arg14 : memref<10240xf32, #tpu.memory_space<vmem>>)
        %add3A_121 = arith.constant 2 : i32
        %add3A_122 = arith.addi %mul3A_88, %add3A_121 : i32
        %lt3A_123 = arith.constant 125 : i32
        %lt3A_124 = arith.cmpi slt, %add3A_122, %lt3A_123 : i32
        %convert_element_type3A_125 = arith.extui %lt3A_124 : i1 to i32
        %cond3A_126 = arith.constant 0 : i32
        %cond3A_127 = arith.cmpi ne, %convert_element_type3A_125, %cond3A_126 : i32
        scf.if %cond3A_127 {
          %add3A_136 = arith.constant 2 : i32
          %add3A_137 = arith.addi %mul3A_88, %add3A_136 : i32
          %mul3A_138 = arith.constant 80 : i32
          %mul3A_139 = arith.muli %add3A_137, %mul3A_138 : i32
          %add3A_140 = arith.addi %mul3A_2, %mul3A_139 : i32
          %mul3A_141 = arith.constant 128 : i32
          %mul3A_142 = arith.muli %add3A_140, %mul3A_141 : i32
          %dma_start3A_143 = tpu.memref_slice %arg5[%mul3A_142] : memref<40960000xf32, #tpu.memory_space<hbm>> -> memref<10240xf32, #tpu.memory_space<hbm>>
          %dma_start3A_144 = tpu.memref_slice %arg5[%mul3A_142] : memref<40960000xf32, #tpu.memory_space<hbm>> -> memref<10240xf32, #tpu.memory_space<hbm>>
          tpu.enqueue_dma source(%dma_start3A_144 : memref<10240xf32, #tpu.memory_space<hbm>>) target(%arg13 : memref<10240xf32, #tpu.memory_space<vmem>>) target_semaphore(%arg16 : memref<!tpu.dma_semaphore, #tpu.memory_space<semaphore_mem>>)
        } else {
        }
        %add3A_128 = arith.constant 1 : i32
        %add3A_129 = arith.addi %mul3A_88, %add3A_128 : i32
        %scan3A_130 = arith.constant 0 : i32
        %scan3A_131 = arith.constant 0 : i32
        %scan3A_132 = arith.constant 5 : i32
        %scan3A_133 = arith.addi %scan3A_131, %scan3A_132 : i32
        %scan3A_134 = arith.constant 1 : i32
        scf.for %scan3A_136 = %scan3A_131 to %scan3A_133 step %scan3A_134  : i32 {
          %mul3A_137 = arith.constant 2048 : i32
          %mul3A_138 = arith.muli %scan3A_136, %mul3A_137 : i32
          %add3A_139 = arith.constant 0 : i32
          %add3A_140 = arith.addi %mul3A_138, %add3A_139 : i32
          %add3A_141 = arith.constant 0 : i32
          %add3A_142 = arith.addi %add3A_140, %add3A_141 : i32
          %get3A_143 = arith.index_cast %add3A_142 : i32 to index
          %get3A_144 = tpu.vector_load %arg14[%get3A_143] {strides = array<i32>} : memref<10240xf32, #tpu.memory_space<vmem>>, vector<16xf32>,
          %mul3A_145 = arith.mulf %get3A_144, %get3A_3 : vector<16xf32>
          %add3A_146 = arith.constant 16 : i32
          %add3A_147 = arith.addi %add3A_140, %add3A_146 : i32
          %get3A_148 = arith.index_cast %add3A_147 : i32 to index
          %get3A_149 = tpu.vector_load %arg14[%get3A_148] {strides = array<i32>} : memref<10240xf32, #tpu.memory_space<vmem>>, vector<16xf32>,
          %mul3A_150 = arith.mulf %get3A_149, %get3A_5 : vector<16xf32>
          %add3A_151 = arith.constant 32 : i32
          %add3A_152 = arith.addi %add3A_140, %add3A_151 : i32
          %get3A_153 = arith.index_cast %add3A_152 : i32 to index
          %get3A_154 = tpu.vector_load %arg14[%get3A_153] {strides = array<i32>} : memref<10240xf32, #tpu.memory_space<vmem>>, vector<16xf32>,
          %mul3A_155 = arith.mulf %get3A_154, %get3A_7 : vector<16xf32>
          %add3A_156 = arith.constant 48 : i32
          %add3A_157 = arith.addi %add3A_140, %add3A_156 : i32
          %get3A_158 = arith.index_cast %add3A_157 : i32 to index
          %get3A_159 = tpu.vector_load %arg14[%get3A_158] {strides = array<i32>} : memref<10240xf32, #tpu.memory_space<vmem>>, vector<16xf32>,
          %mul3A_160 = arith.mulf %get3A_159, %get3A_9 : vector<16xf32>
          %add3A_161 = arith.constant 64 : i32
          %add3A_162 = arith.addi %add3A_140, %add3A_161 : i32
          %get3A_163 = arith.index_cast %add3A_162 : i32 to index
          %get3A_164 = tpu.vector_load %arg14[%get3A_163] {strides = array<i32>} : memref<10240xf32, #tpu.memory_space<vmem>>, vector<16xf32>,
          %mul3A_165 = arith.mulf %get3A_164, %get3A_11 : vector<16xf32>
          %add3A_166 = arith.constant 80 : i32
          %add3A_167 = arith.addi %add3A_140, %add3A_166 : i32
          %get3A_168 = arith.index_cast %add3A_167 : i32 to index
          %get3A_169 = tpu.vector_load %arg14[%get3A_168] {strides = array<i32>} : memref<10240xf32, #tpu.memory_space<vmem>>, vector<16xf32>,
          %mul3A_170 = arith.mulf %get3A_169, %get3A_13 : vector<16xf32>
          %add3A_171 = arith.constant 96 : i32
          %add3A_172 = arith.addi %add3A_140, %add3A_171 : i32
          %get3A_173 = arith.index_cast %add3A_172 : i32 to index
          %get3A_174 = tpu.vector_load %arg14[%get3A_173] {strides = array<i32>} : memref<10240xf32, #tpu.memory_space<vmem>>, vector<16xf32>,
          %mul3A_175 = arith.mulf %get3A_174, %get3A_15 : vector<16xf32>
          %add3A_176 = arith.constant 112 : i32
          %add3A_177 = arith.addi %add3A_140, %add3A_176 : i32
          %get3A_178 = arith.index_cast %add3A_177 : i32 to index
          %get3A_179 = tpu.vector_load %arg14[%get3A_178] {strides = array<i32>} : memref<10240xf32, #tpu.memory_space<vmem>>, vector<16xf32>,
          %mul3A_180 = arith.mulf %get3A_179, %get3A_17 : vector<16xf32>
          %add3A_181 = arith.addf %mul3A_145, %mul3A_150 : vector<16xf32>
          %add3A_182 = arith.addf %mul3A_155, %mul3A_160 : vector<16xf32>
          %add3A_183 = arith.addf %mul3A_165, %mul3A_170 : vector<16xf32>
          %add3A_184 = arith.addf %mul3A_175, %mul3A_180 : vector<16xf32>
          %add3A_185 = arith.addf %add3A_181, %add3A_182 : vector<16xf32>
          %add3A_186 = arith.addf %add3A_183, %add3A_184 : vector<16xf32>
          %add3A_187 = arith.addf %add3A_185, %add3A_186 : vector<16xf32>
          %add3A_188 = arith.constant 128 : i32
          %add3A_189 = arith.addi %mul3A_138, %add3A_188 : i32
          %add3A_190 = arith.constant 0 : i32
          %add3A_191 = arith.addi %add3A_189, %add3A_190 : i32
          %get3A_192 = arith.index_cast %add3A_191 : i32 to index
          %get3A_193 = tpu.vector_load %arg14[%get3A_192] {strides = array<i32>} : memref<10240xf32, #tpu.memory_space<vmem>>, vector<16xf32>,
          %mul3A_194 = arith.mulf %get3A_193, %get3A_3 : vector<16xf32>
          %add3A_195 = arith.constant 16 : i32
          %add3A_196 = arith.addi %add3A_189, %add3A_195 : i32
          %get3A_197 = arith.index_cast %add3A_196 : i32 to index
          %get3A_198 = tpu.vector_load %arg14[%get3A_197] {strides = array<i32>} : memref<10240xf32, #tpu.memory_space<vmem>>, vector<16xf32>,
          %mul3A_199 = arith.mulf %get3A_198, %get3A_5 : vector<16xf32>
          %add3A_200 = arith.constant 32 : i32
          %add3A_201 = arith.addi %add3A_189, %add3A_200 : i32
          %get3A_202 = arith.index_cast %add3A_201 : i32 to index
          %get3A_203 = tpu.vector_load %arg14[%get3A_202] {strides = array<i32>} : memref<10240xf32, #tpu.memory_space<vmem>>, vector<16xf32>,
          %mul3A_204 = arith.mulf %get3A_203, %get3A_7 : vector<16xf32>
          %add3A_205 = arith.constant 48 : i32
          %add3A_206 = arith.addi %add3A_189, %add3A_205 : i32
          %get3A_207 = arith.index_cast %add3A_206 : i32 to index
          %get3A_208 = tpu.vector_load %arg14[%get3A_207] {strides = array<i32>} : memref<10240xf32, #tpu.memory_space<vmem>>, vector<16xf32>,
          %mul3A_209 = arith.mulf %get3A_208, %get3A_9 : vector<16xf32>
          %add3A_210 = arith.constant 64 : i32
          %add3A_211 = arith.addi %add3A_189, %add3A_210 : i32
          %get3A_212 = arith.index_cast %add3A_211 : i32 to index
          %get3A_213 = tpu.vector_load %arg14[%get3A_212] {strides = array<i32>} : memref<10240xf32, #tpu.memory_space<vmem>>, vector<16xf32>,
          %mul3A_214 = arith.mulf %get3A_213, %get3A_11 : vector<16xf32>
          %add3A_215 = arith.constant 80 : i32
          %add3A_216 = arith.addi %add3A_189, %add3A_215 : i32
          %get3A_217 = arith.index_cast %add3A_216 : i32 to index
          %get3A_218 = tpu.vector_load %arg14[%get3A_217] {strides = array<i32>} : memref<10240xf32, #tpu.memory_space<vmem>>, vector<16xf32>,
          %mul3A_219 = arith.mulf %get3A_218, %get3A_13 : vector<16xf32>
          %add3A_220 = arith.constant 96 : i32
          %add3A_221 = arith.addi %add3A_189, %add3A_220 : i32
          %get3A_222 = arith.index_cast %add3A_221 : i32 to index
          %get3A_223 = tpu.vector_load %arg14[%get3A_222] {strides = array<i32>} : memref<10240xf32, #tpu.memory_space<vmem>>, vector<16xf32>,
          %mul3A_224 = arith.mulf %get3A_223, %get3A_15 : vector<16xf32>
          %add3A_225 = arith.constant 112 : i32
          %add3A_226 = arith.addi %add3A_189, %add3A_225 : i32
          %get3A_227 = arith.index_cast %add3A_226 : i32 to index
          %get3A_228 = tpu.vector_load %arg14[%get3A_227] {strides = array<i32>} : memref<10240xf32, #tpu.memory_space<vmem>>, vector<16xf32>,
          %mul3A_229 = arith.mulf %get3A_228, %get3A_17 : vector<16xf32>
          %add3A_230 = arith.addf %mul3A_194, %mul3A_199 : vector<16xf32>
          %add3A_231 = arith.addf %mul3A_204, %mul3A_209 : vector<16xf32>
          %add3A_232 = arith.addf %mul3A_214, %mul3A_219 : vector<16xf32>
          %add3A_233 = arith.addf %mul3A_224, %mul3A_229 : vector<16xf32>
          %add3A_234 = arith.addf %add3A_230, %add3A_231 : vector<16xf32>
          %add3A_235 = arith.addf %add3A_232, %add3A_233 : vector<16xf32>
          %add3A_236 = arith.addf %add3A_234, %add3A_235 : vector<16xf32>
          %add3A_237 = arith.constant 256 : i32
          %add3A_238 = arith.addi %mul3A_138, %add3A_237 : i32
          %add3A_239 = arith.constant 0 : i32
          %add3A_240 = arith.addi %add3A_238, %add3A_239 : i32
          %get3A_241 = arith.index_cast %add3A_240 : i32 to index
          %get3A_242 = tpu.vector_load %arg14[%get3A_241] {strides = array<i32>} : memref<10240xf32, #tpu.memory_space<vmem>>, vector<16xf32>,
          %mul3A_243 = arith.mulf %get3A_242, %get3A_3 : vector<16xf32>
          %add3A_244 = arith.constant 16 : i32
          %add3A_245 = arith.addi %add3A_238, %add3A_244 : i32
          %get3A_246 = arith.index_cast %add3A_245 : i32 to index
          %get3A_247 = tpu.vector_load %arg14[%get3A_246] {strides = array<i32>} : memref<10240xf32, #tpu.memory_space<vmem>>, vector<16xf32>,
          %mul3A_248 = arith.mulf %get3A_247, %get3A_5 : vector<16xf32>
          %add3A_249 = arith.constant 32 : i32
          %add3A_250 = arith.addi %add3A_238, %add3A_249 : i32
          %get3A_251 = arith.index_cast %add3A_250 : i32 to index
          %get3A_252 = tpu.vector_load %arg14[%get3A_251] {strides = array<i32>} : memref<10240xf32, #tpu.memory_space<vmem>>, vector<16xf32>,
          %mul3A_253 = arith.mulf %get3A_252, %get3A_7 : vector<16xf32>
          %add3A_254 = arith.constant 48 : i32
          %add3A_255 = arith.addi %add3A_238, %add3A_254 : i32
          %get3A_256 = arith.index_cast %add3A_255 : i32 to index
          %get3A_257 = tpu.vector_load %arg14[%get3A_256] {strides = array<i32>} : memref<10240xf32, #tpu.memory_space<vmem>>, vector<16xf32>,
          %mul3A_258 = arith.mulf %get3A_257, %get3A_9 : vector<16xf32>
          %add3A_259 = arith.constant 64 : i32
          %add3A_260 = arith.addi %add3A_238, %add3A_259 : i32
          %get3A_261 = arith.index_cast %add3A_260 : i32 to index
          %get3A_262 = tpu.vector_load %arg14[%get3A_261] {strides = array<i32>} : memref<10240xf32, #tpu.memory_space<vmem>>, vector<16xf32>,
          %mul3A_263 = arith.mulf %get3A_262, %get3A_11 : vector<16xf32>
          %add3A_264 = arith.constant 80 : i32
          %add3A_265 = arith.addi %add3A_238, %add3A_264 : i32
          %get3A_266 = arith.index_cast %add3A_265 : i32 to index
          %get3A_267 = tpu.vector_load %arg14[%get3A_266] {strides = array<i32>} : memref<10240xf32, #tpu.memory_space<vmem>>, vector<16xf32>,
          %mul3A_268 = arith.mulf %get3A_267, %get3A_13 : vector<16xf32>
          %add3A_269 = arith.constant 96 : i32
          %add3A_270 = arith.addi %add3A_238, %add3A_269 : i32
          %get3A_271 = arith.index_cast %add3A_270 : i32 to index
          %get3A_272 = tpu.vector_load %arg14[%get3A_271] {strides = array<i32>} : memref<10240xf32, #tpu.memory_space<vmem>>, vector<16xf32>,
          %mul3A_273 = arith.mulf %get3A_272, %get3A_15 : vector<16xf32>
          %add3A_274 = arith.constant 112 : i32
          %add3A_275 = arith.addi %add3A_238, %add3A_274 : i32
          %get3A_276 = arith.index_cast %add3A_275 : i32 to index
          %get3A_277 = tpu.vector_load %arg14[%get3A_276] {strides = array<i32>} : memref<10240xf32, #tpu.memory_space<vmem>>, vector<16xf32>,
          %mul3A_278 = arith.mulf %get3A_277, %get3A_17 : vector<16xf32>
          %add3A_279 = arith.addf %mul3A_243, %mul3A_248 : vector<16xf32>
          %add3A_280 = arith.addf %mul3A_253, %mul3A_258 : vector<16xf32>
          %add3A_281 = arith.addf %mul3A_263, %mul3A_268 : vector<16xf32>
          %add3A_282 = arith.addf %mul3A_273, %mul3A_278 : vector<16xf32>
          %add3A_283 = arith.addf %add3A_279, %add3A_280 : vector<16xf32>
          %add3A_284 = arith.addf %add3A_281, %add3A_282 : vector<16xf32>
          %add3A_285 = arith.addf %add3A_283, %add3A_284 : vector<16xf32>
          %add3A_286 = arith.constant 384 : i32
          %add3A_287 = arith.addi %mul3A_138, %add3A_286 : i32
          %add3A_288 = arith.constant 0 : i32
          %add3A_289 = arith.addi %add3A_287, %add3A_288 : i32
          %get3A_290 = arith.index_cast %add3A_289 : i32 to index
          %get3A_291 = tpu.vector_load %arg14[%get3A_290] {strides = array<i32>} : memref<10240xf32, #tpu.memory_space<vmem>>, vector<16xf32>,
          %mul3A_292 = arith.mulf %get3A_291, %get3A_3 : vector<16xf32>
          %add3A_293 = arith.constant 16 : i32
          %add3A_294 = arith.addi %add3A_287, %add3A_293 : i32
          %get3A_295 = arith.index_cast %add3A_294 : i32 to index
          %get3A_296 = tpu.vector_load %arg14[%get3A_295] {strides = array<i32>} : memref<10240xf32, #tpu.memory_space<vmem>>, vector<16xf32>,
          %mul3A_297 = arith.mulf %get3A_296, %get3A_5 : vector<16xf32>
          %add3A_298 = arith.constant 32 : i32
          %add3A_299 = arith.addi %add3A_287, %add3A_298 : i32
          %get3A_300 = arith.index_cast %add3A_299 : i32 to index
          %get3A_301 = tpu.vector_load %arg14[%get3A_300] {strides = array<i32>} : memref<10240xf32, #tpu.memory_space<vmem>>, vector<16xf32>,
          %mul3A_302 = arith.mulf %get3A_301, %get3A_7 : vector<16xf32>
          %add3A_303 = arith.constant 48 : i32
          %add3A_304 = arith.addi %add3A_287, %add3A_303 : i32
          %get3A_305 = arith.index_cast %add3A_304 : i32 to index
          %get3A_306 = tpu.vector_load %arg14[%get3A_305] {strides = array<i32>} : memref<10240xf32, #tpu.memory_space<vmem>>, vector<16xf32>,
          %mul3A_307 = arith.mulf %get3A_306, %get3A_9 : vector<16xf32>
          %add3A_308 = arith.constant 64 : i32
          %add3A_309 = arith.addi %add3A_287, %add3A_308 : i32
          %get3A_310 = arith.index_cast %add3A_309 : i32 to index
          %get3A_311 = tpu.vector_load %arg14[%get3A_310] {strides = array<i32>} : memref<10240xf32, #tpu.memory_space<vmem>>, vector<16xf32>,
          %mul3A_312 = arith.mulf %get3A_311, %get3A_11 : vector<16xf32>
          %add3A_313 = arith.constant 80 : i32
          %add3A_314 = arith.addi %add3A_287, %add3A_313 : i32
          %get3A_315 = arith.index_cast %add3A_314 : i32 to index
          %get3A_316 = tpu.vector_load %arg14[%get3A_315] {strides = array<i32>} : memref<10240xf32, #tpu.memory_space<vmem>>, vector<16xf32>,
          %mul3A_317 = arith.mulf %get3A_316, %get3A_13 : vector<16xf32>
          %add3A_318 = arith.constant 96 : i32
          %add3A_319 = arith.addi %add3A_287, %add3A_318 : i32
          %get3A_320 = arith.index_cast %add3A_319 : i32 to index
          %get3A_321 = tpu.vector_load %arg14[%get3A_320] {strides = array<i32>} : memref<10240xf32, #tpu.memory_space<vmem>>, vector<16xf32>,
          %mul3A_322 = arith.mulf %get3A_321, %get3A_15 : vector<16xf32>
          %add3A_323 = arith.constant 112 : i32
          %add3A_324 = arith.addi %add3A_287, %add3A_323 : i32
          %get3A_325 = arith.index_cast %add3A_324 : i32 to index
          %get3A_326 = tpu.vector_load %arg14[%get3A_325] {strides = array<i32>} : memref<10240xf32, #tpu.memory_space<vmem>>, vector<16xf32>,
          %mul3A_327 = arith.mulf %get3A_326, %get3A_17 : vector<16xf32>
          %add3A_328 = arith.addf %mul3A_292, %mul3A_297 : vector<16xf32>
          %add3A_329 = arith.addf %mul3A_302, %mul3A_307 : vector<16xf32>
          %add3A_330 = arith.addf %mul3A_312, %mul3A_317 : vector<16xf32>
          %add3A_331 = arith.addf %mul3A_322, %mul3A_327 : vector<16xf32>
          %add3A_332 = arith.addf %add3A_328, %add3A_329 : vector<16xf32>
          %add3A_333 = arith.addf %add3A_330, %add3A_331 : vector<16xf32>
          %add3A_334 = arith.addf %add3A_332, %add3A_333 : vector<16xf32>
          %add3A_335 = arith.constant 512 : i32
          %add3A_336 = arith.addi %mul3A_138, %add3A_335 : i32
          %add3A_337 = arith.constant 0 : i32
          %add3A_338 = arith.addi %add3A_336, %add3A_337 : i32
          %get3A_339 = arith.index_cast %add3A_338 : i32 to index
          %get3A_340 = tpu.vector_load %arg14[%get3A_339] {strides = array<i32>} : memref<10240xf32, #tpu.memory_space<vmem>>, vector<16xf32>,
          %mul3A_341 = arith.mulf %get3A_340, %get3A_3 : vector<16xf32>
          %add3A_342 = arith.constant 16 : i32
          %add3A_343 = arith.addi %add3A_336, %add3A_342 : i32
          %get3A_344 = arith.index_cast %add3A_343 : i32 to index
          %get3A_345 = tpu.vector_load %arg14[%get3A_344] {strides = array<i32>} : memref<10240xf32, #tpu.memory_space<vmem>>, vector<16xf32>,
          %mul3A_346 = arith.mulf %get3A_345, %get3A_5 : vector<16xf32>
          %add3A_347 = arith.constant 32 : i32
          %add3A_348 = arith.addi %add3A_336, %add3A_347 : i32
          %get3A_349 = arith.index_cast %add3A_348 : i32 to index
          %get3A_350 = tpu.vector_load %arg14[%get3A_349] {strides = array<i32>} : memref<10240xf32, #tpu.memory_space<vmem>>, vector<16xf32>,
          %mul3A_351 = arith.mulf %get3A_350, %get3A_7 : vector<16xf32>
          %add3A_352 = arith.constant 48 : i32
          %add3A_353 = arith.addi %add3A_336, %add3A_352 : i32
          %get3A_354 = arith.index_cast %add3A_353 : i32 to index
          %get3A_355 = tpu.vector_load %arg14[%get3A_354] {strides = array<i32>} : memref<10240xf32, #tpu.memory_space<vmem>>, vector<16xf32>,
          %mul3A_356 = arith.mulf %get3A_355, %get3A_9 : vector<16xf32>
          %add3A_357 = arith.constant 64 : i32
          %add3A_358 = arith.addi %add3A_336, %add3A_357 : i32
          %get3A_359 = arith.index_cast %add3A_358 : i32 to index
          %get3A_360 = tpu.vector_load %arg14[%get3A_359] {strides = array<i32>} : memref<10240xf32, #tpu.memory_space<vmem>>, vector<16xf32>,
          %mul3A_361 = arith.mulf %get3A_360, %get3A_11 : vector<16xf32>
          %add3A_362 = arith.constant 80 : i32
          %add3A_363 = arith.addi %add3A_336, %add3A_362 : i32
          %get3A_364 = arith.index_cast %add3A_363 : i32 to index
          %get3A_365 = tpu.vector_load %arg14[%get3A_364] {strides = array<i32>} : memref<10240xf32, #tpu.memory_space<vmem>>, vector<16xf32>,
          %mul3A_366 = arith.mulf %get3A_365, %get3A_13 : vector<16xf32>
          %add3A_367 = arith.constant 96 : i32
          %add3A_368 = arith.addi %add3A_336, %add3A_367 : i32
          %get3A_369 = arith.index_cast %add3A_368 : i32 to index
          %get3A_370 = tpu.vector_load %arg14[%get3A_369] {strides = array<i32>} : memref<10240xf32, #tpu.memory_space<vmem>>, vector<16xf32>,
          %mul3A_371 = arith.mulf %get3A_370, %get3A_15 : vector<16xf32>
          %add3A_372 = arith.constant 112 : i32
          %add3A_373 = arith.addi %add3A_336, %add3A_372 : i32
          %get3A_374 = arith.index_cast %add3A_373 : i32 to index
          %get3A_375 = tpu.vector_load %arg14[%get3A_374] {strides = array<i32>} : memref<10240xf32, #tpu.memory_space<vmem>>, vector<16xf32>,
          %mul3A_376 = arith.mulf %get3A_375, %get3A_17 : vector<16xf32>
          %add3A_377 = arith.addf %mul3A_341, %mul3A_346 : vector<16xf32>
          %add3A_378 = arith.addf %mul3A_351, %mul3A_356 : vector<16xf32>
          %add3A_379 = arith.addf %mul3A_361, %mul3A_366 : vector<16xf32>
          %add3A_380 = arith.addf %mul3A_371, %mul3A_376 : vector<16xf32>
          %add3A_381 = arith.addf %add3A_377, %add3A_378 : vector<16xf32>
          %add3A_382 = arith.addf %add3A_379, %add3A_380 : vector<16xf32>
          %add3A_383 = arith.addf %add3A_381, %add3A_382 : vector<16xf32>
          %add3A_384 = arith.constant 640 : i32
          %add3A_385 = arith.addi %mul3A_138, %add3A_384 : i32
          %add3A_386 = arith.constant 0 : i32
          %add3A_387 = arith.addi %add3A_385, %add3A_386 : i32
          %get3A_388 = arith.index_cast %add3A_387 : i32 to index
          %get3A_389 = tpu.vector_load %arg14[%get3A_388] {strides = array<i32>} : memref<10240xf32, #tpu.memory_space<vmem>>, vector<16xf32>,
          %mul3A_390 = arith.mulf %get3A_389, %get3A_3 : vector<16xf32>
          %add3A_391 = arith.constant 16 : i32
          %add3A_392 = arith.addi %add3A_385, %add3A_391 : i32
          %get3A_393 = arith.index_cast %add3A_392 : i32 to index
          %get3A_394 = tpu.vector_load %arg14[%get3A_393] {strides = array<i32>} : memref<10240xf32, #tpu.memory_space<vmem>>, vector<16xf32>,
          %mul3A_395 = arith.mulf %get3A_394, %get3A_5 : vector<16xf32>
          %add3A_396 = arith.constant 32 : i32
          %add3A_397 = arith.addi %add3A_385, %add3A_396 : i32
          %get3A_398 = arith.index_cast %add3A_397 : i32 to index
          %get3A_399 = tpu.vector_load %arg14[%get3A_398] {strides = array<i32>} : memref<10240xf32, #tpu.memory_space<vmem>>, vector<16xf32>,
          %mul3A_400 = arith.mulf %get3A_399, %get3A_7 : vector<16xf32>
          %add3A_401 = arith.constant 48 : i32
          %add3A_402 = arith.addi %add3A_385, %add3A_401 : i32
          %get3A_403 = arith.index_cast %add3A_402 : i32 to index
          %get3A_404 = tpu.vector_load %arg14[%get3A_403] {strides = array<i32>} : memref<10240xf32, #tpu.memory_space<vmem>>, vector<16xf32>,
          %mul3A_405 = arith.mulf %get3A_404, %get3A_9 : vector<16xf32>
          %add3A_406 = arith.constant 64 : i32
          %add3A_407 = arith.addi %add3A_385, %add3A_406 : i32
          %get3A_408 = arith.index_cast %add3A_407 : i32 to index
          %get3A_409 = tpu.vector_load %arg14[%get3A_408] {strides = array<i32>} : memref<10240xf32, #tpu.memory_space<vmem>>, vector<16xf32>,
          %mul3A_410 = arith.mulf %get3A_409, %get3A_11 : vector<16xf32>
          %add3A_411 = arith.constant 80 : i32
          %add3A_412 = arith.addi %add3A_385, %add3A_411 : i32
          %get3A_413 = arith.index_cast %add3A_412 : i32 to index
          %get3A_414 = tpu.vector_load %arg14[%get3A_413] {strides = array<i32>} : memref<10240xf32, #tpu.memory_space<vmem>>, vector<16xf32>,
          %mul3A_415 = arith.mulf %get3A_414, %get3A_13 : vector<16xf32>
          %add3A_416 = arith.constant 96 : i32
          %add3A_417 = arith.addi %add3A_385, %add3A_416 : i32
          %get3A_418 = arith.index_cast %add3A_417 : i32 to index
          %get3A_419 = tpu.vector_load %arg14[%get3A_418] {strides = array<i32>} : memref<10240xf32, #tpu.memory_space<vmem>>, vector<16xf32>,
          %mul3A_420 = arith.mulf %get3A_419, %get3A_15 : vector<16xf32>
          %add3A_421 = arith.constant 112 : i32
          %add3A_422 = arith.addi %add3A_385, %add3A_421 : i32
          %get3A_423 = arith.index_cast %add3A_422 : i32 to index
          %get3A_424 = tpu.vector_load %arg14[%get3A_423] {strides = array<i32>} : memref<10240xf32, #tpu.memory_space<vmem>>, vector<16xf32>,
          %mul3A_425 = arith.mulf %get3A_424, %get3A_17 : vector<16xf32>
          %add3A_426 = arith.addf %mul3A_390, %mul3A_395 : vector<16xf32>
          %add3A_427 = arith.addf %mul3A_400, %mul3A_405 : vector<16xf32>
          %add3A_428 = arith.addf %mul3A_410, %mul3A_415 : vector<16xf32>
          %add3A_429 = arith.addf %mul3A_420, %mul3A_425 : vector<16xf32>
          %add3A_430 = arith.addf %add3A_426, %add3A_427 : vector<16xf32>
          %add3A_431 = arith.addf %add3A_428, %add3A_429 : vector<16xf32>
          %add3A_432 = arith.addf %add3A_430, %add3A_431 : vector<16xf32>
          %add3A_433 = arith.constant 768 : i32
          %add3A_434 = arith.addi %mul3A_138, %add3A_433 : i32
          %add3A_435 = arith.constant 0 : i32
          %add3A_436 = arith.addi %add3A_434, %add3A_435 : i32
          %get3A_437 = arith.index_cast %add3A_436 : i32 to index
          %get3A_438 = tpu.vector_load %arg14[%get3A_437] {strides = array<i32>} : memref<10240xf32, #tpu.memory_space<vmem>>, vector<16xf32>,
          %mul3A_439 = arith.mulf %get3A_438, %get3A_3 : vector<16xf32>
          %add3A_440 = arith.constant 16 : i32
          %add3A_441 = arith.addi %add3A_434, %add3A_440 : i32
          %get3A_442 = arith.index_cast %add3A_441 : i32 to index
          %get3A_443 = tpu.vector_load %arg14[%get3A_442] {strides = array<i32>} : memref<10240xf32, #tpu.memory_space<vmem>>, vector<16xf32>,
          %mul3A_444 = arith.mulf %get3A_443, %get3A_5 : vector<16xf32>
          %add3A_445 = arith.constant 32 : i32
          %add3A_446 = arith.addi %add3A_434, %add3A_445 : i32
          %get3A_447 = arith.index_cast %add3A_446 : i32 to index
          %get3A_448 = tpu.vector_load %arg14[%get3A_447] {strides = array<i32>} : memref<10240xf32, #tpu.memory_space<vmem>>, vector<16xf32>,
          %mul3A_449 = arith.mulf %get3A_448, %get3A_7 : vector<16xf32>
          %add3A_450 = arith.constant 48 : i32
          %add3A_451 = arith.addi %add3A_434, %add3A_450 : i32
          %get3A_452 = arith.index_cast %add3A_451 : i32 to index
          %get3A_453 = tpu.vector_load %arg14[%get3A_452] {strides = array<i32>} : memref<10240xf32, #tpu.memory_space<vmem>>, vector<16xf32>,
          %mul3A_454 = arith.mulf %get3A_453, %get3A_9 : vector<16xf32>
          %add3A_455 = arith.constant 64 : i32
          %add3A_456 = arith.addi %add3A_434, %add3A_455 : i32
          %get3A_457 = arith.index_cast %add3A_456 : i32 to index
          %get3A_458 = tpu.vector_load %arg14[%get3A_457] {strides = array<i32>} : memref<10240xf32, #tpu.memory_space<vmem>>, vector<16xf32>,
          %mul3A_459 = arith.mulf %get3A_458, %get3A_11 : vector<16xf32>
          %add3A_460 = arith.constant 80 : i32
          %add3A_461 = arith.addi %add3A_434, %add3A_460 : i32
          %get3A_462 = arith.index_cast %add3A_461 : i32 to index
          %get3A_463 = tpu.vector_load %arg14[%get3A_462] {strides = array<i32>} : memref<10240xf32, #tpu.memory_space<vmem>>, vector<16xf32>,
          %mul3A_464 = arith.mulf %get3A_463, %get3A_13 : vector<16xf32>
          %add3A_465 = arith.constant 96 : i32
          %add3A_466 = arith.addi %add3A_434, %add3A_465 : i32
          %get3A_467 = arith.index_cast %add3A_466 : i32 to index
          %get3A_468 = tpu.vector_load %arg14[%get3A_467] {strides = array<i32>} : memref<10240xf32, #tpu.memory_space<vmem>>, vector<16xf32>,
          %mul3A_469 = arith.mulf %get3A_468, %get3A_15 : vector<16xf32>
          %add3A_470 = arith.constant 112 : i32
          %add3A_471 = arith.addi %add3A_434, %add3A_470 : i32
          %get3A_472 = arith.index_cast %add3A_471 : i32 to index
          %get3A_473 = tpu.vector_load %arg14[%get3A_472] {strides = array<i32>} : memref<10240xf32, #tpu.memory_space<vmem>>, vector<16xf32>,
          %mul3A_474 = arith.mulf %get3A_473, %get3A_17 : vector<16xf32>
          %add3A_475 = arith.addf %mul3A_439, %mul3A_444 : vector<16xf32>
          %add3A_476 = arith.addf %mul3A_449, %mul3A_454 : vector<16xf32>
          %add3A_477 = arith.addf %mul3A_459, %mul3A_464 : vector<16xf32>
          %add3A_478 = arith.addf %mul3A_469, %mul3A_474 : vector<16xf32>
          %add3A_479 = arith.addf %add3A_475, %add3A_476 : vector<16xf32>
          %add3A_480 = arith.addf %add3A_477, %add3A_478 : vector<16xf32>
          %add3A_481 = arith.addf %add3A_479, %add3A_480 : vector<16xf32>
          %add3A_482 = arith.constant 896 : i32
          %add3A_483 = arith.addi %mul3A_138, %add3A_482 : i32
          %add3A_484 = arith.constant 0 : i32
          %add3A_485 = arith.addi %add3A_483, %add3A_484 : i32
          %get3A_486 = arith.index_cast %add3A_485 : i32 to index
          %get3A_487 = tpu.vector_load %arg14[%get3A_486] {strides = array<i32>} : memref<10240xf32, #tpu.memory_space<vmem>>, vector<16xf32>,
          %mul3A_488 = arith.mulf %get3A_487, %get3A_3 : vector<16xf32>
          %add3A_489 = arith.constant 16 : i32
          %add3A_490 = arith.addi %add3A_483, %add3A_489 : i32
          %get3A_491 = arith.index_cast %add3A_490 : i32 to index
          %get3A_492 = tpu.vector_load %arg14[%get3A_491] {strides = array<i32>} : memref<10240xf32, #tpu.memory_space<vmem>>, vector<16xf32>,
          %mul3A_493 = arith.mulf %get3A_492, %get3A_5 : vector<16xf32>
          %add3A_494 = arith.constant 32 : i32
          %add3A_495 = arith.addi %add3A_483, %add3A_494 : i32
          %get3A_496 = arith.index_cast %add3A_495 : i32 to index
          %get3A_497 = tpu.vector_load %arg14[%get3A_496] {strides = array<i32>} : memref<10240xf32, #tpu.memory_space<vmem>>, vector<16xf32>,
          %mul3A_498 = arith.mulf %get3A_497, %get3A_7 : vector<16xf32>
          %add3A_499 = arith.constant 48 : i32
          %add3A_500 = arith.addi %add3A_483, %add3A_499 : i32
          %get3A_501 = arith.index_cast %add3A_500 : i32 to index
          %get3A_502 = tpu.vector_load %arg14[%get3A_501] {strides = array<i32>} : memref<10240xf32, #tpu.memory_space<vmem>>, vector<16xf32>,
          %mul3A_503 = arith.mulf %get3A_502, %get3A_9 : vector<16xf32>
          %add3A_504 = arith.constant 64 : i32
          %add3A_505 = arith.addi %add3A_483, %add3A_504 : i32
          %get3A_506 = arith.index_cast %add3A_505 : i32 to index
          %get3A_507 = tpu.vector_load %arg14[%get3A_506] {strides = array<i32>} : memref<10240xf32, #tpu.memory_space<vmem>>, vector<16xf32>,
          %mul3A_508 = arith.mulf %get3A_507, %get3A_11 : vector<16xf32>
          %add3A_509 = arith.constant 80 : i32
          %add3A_510 = arith.addi %add3A_483, %add3A_509 : i32
          %get3A_511 = arith.index_cast %add3A_510 : i32 to index
          %get3A_512 = tpu.vector_load %arg14[%get3A_511] {strides = array<i32>} : memref<10240xf32, #tpu.memory_space<vmem>>, vector<16xf32>,
          %mul3A_513 = arith.mulf %get3A_512, %get3A_13 : vector<16xf32>
          %add3A_514 = arith.constant 96 : i32
          %add3A_515 = arith.addi %add3A_483, %add3A_514 : i32
          %get3A_516 = arith.index_cast %add3A_515 : i32 to index
          %get3A_517 = tpu.vector_load %arg14[%get3A_516] {strides = array<i32>} : memref<10240xf32, #tpu.memory_space<vmem>>, vector<16xf32>,
          %mul3A_518 = arith.mulf %get3A_517, %get3A_15 : vector<16xf32>
          %add3A_519 = arith.constant 112 : i32
          %add3A_520 = arith.addi %add3A_483, %add3A_519 : i32
          %get3A_521 = arith.index_cast %add3A_520 : i32 to index
          %get3A_522 = tpu.vector_load %arg14[%get3A_521] {strides = array<i32>} : memref<10240xf32, #tpu.memory_space<vmem>>, vector<16xf32>,
          %mul3A_523 = arith.mulf %get3A_522, %get3A_17 : vector<16xf32>
          %add3A_524 = arith.addf %mul3A_488, %mul3A_493 : vector<16xf32>
          %add3A_525 = arith.addf %mul3A_498, %mul3A_503 : vector<16xf32>
          %add3A_526 = arith.addf %mul3A_508, %mul3A_513 : vector<16xf32>
          %add3A_527 = arith.addf %mul3A_518, %mul3A_523 : vector<16xf32>
          %add3A_528 = arith.addf %add3A_524, %add3A_525 : vector<16xf32>
          %add3A_529 = arith.addf %add3A_526, %add3A_527 : vector<16xf32>
          %add3A_530 = arith.addf %add3A_528, %add3A_529 : vector<16xf32>
          %add3A_531 = arith.constant 1024 : i32
          %add3A_532 = arith.addi %mul3A_138, %add3A_531 : i32
          %add3A_533 = arith.constant 0 : i32
          %add3A_534 = arith.addi %add3A_532, %add3A_533 : i32
          %get3A_535 = arith.index_cast %add3A_534 : i32 to index
          %get3A_536 = tpu.vector_load %arg14[%get3A_535] {strides = array<i32>} : memref<10240xf32, #tpu.memory_space<vmem>>, vector<16xf32>,
          %mul3A_537 = arith.mulf %get3A_536, %get3A_3 : vector<16xf32>
          %add3A_538 = arith.constant 16 : i32
          %add3A_539 = arith.addi %add3A_532, %add3A_538 : i32
          %get3A_540 = arith.index_cast %add3A_539 : i32 to index
          %get3A_541 = tpu.vector_load %arg14[%get3A_540] {strides = array<i32>} : memref<10240xf32, #tpu.memory_space<vmem>>, vector<16xf32>,
          %mul3A_542 = arith.mulf %get3A_541, %get3A_5 : vector<16xf32>
          %add3A_543 = arith.constant 32 : i32
          %add3A_544 = arith.addi %add3A_532, %add3A_543 : i32
          %get3A_545 = arith.index_cast %add3A_544 : i32 to index
          %get3A_546 = tpu.vector_load %arg14[%get3A_545] {strides = array<i32>} : memref<10240xf32, #tpu.memory_space<vmem>>, vector<16xf32>,
          %mul3A_547 = arith.mulf %get3A_546, %get3A_7 : vector<16xf32>
          %add3A_548 = arith.constant 48 : i32
          %add3A_549 = arith.addi %add3A_532, %add3A_548 : i32
          %get3A_550 = arith.index_cast %add3A_549 : i32 to index
          %get3A_551 = tpu.vector_load %arg14[%get3A_550] {strides = array<i32>} : memref<10240xf32, #tpu.memory_space<vmem>>, vector<16xf32>,
          %mul3A_552 = arith.mulf %get3A_551, %get3A_9 : vector<16xf32>
          %add3A_553 = arith.constant 64 : i32
          %add3A_554 = arith.addi %add3A_532, %add3A_553 : i32
          %get3A_555 = arith.index_cast %add3A_554 : i32 to index
          %get3A_556 = tpu.vector_load %arg14[%get3A_555] {strides = array<i32>} : memref<10240xf32, #tpu.memory_space<vmem>>, vector<16xf32>,
          %mul3A_557 = arith.mulf %get3A_556, %get3A_11 : vector<16xf32>
          %add3A_558 = arith.constant 80 : i32
          %add3A_559 = arith.addi %add3A_532, %add3A_558 : i32
          %get3A_560 = arith.index_cast %add3A_559 : i32 to index
          %get3A_561 = tpu.vector_load %arg14[%get3A_560] {strides = array<i32>} : memref<10240xf32, #tpu.memory_space<vmem>>, vector<16xf32>,
          %mul3A_562 = arith.mulf %get3A_561, %get3A_13 : vector<16xf32>
          %add3A_563 = arith.constant 96 : i32
          %add3A_564 = arith.addi %add3A_532, %add3A_563 : i32
          %get3A_565 = arith.index_cast %add3A_564 : i32 to index
          %get3A_566 = tpu.vector_load %arg14[%get3A_565] {strides = array<i32>} : memref<10240xf32, #tpu.memory_space<vmem>>, vector<16xf32>,
          %mul3A_567 = arith.mulf %get3A_566, %get3A_15 : vector<16xf32>
          %add3A_568 = arith.constant 112 : i32
          %add3A_569 = arith.addi %add3A_532, %add3A_568 : i32
          %get3A_570 = arith.index_cast %add3A_569 : i32 to index
          %get3A_571 = tpu.vector_load %arg14[%get3A_570] {strides = array<i32>} : memref<10240xf32, #tpu.memory_space<vmem>>, vector<16xf32>,
          %mul3A_572 = arith.mulf %get3A_571, %get3A_17 : vector<16xf32>
          %add3A_573 = arith.addf %mul3A_537, %mul3A_542 : vector<16xf32>
          %add3A_574 = arith.addf %mul3A_547, %mul3A_552 : vector<16xf32>
          %add3A_575 = arith.addf %mul3A_557, %mul3A_562 : vector<16xf32>
          %add3A_576 = arith.addf %mul3A_567, %mul3A_572 : vector<16xf32>
          %add3A_577 = arith.addf %add3A_573, %add3A_574 : vector<16xf32>
          %add3A_578 = arith.addf %add3A_575, %add3A_576 : vector<16xf32>
          %add3A_579 = arith.addf %add3A_577, %add3A_578 : vector<16xf32>
          %add3A_580 = arith.constant 1152 : i32
          %add3A_581 = arith.addi %mul3A_138, %add3A_580 : i32
          %add3A_582 = arith.constant 0 : i32
          %add3A_583 = arith.addi %add3A_581, %add3A_582 : i32
          %get3A_584 = arith.index_cast %add3A_583 : i32 to index
          %get3A_585 = tpu.vector_load %arg14[%get3A_584] {strides = array<i32>} : memref<10240xf32, #tpu.memory_space<vmem>>, vector<16xf32>,
          %mul3A_586 = arith.mulf %get3A_585, %get3A_3 : vector<16xf32>
          %add3A_587 = arith.constant 16 : i32
          %add3A_588 = arith.addi %add3A_581, %add3A_587 : i32
          %get3A_589 = arith.index_cast %add3A_588 : i32 to index
          %get3A_590 = tpu.vector_load %arg14[%get3A_589] {strides = array<i32>} : memref<10240xf32, #tpu.memory_space<vmem>>, vector<16xf32>,
          %mul3A_591 = arith.mulf %get3A_590, %get3A_5 : vector<16xf32>
          %add3A_592 = arith.constant 32 : i32
          %add3A_593 = arith.addi %add3A_581, %add3A_592 : i32
          %get3A_594 = arith.index_cast %add3A_593 : i32 to index
          %get3A_595 = tpu.vector_load %arg14[%get3A_594] {strides = array<i32>} : memref<10240xf32, #tpu.memory_space<vmem>>, vector<16xf32>,
          %mul3A_596 = arith.mulf %get3A_595, %get3A_7 : vector<16xf32>
          %add3A_597 = arith.constant 48 : i32
          %add3A_598 = arith.addi %add3A_581, %add3A_597 : i32
          %get3A_599 = arith.index_cast %add3A_598 : i32 to index
          %get3A_600 = tpu.vector_load %arg14[%get3A_599] {strides = array<i32>} : memref<10240xf32, #tpu.memory_space<vmem>>, vector<16xf32>,
          %mul3A_601 = arith.mulf %get3A_600, %get3A_9 : vector<16xf32>
          %add3A_602 = arith.constant 64 : i32
          %add3A_603 = arith.addi %add3A_581, %add3A_602 : i32
          %get3A_604 = arith.index_cast %add3A_603 : i32 to index
          %get3A_605 = tpu.vector_load %arg14[%get3A_604] {strides = array<i32>} : memref<10240xf32, #tpu.memory_space<vmem>>, vector<16xf32>,
          %mul3A_606 = arith.mulf %get3A_605, %get3A_11 : vector<16xf32>
          %add3A_607 = arith.constant 80 : i32
          %add3A_608 = arith.addi %add3A_581, %add3A_607 : i32
          %get3A_609 = arith.index_cast %add3A_608 : i32 to index
          %get3A_610 = tpu.vector_load %arg14[%get3A_609] {strides = array<i32>} : memref<10240xf32, #tpu.memory_space<vmem>>, vector<16xf32>,
          %mul3A_611 = arith.mulf %get3A_610, %get3A_13 : vector<16xf32>
          %add3A_612 = arith.constant 96 : i32
          %add3A_613 = arith.addi %add3A_581, %add3A_612 : i32
          %get3A_614 = arith.index_cast %add3A_613 : i32 to index
          %get3A_615 = tpu.vector_load %arg14[%get3A_614] {strides = array<i32>} : memref<10240xf32, #tpu.memory_space<vmem>>, vector<16xf32>,
          %mul3A_616 = arith.mulf %get3A_615, %get3A_15 : vector<16xf32>
          %add3A_617 = arith.constant 112 : i32
          %add3A_618 = arith.addi %add3A_581, %add3A_617 : i32
          %get3A_619 = arith.index_cast %add3A_618 : i32 to index
          %get3A_620 = tpu.vector_load %arg14[%get3A_619] {strides = array<i32>} : memref<10240xf32, #tpu.memory_space<vmem>>, vector<16xf32>,
          %mul3A_621 = arith.mulf %get3A_620, %get3A_17 : vector<16xf32>
          %add3A_622 = arith.addf %mul3A_586, %mul3A_591 : vector<16xf32>
          %add3A_623 = arith.addf %mul3A_596, %mul3A_601 : vector<16xf32>
          %add3A_624 = arith.addf %mul3A_606, %mul3A_611 : vector<16xf32>
          %add3A_625 = arith.addf %mul3A_616, %mul3A_621 : vector<16xf32>
          %add3A_626 = arith.addf %add3A_622, %add3A_623 : vector<16xf32>
          %add3A_627 = arith.addf %add3A_624, %add3A_625 : vector<16xf32>
          %add3A_628 = arith.addf %add3A_626, %add3A_627 : vector<16xf32>
          %add3A_629 = arith.constant 1280 : i32
          %add3A_630 = arith.addi %mul3A_138, %add3A_629 : i32
          %add3A_631 = arith.constant 0 : i32
          %add3A_632 = arith.addi %add3A_630, %add3A_631 : i32
          %get3A_633 = arith.index_cast %add3A_632 : i32 to index
          %get3A_634 = tpu.vector_load %arg14[%get3A_633] {strides = array<i32>} : memref<10240xf32, #tpu.memory_space<vmem>>, vector<16xf32>,
          %mul3A_635 = arith.mulf %get3A_634, %get3A_3 : vector<16xf32>
          %add3A_636 = arith.constant 16 : i32
          %add3A_637 = arith.addi %add3A_630, %add3A_636 : i32
          %get3A_638 = arith.index_cast %add3A_637 : i32 to index
          %get3A_639 = tpu.vector_load %arg14[%get3A_638] {strides = array<i32>} : memref<10240xf32, #tpu.memory_space<vmem>>, vector<16xf32>,
          %mul3A_640 = arith.mulf %get3A_639, %get3A_5 : vector<16xf32>
          %add3A_641 = arith.constant 32 : i32
          %add3A_642 = arith.addi %add3A_630, %add3A_641 : i32
          %get3A_643 = arith.index_cast %add3A_642 : i32 to index
          %get3A_644 = tpu.vector_load %arg14[%get3A_643] {strides = array<i32>} : memref<10240xf32, #tpu.memory_space<vmem>>, vector<16xf32>,
          %mul3A_645 = arith.mulf %get3A_644, %get3A_7 : vector<16xf32>
          %add3A_646 = arith.constant 48 : i32
          %add3A_647 = arith.addi %add3A_630, %add3A_646 : i32
          %get3A_648 = arith.index_cast %add3A_647 : i32 to index
          %get3A_649 = tpu.vector_load %arg14[%get3A_648] {strides = array<i32>} : memref<10240xf32, #tpu.memory_space<vmem>>, vector<16xf32>,
          %mul3A_650 = arith.mulf %get3A_649, %get3A_9 : vector<16xf32>
          %add3A_651 = arith.constant 64 : i32
          %add3A_652 = arith.addi %add3A_630, %add3A_651 : i32
          %get3A_653 = arith.index_cast %add3A_652 : i32 to index
          %get3A_654 = tpu.vector_load %arg14[%get3A_653] {strides = array<i32>} : memref<10240xf32, #tpu.memory_space<vmem>>, vector<16xf32>,
          %mul3A_655 = arith.mulf %get3A_654, %get3A_11 : vector<16xf32>
          %add3A_656 = arith.constant 80 : i32
          %add3A_657 = arith.addi %add3A_630, %add3A_656 : i32
          %get3A_658 = arith.index_cast %add3A_657 : i32 to index
          %get3A_659 = tpu.vector_load %arg14[%get3A_658] {strides = array<i32>} : memref<10240xf32, #tpu.memory_space<vmem>>, vector<16xf32>,
          %mul3A_660 = arith.mulf %get3A_659, %get3A_13 : vector<16xf32>
          %add3A_661 = arith.constant 96 : i32
          %add3A_662 = arith.addi %add3A_630, %add3A_661 : i32
          %get3A_663 = arith.index_cast %add3A_662 : i32 to index
          %get3A_664 = tpu.vector_load %arg14[%get3A_663] {strides = array<i32>} : memref<10240xf32, #tpu.memory_space<vmem>>, vector<16xf32>,
          %mul3A_665 = arith.mulf %get3A_664, %get3A_15 : vector<16xf32>
          %add3A_666 = arith.constant 112 : i32
          %add3A_667 = arith.addi %add3A_630, %add3A_666 : i32
          %get3A_668 = arith.index_cast %add3A_667 : i32 to index
          %get3A_669 = tpu.vector_load %arg14[%get3A_668] {strides = array<i32>} : memref<10240xf32, #tpu.memory_space<vmem>>, vector<16xf32>,
          %mul3A_670 = arith.mulf %get3A_669, %get3A_17 : vector<16xf32>
          %add3A_671 = arith.addf %mul3A_635, %mul3A_640 : vector<16xf32>
          %add3A_672 = arith.addf %mul3A_645, %mul3A_650 : vector<16xf32>
          %add3A_673 = arith.addf %mul3A_655, %mul3A_660 : vector<16xf32>
          %add3A_674 = arith.addf %mul3A_665, %mul3A_670 : vector<16xf32>
          %add3A_675 = arith.addf %add3A_671, %add3A_672 : vector<16xf32>
          %add3A_676 = arith.addf %add3A_673, %add3A_674 : vector<16xf32>
          %add3A_677 = arith.addf %add3A_675, %add3A_676 : vector<16xf32>
          %add3A_678 = arith.constant 1408 : i32
          %add3A_679 = arith.addi %mul3A_138, %add3A_678 : i32
          %add3A_680 = arith.constant 0 : i32
          %add3A_681 = arith.addi %add3A_679, %add3A_680 : i32
          %get3A_682 = arith.index_cast %add3A_681 : i32 to index
          %get3A_683 = tpu.vector_load %arg14[%get3A_682] {strides = array<i32>} : memref<10240xf32, #tpu.memory_space<vmem>>, vector<16xf32>,
          %mul3A_684 = arith.mulf %get3A_683, %get3A_3 : vector<16xf32>
          %add3A_685 = arith.constant 16 : i32
          %add3A_686 = arith.addi %add3A_679, %add3A_685 : i32
          %get3A_687 = arith.index_cast %add3A_686 : i32 to index
          %get3A_688 = tpu.vector_load %arg14[%get3A_687] {strides = array<i32>} : memref<10240xf32, #tpu.memory_space<vmem>>, vector<16xf32>,
          %mul3A_689 = arith.mulf %get3A_688, %get3A_5 : vector<16xf32>
          %add3A_690 = arith.constant 32 : i32
          %add3A_691 = arith.addi %add3A_679, %add3A_690 : i32
          %get3A_692 = arith.index_cast %add3A_691 : i32 to index
          %get3A_693 = tpu.vector_load %arg14[%get3A_692] {strides = array<i32>} : memref<10240xf32, #tpu.memory_space<vmem>>, vector<16xf32>,
          %mul3A_694 = arith.mulf %get3A_693, %get3A_7 : vector<16xf32>
          %add3A_695 = arith.constant 48 : i32
          %add3A_696 = arith.addi %add3A_679, %add3A_695 : i32
          %get3A_697 = arith.index_cast %add3A_696 : i32 to index
          %get3A_698 = tpu.vector_load %arg14[%get3A_697] {strides = array<i32>} : memref<10240xf32, #tpu.memory_space<vmem>>, vector<16xf32>,
          %mul3A_699 = arith.mulf %get3A_698, %get3A_9 : vector<16xf32>
          %add3A_700 = arith.constant 64 : i32
          %add3A_701 = arith.addi %add3A_679, %add3A_700 : i32
          %get3A_702 = arith.index_cast %add3A_701 : i32 to index
          %get3A_703 = tpu.vector_load %arg14[%get3A_702] {strides = array<i32>} : memref<10240xf32, #tpu.memory_space<vmem>>, vector<16xf32>,
          %mul3A_704 = arith.mulf %get3A_703, %get3A_11 : vector<16xf32>
          %add3A_705 = arith.constant 80 : i32
          %add3A_706 = arith.addi %add3A_679, %add3A_705 : i32
          %get3A_707 = arith.index_cast %add3A_706 : i32 to index
          %get3A_708 = tpu.vector_load %arg14[%get3A_707] {strides = array<i32>} : memref<10240xf32, #tpu.memory_space<vmem>>, vector<16xf32>,
          %mul3A_709 = arith.mulf %get3A_708, %get3A_13 : vector<16xf32>
          %add3A_710 = arith.constant 96 : i32
          %add3A_711 = arith.addi %add3A_679, %add3A_710 : i32
          %get3A_712 = arith.index_cast %add3A_711 : i32 to index
          %get3A_713 = tpu.vector_load %arg14[%get3A_712] {strides = array<i32>} : memref<10240xf32, #tpu.memory_space<vmem>>, vector<16xf32>,
          %mul3A_714 = arith.mulf %get3A_713, %get3A_15 : vector<16xf32>
          %add3A_715 = arith.constant 112 : i32
          %add3A_716 = arith.addi %add3A_679, %add3A_715 : i32
          %get3A_717 = arith.index_cast %add3A_716 : i32 to index
          %get3A_718 = tpu.vector_load %arg14[%get3A_717] {strides = array<i32>} : memref<10240xf32, #tpu.memory_space<vmem>>, vector<16xf32>,
          %mul3A_719 = arith.mulf %get3A_718, %get3A_17 : vector<16xf32>
          %add3A_720 = arith.addf %mul3A_684, %mul3A_689 : vector<16xf32>
          %add3A_721 = arith.addf %mul3A_694, %mul3A_699 : vector<16xf32>
          %add3A_722 = arith.addf %mul3A_704, %mul3A_709 : vector<16xf32>
          %add3A_723 = arith.addf %mul3A_714, %mul3A_719 : vector<16xf32>
          %add3A_724 = arith.addf %add3A_720, %add3A_721 : vector<16xf32>
          %add3A_725 = arith.addf %add3A_722, %add3A_723 : vector<16xf32>
          %add3A_726 = arith.addf %add3A_724, %add3A_725 : vector<16xf32>
          %add3A_727 = arith.constant 1536 : i32
          %add3A_728 = arith.addi %mul3A_138, %add3A_727 : i32
          %add3A_729 = arith.constant 0 : i32
          %add3A_730 = arith.addi %add3A_728, %add3A_729 : i32
          %get3A_731 = arith.index_cast %add3A_730 : i32 to index
          %get3A_732 = tpu.vector_load %arg14[%get3A_731] {strides = array<i32>} : memref<10240xf32, #tpu.memory_space<vmem>>, vector<16xf32>,
          %mul3A_733 = arith.mulf %get3A_732, %get3A_3 : vector<16xf32>
          %add3A_734 = arith.constant 16 : i32
          %add3A_735 = arith.addi %add3A_728, %add3A_734 : i32
          %get3A_736 = arith.index_cast %add3A_735 : i32 to index
          %get3A_737 = tpu.vector_load %arg14[%get3A_736] {strides = array<i32>} : memref<10240xf32, #tpu.memory_space<vmem>>, vector<16xf32>,
          %mul3A_738 = arith.mulf %get3A_737, %get3A_5 : vector<16xf32>
          %add3A_739 = arith.constant 32 : i32
          %add3A_740 = arith.addi %add3A_728, %add3A_739 : i32
          %get3A_741 = arith.index_cast %add3A_740 : i32 to index
          %get3A_742 = tpu.vector_load %arg14[%get3A_741] {strides = array<i32>} : memref<10240xf32, #tpu.memory_space<vmem>>, vector<16xf32>,
          %mul3A_743 = arith.mulf %get3A_742, %get3A_7 : vector<16xf32>
          %add3A_744 = arith.constant 48 : i32
          %add3A_745 = arith.addi %add3A_728, %add3A_744 : i32
          %get3A_746 = arith.index_cast %add3A_745 : i32 to index
          %get3A_747 = tpu.vector_load %arg14[%get3A_746] {strides = array<i32>} : memref<10240xf32, #tpu.memory_space<vmem>>, vector<16xf32>,
          %mul3A_748 = arith.mulf %get3A_747, %get3A_9 : vector<16xf32>
          %add3A_749 = arith.constant 64 : i32
          %add3A_750 = arith.addi %add3A_728, %add3A_749 : i32
          %get3A_751 = arith.index_cast %add3A_750 : i32 to index
          %get3A_752 = tpu.vector_load %arg14[%get3A_751] {strides = array<i32>} : memref<10240xf32, #tpu.memory_space<vmem>>, vector<16xf32>,
          %mul3A_753 = arith.mulf %get3A_752, %get3A_11 : vector<16xf32>
          %add3A_754 = arith.constant 80 : i32
          %add3A_755 = arith.addi %add3A_728, %add3A_754 : i32
          %get3A_756 = arith.index_cast %add3A_755 : i32 to index
          %get3A_757 = tpu.vector_load %arg14[%get3A_756] {strides = array<i32>} : memref<10240xf32, #tpu.memory_space<vmem>>, vector<16xf32>,
          %mul3A_758 = arith.mulf %get3A_757, %get3A_13 : vector<16xf32>
          %add3A_759 = arith.constant 96 : i32
          %add3A_760 = arith.addi %add3A_728, %add3A_759 : i32
          %get3A_761 = arith.index_cast %add3A_760 : i32 to index
          %get3A_762 = tpu.vector_load %arg14[%get3A_761] {strides = array<i32>} : memref<10240xf32, #tpu.memory_space<vmem>>, vector<16xf32>,
          %mul3A_763 = arith.mulf %get3A_762, %get3A_15 : vector<16xf32>
          %add3A_764 = arith.constant 112 : i32
          %add3A_765 = arith.addi %add3A_728, %add3A_764 : i32
          %get3A_766 = arith.index_cast %add3A_765 : i32 to index
          %get3A_767 = tpu.vector_load %arg14[%get3A_766] {strides = array<i32>} : memref<10240xf32, #tpu.memory_space<vmem>>, vector<16xf32>,
          %mul3A_768 = arith.mulf %get3A_767, %get3A_17 : vector<16xf32>
          %add3A_769 = arith.addf %mul3A_733, %mul3A_738 : vector<16xf32>
          %add3A_770 = arith.addf %mul3A_743, %mul3A_748 : vector<16xf32>
          %add3A_771 = arith.addf %mul3A_753, %mul3A_758 : vector<16xf32>
          %add3A_772 = arith.addf %mul3A_763, %mul3A_768 : vector<16xf32>
          %add3A_773 = arith.addf %add3A_769, %add3A_770 : vector<16xf32>
          %add3A_774 = arith.addf %add3A_771, %add3A_772 : vector<16xf32>
          %add3A_775 = arith.addf %add3A_773, %add3A_774 : vector<16xf32>
          %add3A_776 = arith.constant 1664 : i32
          %add3A_777 = arith.addi %mul3A_138, %add3A_776 : i32
          %add3A_778 = arith.constant 0 : i32
          %add3A_779 = arith.addi %add3A_777, %add3A_778 : i32
          %get3A_780 = arith.index_cast %add3A_779 : i32 to index
          %get3A_781 = tpu.vector_load %arg14[%get3A_780] {strides = array<i32>} : memref<10240xf32, #tpu.memory_space<vmem>>, vector<16xf32>,
          %mul3A_782 = arith.mulf %get3A_781, %get3A_3 : vector<16xf32>
          %add3A_783 = arith.constant 16 : i32
          %add3A_784 = arith.addi %add3A_777, %add3A_783 : i32
          %get3A_785 = arith.index_cast %add3A_784 : i32 to index
          %get3A_786 = tpu.vector_load %arg14[%get3A_785] {strides = array<i32>} : memref<10240xf32, #tpu.memory_space<vmem>>, vector<16xf32>,
          %mul3A_787 = arith.mulf %get3A_786, %get3A_5 : vector<16xf32>
          %add3A_788 = arith.constant 32 : i32
          %add3A_789 = arith.addi %add3A_777, %add3A_788 : i32
          %get3A_790 = arith.index_cast %add3A_789 : i32 to index
          %get3A_791 = tpu.vector_load %arg14[%get3A_790] {strides = array<i32>} : memref<10240xf32, #tpu.memory_space<vmem>>, vector<16xf32>,
          %mul3A_792 = arith.mulf %get3A_791, %get3A_7 : vector<16xf32>
          %add3A_793 = arith.constant 48 : i32
          %add3A_794 = arith.addi %add3A_777, %add3A_793 : i32
          %get3A_795 = arith.index_cast %add3A_794 : i32 to index
          %get3A_796 = tpu.vector_load %arg14[%get3A_795] {strides = array<i32>} : memref<10240xf32, #tpu.memory_space<vmem>>, vector<16xf32>,
          %mul3A_797 = arith.mulf %get3A_796, %get3A_9 : vector<16xf32>
          %add3A_798 = arith.constant 64 : i32
          %add3A_799 = arith.addi %add3A_777, %add3A_798 : i32
          %get3A_800 = arith.index_cast %add3A_799 : i32 to index
          %get3A_801 = tpu.vector_load %arg14[%get3A_800] {strides = array<i32>} : memref<10240xf32, #tpu.memory_space<vmem>>, vector<16xf32>,
          %mul3A_802 = arith.mulf %get3A_801, %get3A_11 : vector<16xf32>
          %add3A_803 = arith.constant 80 : i32
          %add3A_804 = arith.addi %add3A_777, %add3A_803 : i32
          %get3A_805 = arith.index_cast %add3A_804 : i32 to index
          %get3A_806 = tpu.vector_load %arg14[%get3A_805] {strides = array<i32>} : memref<10240xf32, #tpu.memory_space<vmem>>, vector<16xf32>,
          %mul3A_807 = arith.mulf %get3A_806, %get3A_13 : vector<16xf32>
          %add3A_808 = arith.constant 96 : i32
          %add3A_809 = arith.addi %add3A_777, %add3A_808 : i32
          %get3A_810 = arith.index_cast %add3A_809 : i32 to index
          %get3A_811 = tpu.vector_load %arg14[%get3A_810] {strides = array<i32>} : memref<10240xf32, #tpu.memory_space<vmem>>, vector<16xf32>,
          %mul3A_812 = arith.mulf %get3A_811, %get3A_15 : vector<16xf32>
          %add3A_813 = arith.constant 112 : i32
          %add3A_814 = arith.addi %add3A_777, %add3A_813 : i32
          %get3A_815 = arith.index_cast %add3A_814 : i32 to index
          %get3A_816 = tpu.vector_load %arg14[%get3A_815] {strides = array<i32>} : memref<10240xf32, #tpu.memory_space<vmem>>, vector<16xf32>,
          %mul3A_817 = arith.mulf %get3A_816, %get3A_17 : vector<16xf32>
          %add3A_818 = arith.addf %mul3A_782, %mul3A_787 : vector<16xf32>
          %add3A_819 = arith.addf %mul3A_792, %mul3A_797 : vector<16xf32>
          %add3A_820 = arith.addf %mul3A_802, %mul3A_807 : vector<16xf32>
          %add3A_821 = arith.addf %mul3A_812, %mul3A_817 : vector<16xf32>
          %add3A_822 = arith.addf %add3A_818, %add3A_819 : vector<16xf32>
          %add3A_823 = arith.addf %add3A_820, %add3A_821 : vector<16xf32>
          %add3A_824 = arith.addf %add3A_822, %add3A_823 : vector<16xf32>
          %add3A_825 = arith.constant 1792 : i32
          %add3A_826 = arith.addi %mul3A_138, %add3A_825 : i32
          %add3A_827 = arith.constant 0 : i32
          %add3A_828 = arith.addi %add3A_826, %add3A_827 : i32
          %get3A_829 = arith.index_cast %add3A_828 : i32 to index
          %get3A_830 = tpu.vector_load %arg14[%get3A_829] {strides = array<i32>} : memref<10240xf32, #tpu.memory_space<vmem>>, vector<16xf32>,
          %mul3A_831 = arith.mulf %get3A_830, %get3A_3 : vector<16xf32>
          %add3A_832 = arith.constant 16 : i32
          %add3A_833 = arith.addi %add3A_826, %add3A_832 : i32
          %get3A_834 = arith.index_cast %add3A_833 : i32 to index
          %get3A_835 = tpu.vector_load %arg14[%get3A_834] {strides = array<i32>} : memref<10240xf32, #tpu.memory_space<vmem>>, vector<16xf32>,
          %mul3A_836 = arith.mulf %get3A_835, %get3A_5 : vector<16xf32>
          %add3A_837 = arith.constant 32 : i32
          %add3A_838 = arith.addi %add3A_826, %add3A_837 : i32
          %get3A_839 = arith.index_cast %add3A_838 : i32 to index
          %get3A_840 = tpu.vector_load %arg14[%get3A_839] {strides = array<i32>} : memref<10240xf32, #tpu.memory_space<vmem>>, vector<16xf32>,
          %mul3A_841 = arith.mulf %get3A_840, %get3A_7 : vector<16xf32>
          %add3A_842 = arith.constant 48 : i32
          %add3A_843 = arith.addi %add3A_826, %add3A_842 : i32
          %get3A_844 = arith.index_cast %add3A_843 : i32 to index
          %get3A_845 = tpu.vector_load %arg14[%get3A_844] {strides = array<i32>} : memref<10240xf32, #tpu.memory_space<vmem>>, vector<16xf32>,
          %mul3A_846 = arith.mulf %get3A_845, %get3A_9 : vector<16xf32>
          %add3A_847 = arith.constant 64 : i32
          %add3A_848 = arith.addi %add3A_826, %add3A_847 : i32
          %get3A_849 = arith.index_cast %add3A_848 : i32 to index
          %get3A_850 = tpu.vector_load %arg14[%get3A_849] {strides = array<i32>} : memref<10240xf32, #tpu.memory_space<vmem>>, vector<16xf32>,
          %mul3A_851 = arith.mulf %get3A_850, %get3A_11 : vector<16xf32>
          %add3A_852 = arith.constant 80 : i32
          %add3A_853 = arith.addi %add3A_826, %add3A_852 : i32
          %get3A_854 = arith.index_cast %add3A_853 : i32 to index
          %get3A_855 = tpu.vector_load %arg14[%get3A_854] {strides = array<i32>} : memref<10240xf32, #tpu.memory_space<vmem>>, vector<16xf32>,
          %mul3A_856 = arith.mulf %get3A_855, %get3A_13 : vector<16xf32>
          %add3A_857 = arith.constant 96 : i32
          %add3A_858 = arith.addi %add3A_826, %add3A_857 : i32
          %get3A_859 = arith.index_cast %add3A_858 : i32 to index
          %get3A_860 = tpu.vector_load %arg14[%get3A_859] {strides = array<i32>} : memref<10240xf32, #tpu.memory_space<vmem>>, vector<16xf32>,
          %mul3A_861 = arith.mulf %get3A_860, %get3A_15 : vector<16xf32>
          %add3A_862 = arith.constant 112 : i32
          %add3A_863 = arith.addi %add3A_826, %add3A_862 : i32
          %get3A_864 = arith.index_cast %add3A_863 : i32 to index
          %get3A_865 = tpu.vector_load %arg14[%get3A_864] {strides = array<i32>} : memref<10240xf32, #tpu.memory_space<vmem>>, vector<16xf32>,
          %mul3A_866 = arith.mulf %get3A_865, %get3A_17 : vector<16xf32>
          %add3A_867 = arith.addf %mul3A_831, %mul3A_836 : vector<16xf32>
          %add3A_868 = arith.addf %mul3A_841, %mul3A_846 : vector<16xf32>
          %add3A_869 = arith.addf %mul3A_851, %mul3A_856 : vector<16xf32>
          %add3A_870 = arith.addf %mul3A_861, %mul3A_866 : vector<16xf32>
          %add3A_871 = arith.addf %add3A_867, %add3A_868 : vector<16xf32>
          %add3A_872 = arith.addf %add3A_869, %add3A_870 : vector<16xf32>
          %add3A_873 = arith.addf %add3A_871, %add3A_872 : vector<16xf32>
          %add3A_874 = arith.constant 1920 : i32
          %add3A_875 = arith.addi %mul3A_138, %add3A_874 : i32
          %add3A_876 = arith.constant 0 : i32
          %add3A_877 = arith.addi %add3A_875, %add3A_876 : i32
          %get3A_878 = arith.index_cast %add3A_877 : i32 to index
          %get3A_879 = tpu.vector_load %arg14[%get3A_878] {strides = array<i32>} : memref<10240xf32, #tpu.memory_space<vmem>>, vector<16xf32>,
          %mul3A_880 = arith.mulf %get3A_879, %get3A_3 : vector<16xf32>
          %add3A_881 = arith.constant 16 : i32
          %add3A_882 = arith.addi %add3A_875, %add3A_881 : i32
          %get3A_883 = arith.index_cast %add3A_882 : i32 to index
          %get3A_884 = tpu.vector_load %arg14[%get3A_883] {strides = array<i32>} : memref<10240xf32, #tpu.memory_space<vmem>>, vector<16xf32>,
          %mul3A_885 = arith.mulf %get3A_884, %get3A_5 : vector<16xf32>
          %add3A_886 = arith.constant 32 : i32
          %add3A_887 = arith.addi %add3A_875, %add3A_886 : i32
          %get3A_888 = arith.index_cast %add3A_887 : i32 to index
          %get3A_889 = tpu.vector_load %arg14[%get3A_888] {strides = array<i32>} : memref<10240xf32, #tpu.memory_space<vmem>>, vector<16xf32>,
          %mul3A_890 = arith.mulf %get3A_889, %get3A_7 : vector<16xf32>
          %add3A_891 = arith.constant 48 : i32
          %add3A_892 = arith.addi %add3A_875, %add3A_891 : i32
          %get3A_893 = arith.index_cast %add3A_892 : i32 to index
          %get3A_894 = tpu.vector_load %arg14[%get3A_893] {strides = array<i32>} : memref<10240xf32, #tpu.memory_space<vmem>>, vector<16xf32>,
          %mul3A_895 = arith.mulf %get3A_894, %get3A_9 : vector<16xf32>
          %add3A_896 = arith.constant 64 : i32
          %add3A_897 = arith.addi %add3A_875, %add3A_896 : i32
          %get3A_898 = arith.index_cast %add3A_897 : i32 to index
          %get3A_899 = tpu.vector_load %arg14[%get3A_898] {strides = array<i32>} : memref<10240xf32, #tpu.memory_space<vmem>>, vector<16xf32>,
          %mul3A_900 = arith.mulf %get3A_899, %get3A_11 : vector<16xf32>
          %add3A_901 = arith.constant 80 : i32
          %add3A_902 = arith.addi %add3A_875, %add3A_901 : i32
          %get3A_903 = arith.index_cast %add3A_902 : i32 to index
          %get3A_904 = tpu.vector_load %arg14[%get3A_903] {strides = array<i32>} : memref<10240xf32, #tpu.memory_space<vmem>>, vector<16xf32>,
          %mul3A_905 = arith.mulf %get3A_904, %get3A_13 : vector<16xf32>
          %add3A_906 = arith.constant 96 : i32
          %add3A_907 = arith.addi %add3A_875, %add3A_906 : i32
          %get3A_908 = arith.index_cast %add3A_907 : i32 to index
          %get3A_909 = tpu.vector_load %arg14[%get3A_908] {strides = array<i32>} : memref<10240xf32, #tpu.memory_space<vmem>>, vector<16xf32>,
          %mul3A_910 = arith.mulf %get3A_909, %get3A_15 : vector<16xf32>
          %add3A_911 = arith.constant 112 : i32
          %add3A_912 = arith.addi %add3A_875, %add3A_911 : i32
          %get3A_913 = arith.index_cast %add3A_912 : i32 to index
          %get3A_914 = tpu.vector_load %arg14[%get3A_913] {strides = array<i32>} : memref<10240xf32, #tpu.memory_space<vmem>>, vector<16xf32>,
          %mul3A_915 = arith.mulf %get3A_914, %get3A_17 : vector<16xf32>
          %add3A_916 = arith.addf %mul3A_880, %mul3A_885 : vector<16xf32>
          %add3A_917 = arith.addf %mul3A_890, %mul3A_895 : vector<16xf32>
          %add3A_918 = arith.addf %mul3A_900, %mul3A_905 : vector<16xf32>
          %add3A_919 = arith.addf %mul3A_910, %mul3A_915 : vector<16xf32>
          %add3A_920 = arith.addf %add3A_916, %add3A_917 : vector<16xf32>
          %add3A_921 = arith.addf %add3A_918, %add3A_919 : vector<16xf32>
          %add3A_922 = arith.addf %add3A_920, %add3A_921 : vector<16xf32>
          %reshape3A = vector.shape_cast %xor3A_19 : vector<16xi32> to vector<16x1xi32>
          %gather3A = vector.shape_cast %reshape3A : vector<16x1xi32> to vector<16xi32>
          %gather3A_923 = tpu.dynamic_gather %add3A_187[%gather3A] in [0] : vector<16xf32>, vector<16xi32> -> vector<16xf32>
          %add3A_924 = arith.addf %add3A_187, %gather3A_923 : vector<16xf32>
          %reshape3A_925 = vector.shape_cast %xor3A_19 : vector<16xi32> to vector<16x1xi32>
          %gather3A_926 = vector.shape_cast %reshape3A_925 : vector<16x1xi32> to vector<16xi32>
          %gather3A_927 = tpu.dynamic_gather %add3A_236[%gather3A_926] in [0] : vector<16xf32>, vector<16xi32> -> vector<16xf32>
          %add3A_928 = arith.addf %add3A_236, %gather3A_927 : vector<16xf32>
          %reshape3A_929 = vector.shape_cast %xor3A_19 : vector<16xi32> to vector<16x1xi32>
          %gather3A_930 = vector.shape_cast %reshape3A_929 : vector<16x1xi32> to vector<16xi32>
          %gather3A_931 = tpu.dynamic_gather %add3A_285[%gather3A_930] in [0] : vector<16xf32>, vector<16xi32> -> vector<16xf32>
          %add3A_932 = arith.addf %add3A_285, %gather3A_931 : vector<16xf32>
          %reshape3A_933 = vector.shape_cast %xor3A_19 : vector<16xi32> to vector<16x1xi32>
          %gather3A_934 = vector.shape_cast %reshape3A_933 : vector<16x1xi32> to vector<16xi32>
          %gather3A_935 = tpu.dynamic_gather %add3A_334[%gather3A_934] in [0] : vector<16xf32>, vector<16xi32> -> vector<16xf32>
          %add3A_936 = arith.addf %add3A_334, %gather3A_935 : vector<16xf32>
          %reshape3A_937 = vector.shape_cast %xor3A_19 : vector<16xi32> to vector<16x1xi32>
          %gather3A_938 = vector.shape_cast %reshape3A_937 : vector<16x1xi32> to vector<16xi32>
          %gather3A_939 = tpu.dynamic_gather %add3A_383[%gather3A_938] in [0] : vector<16xf32>, vector<16xi32> -> vector<16xf32>
          %add3A_940 = arith.addf %add3A_383, %gather3A_939 : vector<16xf32>
          %reshape3A_941 = vector.shape_cast %xor3A_19 : vector<16xi32> to vector<16x1xi32>
          %gather3A_942 = vector.shape_cast %reshape3A_941 : vector<16x1xi32> to vector<16xi32>
          %gather3A_943 = tpu.dynamic_gather %add3A_432[%gather3A_942] in [0] : vector<16xf32>, vector<16xi32> -> vector<16xf32>
          %add3A_944 = arith.addf %add3A_432, %gather3A_943 : vector<16xf32>
          %reshape3A_945 = vector.shape_cast %xor3A_19 : vector<16xi32> to vector<16x1xi32>
          %gather3A_946 = vector.shape_cast %reshape3A_945 : vector<16x1xi32> to vector<16xi32>
          %gather3A_947 = tpu.dynamic_gather %add3A_481[%gather3A_946] in [0] : vector<16xf32>, vector<16xi32> -> vector<16xf32>
          %add3A_948 = arith.addf %add3A_481, %gather3A_947 : vector<16xf32>
          %reshape3A_949 = vector.shape_cast %xor3A_19 : vector<16xi32> to vector<16x1xi32>
          %gather3A_950 = vector.shape_cast %reshape3A_949 : vector<16x1xi32> to vector<16xi32>
          %gather3A_951 = tpu.dynamic_gather %add3A_530[%gather3A_950] in [0] : vector<16xf32>, vector<16xi32> -> vector<16xf32>
          %add3A_952 = arith.addf %add3A_530, %gather3A_951 : vector<16xf32>
          %reshape3A_953 = vector.shape_cast %xor3A_19 : vector<16xi32> to vector<16x1xi32>
          %gather3A_954 = vector.shape_cast %reshape3A_953 : vector<16x1xi32> to vector<16xi32>
          %gather3A_955 = tpu.dynamic_gather %add3A_579[%gather3A_954] in [0] : vector<16xf32>, vector<16xi32> -> vector<16xf32>
          %add3A_956 = arith.addf %add3A_579, %gather3A_955 : vector<16xf32>
          %reshape3A_957 = vector.shape_cast %xor3A_19 : vector<16xi32> to vector<16x1xi32>
          %gather3A_958 = vector.shape_cast %reshape3A_957 : vector<16x1xi32> to vector<16xi32>
          %gather3A_959 = tpu.dynamic_gather %add3A_628[%gather3A_958] in [0] : vector<16xf32>, vector<16xi32> -> vector<16xf32>
          %add3A_960 = arith.addf %add3A_628, %gather3A_959 : vector<16xf32>
          %reshape3A_961 = vector.shape_cast %xor3A_19 : vector<16xi32> to vector<16x1xi32>
          %gather3A_962 = vector.shape_cast %reshape3A_961 : vector<16x1xi32> to vector<16xi32>
          %gather3A_963 = tpu.dynamic_gather %add3A_677[%gather3A_962] in [0] : vector<16xf32>, vector<16xi32> -> vector<16xf32>
          %add3A_964 = arith.addf %add3A_677, %gather3A_963 : vector<16xf32>
          %reshape3A_965 = vector.shape_cast %xor3A_19 : vector<16xi32> to vector<16x1xi32>
          %gather3A_966 = vector.shape_cast %reshape3A_965 : vector<16x1xi32> to vector<16xi32>
          %gather3A_967 = tpu.dynamic_gather %add3A_726[%gather3A_966] in [0] : vector<16xf32>, vector<16xi32> -> vector<16xf32>
          %add3A_968 = arith.addf %add3A_726, %gather3A_967 : vector<16xf32>
          %reshape3A_969 = vector.shape_cast %xor3A_19 : vector<16xi32> to vector<16x1xi32>
          %gather3A_970 = vector.shape_cast %reshape3A_969 : vector<16x1xi32> to vector<16xi32>
          %gather3A_971 = tpu.dynamic_gather %add3A_775[%gather3A_970] in [0] : vector<16xf32>, vector<16xi32> -> vector<16xf32>
          %add3A_972 = arith.addf %add3A_775, %gather3A_971 : vector<16xf32>
          %reshape3A_973 = vector.shape_cast %xor3A_19 : vector<16xi32> to vector<16x1xi32>
          %gather3A_974 = vector.shape_cast %reshape3A_973 : vector<16x1xi32> to vector<16xi32>
          %gather3A_975 = tpu.dynamic_gather %add3A_824[%gather3A_974] in [0] : vector<16xf32>, vector<16xi32> -> vector<16xf32>
          %add3A_976 = arith.addf %add3A_824, %gather3A_975 : vector<16xf32>
          %reshape3A_977 = vector.shape_cast %xor3A_19 : vector<16xi32> to vector<16x1xi32>
          %gather3A_978 = vector.shape_cast %reshape3A_977 : vector<16x1xi32> to vector<16xi32>
          %gather3A_979 = tpu.dynamic_gather %add3A_873[%gather3A_978] in [0] : vector<16xf32>, vector<16xi32> -> vector<16xf32>
          %add3A_980 = arith.addf %add3A_873, %gather3A_979 : vector<16xf32>
          %reshape3A_981 = vector.shape_cast %xor3A_19 : vector<16xi32> to vector<16x1xi32>
          %gather3A_982 = vector.shape_cast %reshape3A_981 : vector<16x1xi32> to vector<16xi32>
          %gather3A_983 = tpu.dynamic_gather %add3A_922[%gather3A_982] in [0] : vector<16xf32>, vector<16xi32> -> vector<16xf32>
          %add3A_984 = arith.addf %add3A_922, %gather3A_983 : vector<16xf32>
          %reshape3A_985 = vector.shape_cast %xor3A_22 : vector<16xi32> to vector<16x1xi32>
          %gather3A_986 = vector.shape_cast %reshape3A_985 : vector<16x1xi32> to vector<16xi32>
          %gather3A_987 = tpu.dynamic_gather %add3A_924[%gather3A_986] in [0] : vector<16xf32>, vector<16xi32> -> vector<16xf32>
          %add3A_988 = arith.addf %add3A_924, %gather3A_987 : vector<16xf32>
          %reshape3A_989 = vector.shape_cast %xor3A_22 : vector<16xi32> to vector<16x1xi32>
          %gather3A_990 = vector.shape_cast %reshape3A_989 : vector<16x1xi32> to vector<16xi32>
          %gather3A_991 = tpu.dynamic_gather %add3A_928[%gather3A_990] in [0] : vector<16xf32>, vector<16xi32> -> vector<16xf32>
          %add3A_992 = arith.addf %add3A_928, %gather3A_991 : vector<16xf32>
          %reshape3A_993 = vector.shape_cast %xor3A_22 : vector<16xi32> to vector<16x1xi32>
          %gather3A_994 = vector.shape_cast %reshape3A_993 : vector<16x1xi32> to vector<16xi32>
          %gather3A_995 = tpu.dynamic_gather %add3A_932[%gather3A_994] in [0] : vector<16xf32>, vector<16xi32> -> vector<16xf32>
          %add3A_996 = arith.addf %add3A_932, %gather3A_995 : vector<16xf32>
          %reshape3A_997 = vector.shape_cast %xor3A_22 : vector<16xi32> to vector<16x1xi32>
          %gather3A_998 = vector.shape_cast %reshape3A_997 : vector<16x1xi32> to vector<16xi32>
          %gather3A_999 = tpu.dynamic_gather %add3A_936[%gather3A_998] in [0] : vector<16xf32>, vector<16xi32> -> vector<16xf32>
          %add3A_1000 = arith.addf %add3A_936, %gather3A_999 : vector<16xf32>
          %reshape3A_1001 = vector.shape_cast %xor3A_22 : vector<16xi32> to vector<16x1xi32>
          %gather3A_1002 = vector.shape_cast %reshape3A_1001 : vector<16x1xi32> to vector<16xi32>
          %gather3A_1003 = tpu.dynamic_gather %add3A_940[%gather3A_1002] in [0] : vector<16xf32>, vector<16xi32> -> vector<16xf32>
          %add3A_1004 = arith.addf %add3A_940, %gather3A_1003 : vector<16xf32>
          %reshape3A_1005 = vector.shape_cast %xor3A_22 : vector<16xi32> to vector<16x1xi32>
          %gather3A_1006 = vector.shape_cast %reshape3A_1005 : vector<16x1xi32> to vector<16xi32>
          %gather3A_1007 = tpu.dynamic_gather %add3A_944[%gather3A_1006] in [0] : vector<16xf32>, vector<16xi32> -> vector<16xf32>
          %add3A_1008 = arith.addf %add3A_944, %gather3A_1007 : vector<16xf32>
          %reshape3A_1009 = vector.shape_cast %xor3A_22 : vector<16xi32> to vector<16x1xi32>
          %gather3A_1010 = vector.shape_cast %reshape3A_1009 : vector<16x1xi32> to vector<16xi32>
          %gather3A_1011 = tpu.dynamic_gather %add3A_948[%gather3A_1010] in [0] : vector<16xf32>, vector<16xi32> -> vector<16xf32>
          %add3A_1012 = arith.addf %add3A_948, %gather3A_1011 : vector<16xf32>
          %reshape3A_1013 = vector.shape_cast %xor3A_22 : vector<16xi32> to vector<16x1xi32>
          %gather3A_1014 = vector.shape_cast %reshape3A_1013 : vector<16x1xi32> to vector<16xi32>
          %gather3A_1015 = tpu.dynamic_gather %add3A_952[%gather3A_1014] in [0] : vector<16xf32>, vector<16xi32> -> vector<16xf32>
          %add3A_1016 = arith.addf %add3A_952, %gather3A_1015 : vector<16xf32>
          %reshape3A_1017 = vector.shape_cast %xor3A_22 : vector<16xi32> to vector<16x1xi32>
          %gather3A_1018 = vector.shape_cast %reshape3A_1017 : vector<16x1xi32> to vector<16xi32>
          %gather3A_1019 = tpu.dynamic_gather %add3A_956[%gather3A_1018] in [0] : vector<16xf32>, vector<16xi32> -> vector<16xf32>
          %add3A_1020 = arith.addf %add3A_956, %gather3A_1019 : vector<16xf32>
          %reshape3A_1021 = vector.shape_cast %xor3A_22 : vector<16xi32> to vector<16x1xi32>
          %gather3A_1022 = vector.shape_cast %reshape3A_1021 : vector<16x1xi32> to vector<16xi32>
          %gather3A_1023 = tpu.dynamic_gather %add3A_960[%gather3A_1022] in [0] : vector<16xf32>, vector<16xi32> -> vector<16xf32>
          %add3A_1024 = arith.addf %add3A_960, %gather3A_1023 : vector<16xf32>
          %reshape3A_1025 = vector.shape_cast %xor3A_22 : vector<16xi32> to vector<16x1xi32>
          %gather3A_1026 = vector.shape_cast %reshape3A_1025 : vector<16x1xi32> to vector<16xi32>
          %gather3A_1027 = tpu.dynamic_gather %add3A_964[%gather3A_1026] in [0] : vector<16xf32>, vector<16xi32> -> vector<16xf32>
          %add3A_1028 = arith.addf %add3A_964, %gather3A_1027 : vector<16xf32>
          %reshape3A_1029 = vector.shape_cast %xor3A_22 : vector<16xi32> to vector<16x1xi32>
          %gather3A_1030 = vector.shape_cast %reshape3A_1029 : vector<16x1xi32> to vector<16xi32>
          %gather3A_1031 = tpu.dynamic_gather %add3A_968[%gather3A_1030] in [0] : vector<16xf32>, vector<16xi32> -> vector<16xf32>
          %add3A_1032 = arith.addf %add3A_968, %gather3A_1031 : vector<16xf32>
          %reshape3A_1033 = vector.shape_cast %xor3A_22 : vector<16xi32> to vector<16x1xi32>
          %gather3A_1034 = vector.shape_cast %reshape3A_1033 : vector<16x1xi32> to vector<16xi32>
          %gather3A_1035 = tpu.dynamic_gather %add3A_972[%gather3A_1034] in [0] : vector<16xf32>, vector<16xi32> -> vector<16xf32>
          %add3A_1036 = arith.addf %add3A_972, %gather3A_1035 : vector<16xf32>
          %reshape3A_1037 = vector.shape_cast %xor3A_22 : vector<16xi32> to vector<16x1xi32>
          %gather3A_1038 = vector.shape_cast %reshape3A_1037 : vector<16x1xi32> to vector<16xi32>
          %gather3A_1039 = tpu.dynamic_gather %add3A_976[%gather3A_1038] in [0] : vector<16xf32>, vector<16xi32> -> vector<16xf32>
          %add3A_1040 = arith.addf %add3A_976, %gather3A_1039 : vector<16xf32>
          %reshape3A_1041 = vector.shape_cast %xor3A_22 : vector<16xi32> to vector<16x1xi32>
          %gather3A_1042 = vector.shape_cast %reshape3A_1041 : vector<16x1xi32> to vector<16xi32>
          %gather3A_1043 = tpu.dynamic_gather %add3A_980[%gather3A_1042] in [0] : vector<16xf32>, vector<16xi32> -> vector<16xf32>
          %add3A_1044 = arith.addf %add3A_980, %gather3A_1043 : vector<16xf32>
          %reshape3A_1045 = vector.shape_cast %xor3A_22 : vector<16xi32> to vector<16x1xi32>
          %gather3A_1046 = vector.shape_cast %reshape3A_1045 : vector<16x1xi32> to vector<16xi32>
          %gather3A_1047 = tpu.dynamic_gather %add3A_984[%gather3A_1046] in [0] : vector<16xf32>, vector<16xi32> -> vector<16xf32>
          %add3A_1048 = arith.addf %add3A_984, %gather3A_1047 : vector<16xf32>
          %reshape3A_1049 = vector.shape_cast %xor3A_25 : vector<16xi32> to vector<16x1xi32>
          %gather3A_1050 = vector.shape_cast %reshape3A_1049 : vector<16x1xi32> to vector<16xi32>
          %gather3A_1051 = tpu.dynamic_gather %add3A_988[%gather3A_1050] in [0] : vector<16xf32>, vector<16xi32> -> vector<16xf32>
          %add3A_1052 = arith.addf %add3A_988, %gather3A_1051 : vector<16xf32>
          %reshape3A_1053 = vector.shape_cast %xor3A_25 : vector<16xi32> to vector<16x1xi32>
          %gather3A_1054 = vector.shape_cast %reshape3A_1053 : vector<16x1xi32> to vector<16xi32>
          %gather3A_1055 = tpu.dynamic_gather %add3A_992[%gather3A_1054] in [0] : vector<16xf32>, vector<16xi32> -> vector<16xf32>
          %add3A_1056 = arith.addf %add3A_992, %gather3A_1055 : vector<16xf32>
          %reshape3A_1057 = vector.shape_cast %xor3A_25 : vector<16xi32> to vector<16x1xi32>
          %gather3A_1058 = vector.shape_cast %reshape3A_1057 : vector<16x1xi32> to vector<16xi32>
          %gather3A_1059 = tpu.dynamic_gather %add3A_996[%gather3A_1058] in [0] : vector<16xf32>, vector<16xi32> -> vector<16xf32>
          %add3A_1060 = arith.addf %add3A_996, %gather3A_1059 : vector<16xf32>
          %reshape3A_1061 = vector.shape_cast %xor3A_25 : vector<16xi32> to vector<16x1xi32>
          %gather3A_1062 = vector.shape_cast %reshape3A_1061 : vector<16x1xi32> to vector<16xi32>
          %gather3A_1063 = tpu.dynamic_gather %add3A_1000[%gather3A_1062] in [0] : vector<16xf32>, vector<16xi32> -> vector<16xf32>
          %add3A_1064 = arith.addf %add3A_1000, %gather3A_1063 : vector<16xf32>
          %reshape3A_1065 = vector.shape_cast %xor3A_25 : vector<16xi32> to vector<16x1xi32>
          %gather3A_1066 = vector.shape_cast %reshape3A_1065 : vector<16x1xi32> to vector<16xi32>
          %gather3A_1067 = tpu.dynamic_gather %add3A_1004[%gather3A_1066] in [0] : vector<16xf32>, vector<16xi32> -> vector<16xf32>
          %add3A_1068 = arith.addf %add3A_1004, %gather3A_1067 : vector<16xf32>
          %reshape3A_1069 = vector.shape_cast %xor3A_25 : vector<16xi32> to vector<16x1xi32>
          %gather3A_1070 = vector.shape_cast %reshape3A_1069 : vector<16x1xi32> to vector<16xi32>
          %gather3A_1071 = tpu.dynamic_gather %add3A_1008[%gather3A_1070] in [0] : vector<16xf32>, vector<16xi32> -> vector<16xf32>
          %add3A_1072 = arith.addf %add3A_1008, %gather3A_1071 : vector<16xf32>
          %reshape3A_1073 = vector.shape_cast %xor3A_25 : vector<16xi32> to vector<16x1xi32>
          %gather3A_1074 = vector.shape_cast %reshape3A_1073 : vector<16x1xi32> to vector<16xi32>
          %gather3A_1075 = tpu.dynamic_gather %add3A_1012[%gather3A_1074] in [0] : vector<16xf32>, vector<16xi32> -> vector<16xf32>
          %add3A_1076 = arith.addf %add3A_1012, %gather3A_1075 : vector<16xf32>
          %reshape3A_1077 = vector.shape_cast %xor3A_25 : vector<16xi32> to vector<16x1xi32>
          %gather3A_1078 = vector.shape_cast %reshape3A_1077 : vector<16x1xi32> to vector<16xi32>
          %gather3A_1079 = tpu.dynamic_gather %add3A_1016[%gather3A_1078] in [0] : vector<16xf32>, vector<16xi32> -> vector<16xf32>
          %add3A_1080 = arith.addf %add3A_1016, %gather3A_1079 : vector<16xf32>
          %reshape3A_1081 = vector.shape_cast %xor3A_25 : vector<16xi32> to vector<16x1xi32>
          %gather3A_1082 = vector.shape_cast %reshape3A_1081 : vector<16x1xi32> to vector<16xi32>
          %gather3A_1083 = tpu.dynamic_gather %add3A_1020[%gather3A_1082] in [0] : vector<16xf32>, vector<16xi32> -> vector<16xf32>
          %add3A_1084 = arith.addf %add3A_1020, %gather3A_1083 : vector<16xf32>
          %reshape3A_1085 = vector.shape_cast %xor3A_25 : vector<16xi32> to vector<16x1xi32>
          %gather3A_1086 = vector.shape_cast %reshape3A_1085 : vector<16x1xi32> to vector<16xi32>
          %gather3A_1087 = tpu.dynamic_gather %add3A_1024[%gather3A_1086] in [0] : vector<16xf32>, vector<16xi32> -> vector<16xf32>
          %add3A_1088 = arith.addf %add3A_1024, %gather3A_1087 : vector<16xf32>
          %reshape3A_1089 = vector.shape_cast %xor3A_25 : vector<16xi32> to vector<16x1xi32>
          %gather3A_1090 = vector.shape_cast %reshape3A_1089 : vector<16x1xi32> to vector<16xi32>
          %gather3A_1091 = tpu.dynamic_gather %add3A_1028[%gather3A_1090] in [0] : vector<16xf32>, vector<16xi32> -> vector<16xf32>
          %add3A_1092 = arith.addf %add3A_1028, %gather3A_1091 : vector<16xf32>
          %reshape3A_1093 = vector.shape_cast %xor3A_25 : vector<16xi32> to vector<16x1xi32>
          %gather3A_1094 = vector.shape_cast %reshape3A_1093 : vector<16x1xi32> to vector<16xi32>
          %gather3A_1095 = tpu.dynamic_gather %add3A_1032[%gather3A_1094] in [0] : vector<16xf32>, vector<16xi32> -> vector<16xf32>
          %add3A_1096 = arith.addf %add3A_1032, %gather3A_1095 : vector<16xf32>
          %reshape3A_1097 = vector.shape_cast %xor3A_25 : vector<16xi32> to vector<16x1xi32>
          %gather3A_1098 = vector.shape_cast %reshape3A_1097 : vector<16x1xi32> to vector<16xi32>
          %gather3A_1099 = tpu.dynamic_gather %add3A_1036[%gather3A_1098] in [0] : vector<16xf32>, vector<16xi32> -> vector<16xf32>
          %add3A_1100 = arith.addf %add3A_1036, %gather3A_1099 : vector<16xf32>
          %reshape3A_1101 = vector.shape_cast %xor3A_25 : vector<16xi32> to vector<16x1xi32>
          %gather3A_1102 = vector.shape_cast %reshape3A_1101 : vector<16x1xi32> to vector<16xi32>
          %gather3A_1103 = tpu.dynamic_gather %add3A_1040[%gather3A_1102] in [0] : vector<16xf32>, vector<16xi32> -> vector<16xf32>
          %add3A_1104 = arith.addf %add3A_1040, %gather3A_1103 : vector<16xf32>
          %reshape3A_1105 = vector.shape_cast %xor3A_25 : vector<16xi32> to vector<16x1xi32>
          %gather3A_1106 = vector.shape_cast %reshape3A_1105 : vector<16x1xi32> to vector<16xi32>
          %gather3A_1107 = tpu.dynamic_gather %add3A_1044[%gather3A_1106] in [0] : vector<16xf32>, vector<16xi32> -> vector<16xf32>
          %add3A_1108 = arith.addf %add3A_1044, %gather3A_1107 : vector<16xf32>
          %reshape3A_1109 = vector.shape_cast %xor3A_25 : vector<16xi32> to vector<16x1xi32>
          %gather3A_1110 = vector.shape_cast %reshape3A_1109 : vector<16x1xi32> to vector<16xi32>
          %gather3A_1111 = tpu.dynamic_gather %add3A_1048[%gather3A_1110] in [0] : vector<16xf32>, vector<16xi32> -> vector<16xf32>
          %add3A_1112 = arith.addf %add3A_1048, %gather3A_1111 : vector<16xf32>
          %reshape3A_1113 = vector.shape_cast %xor3A_28 : vector<16xi32> to vector<16x1xi32>
          %gather3A_1114 = vector.shape_cast %reshape3A_1113 : vector<16x1xi32> to vector<16xi32>
          %gather3A_1115 = tpu.dynamic_gather %add3A_1052[%gather3A_1114] in [0] : vector<16xf32>, vector<16xi32> -> vector<16xf32>
          %add3A_1116 = arith.addf %add3A_1052, %gather3A_1115 : vector<16xf32>
          %reshape3A_1117 = vector.shape_cast %xor3A_28 : vector<16xi32> to vector<16x1xi32>
          %gather3A_1118 = vector.shape_cast %reshape3A_1117 : vector<16x1xi32> to vector<16xi32>
          %gather3A_1119 = tpu.dynamic_gather %add3A_1056[%gather3A_1118] in [0] : vector<16xf32>, vector<16xi32> -> vector<16xf32>
          %add3A_1120 = arith.addf %add3A_1056, %gather3A_1119 : vector<16xf32>
          %reshape3A_1121 = vector.shape_cast %xor3A_28 : vector<16xi32> to vector<16x1xi32>
          %gather3A_1122 = vector.shape_cast %reshape3A_1121 : vector<16x1xi32> to vector<16xi32>
          %gather3A_1123 = tpu.dynamic_gather %add3A_1060[%gather3A_1122] in [0] : vector<16xf32>, vector<16xi32> -> vector<16xf32>
          %add3A_1124 = arith.addf %add3A_1060, %gather3A_1123 : vector<16xf32>
          %reshape3A_1125 = vector.shape_cast %xor3A_28 : vector<16xi32> to vector<16x1xi32>
          %gather3A_1126 = vector.shape_cast %reshape3A_1125 : vector<16x1xi32> to vector<16xi32>
          %gather3A_1127 = tpu.dynamic_gather %add3A_1064[%gather3A_1126] in [0] : vector<16xf32>, vector<16xi32> -> vector<16xf32>
          %add3A_1128 = arith.addf %add3A_1064, %gather3A_1127 : vector<16xf32>
          %reshape3A_1129 = vector.shape_cast %xor3A_28 : vector<16xi32> to vector<16x1xi32>
          %gather3A_1130 = vector.shape_cast %reshape3A_1129 : vector<16x1xi32> to vector<16xi32>
          %gather3A_1131 = tpu.dynamic_gather %add3A_1068[%gather3A_1130] in [0] : vector<16xf32>, vector<16xi32> -> vector<16xf32>
          %add3A_1132 = arith.addf %add3A_1068, %gather3A_1131 : vector<16xf32>
          %reshape3A_1133 = vector.shape_cast %xor3A_28 : vector<16xi32> to vector<16x1xi32>
          %gather3A_1134 = vector.shape_cast %reshape3A_1133 : vector<16x1xi32> to vector<16xi32>
          %gather3A_1135 = tpu.dynamic_gather %add3A_1072[%gather3A_1134] in [0] : vector<16xf32>, vector<16xi32> -> vector<16xf32>
          %add3A_1136 = arith.addf %add3A_1072, %gather3A_1135 : vector<16xf32>
          %reshape3A_1137 = vector.shape_cast %xor3A_28 : vector<16xi32> to vector<16x1xi32>
          %gather3A_1138 = vector.shape_cast %reshape3A_1137 : vector<16x1xi32> to vector<16xi32>
          %gather3A_1139 = tpu.dynamic_gather %add3A_1076[%gather3A_1138] in [0] : vector<16xf32>, vector<16xi32> -> vector<16xf32>
          %add3A_1140 = arith.addf %add3A_1076, %gather3A_1139 : vector<16xf32>
          %reshape3A_1141 = vector.shape_cast %xor3A_28 : vector<16xi32> to vector<16x1xi32>
          %gather3A_1142 = vector.shape_cast %reshape3A_1141 : vector<16x1xi32> to vector<16xi32>
          %gather3A_1143 = tpu.dynamic_gather %add3A_1080[%gather3A_1142] in [0] : vector<16xf32>, vector<16xi32> -> vector<16xf32>
          %add3A_1144 = arith.addf %add3A_1080, %gather3A_1143 : vector<16xf32>
          %reshape3A_1145 = vector.shape_cast %xor3A_28 : vector<16xi32> to vector<16x1xi32>
          %gather3A_1146 = vector.shape_cast %reshape3A_1145 : vector<16x1xi32> to vector<16xi32>
          %gather3A_1147 = tpu.dynamic_gather %add3A_1084[%gather3A_1146] in [0] : vector<16xf32>, vector<16xi32> -> vector<16xf32>
          %add3A_1148 = arith.addf %add3A_1084, %gather3A_1147 : vector<16xf32>
          %reshape3A_1149 = vector.shape_cast %xor3A_28 : vector<16xi32> to vector<16x1xi32>
          %gather3A_1150 = vector.shape_cast %reshape3A_1149 : vector<16x1xi32> to vector<16xi32>
          %gather3A_1151 = tpu.dynamic_gather %add3A_1088[%gather3A_1150] in [0] : vector<16xf32>, vector<16xi32> -> vector<16xf32>
          %add3A_1152 = arith.addf %add3A_1088, %gather3A_1151 : vector<16xf32>
          %reshape3A_1153 = vector.shape_cast %xor3A_28 : vector<16xi32> to vector<16x1xi32>
          %gather3A_1154 = vector.shape_cast %reshape3A_1153 : vector<16x1xi32> to vector<16xi32>
          %gather3A_1155 = tpu.dynamic_gather %add3A_1092[%gather3A_1154] in [0] : vector<16xf32>, vector<16xi32> -> vector<16xf32>
          %add3A_1156 = arith.addf %add3A_1092, %gather3A_1155 : vector<16xf32>
          %reshape3A_1157 = vector.shape_cast %xor3A_28 : vector<16xi32> to vector<16x1xi32>
          %gather3A_1158 = vector.shape_cast %reshape3A_1157 : vector<16x1xi32> to vector<16xi32>
          %gather3A_1159 = tpu.dynamic_gather %add3A_1096[%gather3A_1158] in [0] : vector<16xf32>, vector<16xi32> -> vector<16xf32>
          %add3A_1160 = arith.addf %add3A_1096, %gather3A_1159 : vector<16xf32>
          %reshape3A_1161 = vector.shape_cast %xor3A_28 : vector<16xi32> to vector<16x1xi32>
          %gather3A_1162 = vector.shape_cast %reshape3A_1161 : vector<16x1xi32> to vector<16xi32>
          %gather3A_1163 = tpu.dynamic_gather %add3A_1100[%gather3A_1162] in [0] : vector<16xf32>, vector<16xi32> -> vector<16xf32>
          %add3A_1164 = arith.addf %add3A_1100, %gather3A_1163 : vector<16xf32>
          %reshape3A_1165 = vector.shape_cast %xor3A_28 : vector<16xi32> to vector<16x1xi32>
          %gather3A_1166 = vector.shape_cast %reshape3A_1165 : vector<16x1xi32> to vector<16xi32>
          %gather3A_1167 = tpu.dynamic_gather %add3A_1104[%gather3A_1166] in [0] : vector<16xf32>, vector<16xi32> -> vector<16xf32>
          %add3A_1168 = arith.addf %add3A_1104, %gather3A_1167 : vector<16xf32>
          %reshape3A_1169 = vector.shape_cast %xor3A_28 : vector<16xi32> to vector<16x1xi32>
          %gather3A_1170 = vector.shape_cast %reshape3A_1169 : vector<16x1xi32> to vector<16xi32>
          %gather3A_1171 = tpu.dynamic_gather %add3A_1108[%gather3A_1170] in [0] : vector<16xf32>, vector<16xi32> -> vector<16xf32>
          %add3A_1172 = arith.addf %add3A_1108, %gather3A_1171 : vector<16xf32>
          %reshape3A_1173 = vector.shape_cast %xor3A_28 : vector<16xi32> to vector<16x1xi32>
          %gather3A_1174 = vector.shape_cast %reshape3A_1173 : vector<16x1xi32> to vector<16xi32>
          %gather3A_1175 = tpu.dynamic_gather %add3A_1112[%gather3A_1174] in [0] : vector<16xf32>, vector<16xi32> -> vector<16xf32>
          %add3A_1176 = arith.addf %add3A_1112, %gather3A_1175 : vector<16xf32>
          tpu.vector_store_idx %arg15[%iota3A], %add3A_1116 masked %eq3A_30 : memref<16xf32, #tpu.memory_space<vmem>>[vector<16xi32>], vector<16xf32>, vector<16xi1>
          tpu.vector_store_idx %arg15[%iota3A], %add3A_1120 masked %eq3A_33 : memref<16xf32, #tpu.memory_space<vmem>>[vector<16xi32>], vector<16xf32>, vector<16xi1>
          tpu.vector_store_idx %arg15[%iota3A], %add3A_1124 masked %eq3A_36 : memref<16xf32, #tpu.memory_space<vmem>>[vector<16xi32>], vector<16xf32>, vector<16xi1>
          tpu.vector_store_idx %arg15[%iota3A], %add3A_1128 masked %eq3A_39 : memref<16xf32, #tpu.memory_space<vmem>>[vector<16xi32>], vector<16xf32>, vector<16xi1>
          tpu.vector_store_idx %arg15[%iota3A], %add3A_1132 masked %eq3A_42 : memref<16xf32, #tpu.memory_space<vmem>>[vector<16xi32>], vector<16xf32>, vector<16xi1>
          tpu.vector_store_idx %arg15[%iota3A], %add3A_1136 masked %eq3A_45 : memref<16xf32, #tpu.memory_space<vmem>>[vector<16xi32>], vector<16xf32>, vector<16xi1>
          tpu.vector_store_idx %arg15[%iota3A], %add3A_1140 masked %eq3A_48 : memref<16xf32, #tpu.memory_space<vmem>>[vector<16xi32>], vector<16xf32>, vector<16xi1>
          tpu.vector_store_idx %arg15[%iota3A], %add3A_1144 masked %eq3A_51 : memref<16xf32, #tpu.memory_space<vmem>>[vector<16xi32>], vector<16xf32>, vector<16xi1>
          tpu.vector_store_idx %arg15[%iota3A], %add3A_1148 masked %eq3A_54 : memref<16xf32, #tpu.memory_space<vmem>>[vector<16xi32>], vector<16xf32>, vector<16xi1>
          tpu.vector_store_idx %arg15[%iota3A], %add3A_1152 masked %eq3A_57 : memref<16xf32, #tpu.memory_space<vmem>>[vector<16xi32>], vector<16xf32>, vector<16xi1>
          tpu.vector_store_idx %arg15[%iota3A], %add3A_1156 masked %eq3A_60 : memref<16xf32, #tpu.memory_space<vmem>>[vector<16xi32>], vector<16xf32>, vector<16xi1>
          tpu.vector_store_idx %arg15[%iota3A], %add3A_1160 masked %eq3A_63 : memref<16xf32, #tpu.memory_space<vmem>>[vector<16xi32>], vector<16xf32>, vector<16xi1>
          tpu.vector_store_idx %arg15[%iota3A], %add3A_1164 masked %eq3A_66 : memref<16xf32, #tpu.memory_space<vmem>>[vector<16xi32>], vector<16xf32>, vector<16xi1>
          tpu.vector_store_idx %arg15[%iota3A], %add3A_1168 masked %eq3A_69 : memref<16xf32, #tpu.memory_space<vmem>>[vector<16xi32>], vector<16xf32>, vector<16xi1>
          tpu.vector_store_idx %arg15[%iota3A], %add3A_1172 masked %eq3A_72 : memref<16xf32, #tpu.memory_space<vmem>>[vector<16xi32>], vector<16xf32>, vector<16xi1>
          tpu.vector_store_idx %arg15[%iota3A], %add3A_1176 masked %eq3A_75 : memref<16xf32, #tpu.memory_space<vmem>>[vector<16xi32>], vector<16xf32>, vector<16xi1>
          %mul3A_1177 = arith.constant 80 : i32
          %mul3A_1178 = arith.muli %add3A_129, %mul3A_1177 : i32
          %mul3A_1179 = arith.constant 16 : i32
          %mul3A_1180 = arith.muli %scan3A_136, %mul3A_1179 : i32
          %add3A_1181 = arith.addi %mul3A_1178, %mul3A_1180 : i32
          %get3A_1182 = arith.index_cast %add3A_1181 : i32 to index
          %get3A_1183 = tpu.vector_load %arg9[%get3A_1182] {strides = array<i32>} : memref<10000xi32, #tpu.memory_space<vmem>>, vector<16xi32>,
          %get3A_1184 = arith.index_cast %add3A_1181 : i32 to index
          %get3A_1185 = tpu.vector_load %arg10[%get3A_1184] {strides = array<i32>} : memref<10000xi32, #tpu.memory_space<vmem>>, vector<16xi32>,
          %add3A_1186 = arith.constant 10000 : i32
          %add3A_1187 = vector.broadcast %add3A_1186 : i32 to vector<16xi32>
          %add3A_1188 = arith.addi %get3A_1185, %add3A_1187 : vector<16xi32>
          %get3A_1189 = arith.constant 0 : index
          %get3A_1190 = tpu.vector_load %arg15[%get3A_1189] {strides = array<i32>} : memref<16xf32, #tpu.memory_space<vmem>>, vector<16xf32>,
          %gather3A_1191 = tpu.vector_load_idx %arg8[%get3A_1183] : memref<20000xf32, #tpu.memory_space<vmem>>[vector<16xi32>], vector<16xf32>,
          %add3A_1192 = arith.addf %get3A_1190, %gather3A_1191 : vector<16xf32>
          %gather3A_1193 = tpu.vector_load_idx %arg8[%add3A_1188] : memref<20000xf32, #tpu.memory_space<vmem>>[vector<16xi32>], vector<16xf32>,
          %add3A_1194 = arith.addf %add3A_1192, %gather3A_1193 : vector<16xf32>
          %neg3A = arith.constant 0.000000e+00 : f32
          %neg3A_1195 = vector.broadcast %neg3A : f32 to vector<16xf32>
          %neg3A_1196 = arith.subf %neg3A_1195, %add3A_1194 : vector<16xf32>
          %exp3A = math.exp %neg3A_1196 : vector<16xf32>
          %add3A_1197 = arith.constant 1.000000e+00 : f32
          %add3A_1198 = vector.broadcast %add3A_1197 : f32 to vector<16xf32>
          %add3A_1199 = arith.addf %add3A_1198, %exp3A : vector<16xf32>
          %div3A = arith.constant 1.000000e+00 : f32
          %div3A_1200 = vector.broadcast %div3A : f32 to vector<16xf32>
          %div3A_1201 = arith.divf %div3A_1200, %add3A_1199 : vector<16xf32>
          %swap3A = arith.index_cast %add3A_1181 : i32 to index
          %swap3A_1202 = tpu.vector_load %arg12[%swap3A] {strides = array<i32>} : memref<10000xf32, #tpu.memory_space<vmem>>, vector<16xf32>,
          tpu.vector_store %arg12[%swap3A], %div3A_1201 {strides = array<i32>} : memref<10000xf32, #tpu.memory_space<vmem>>, vector<16xf32>,
        }
        %scan3A_135 = arith.constant 5 : i32
      } else {
      }
    }
    %scan3A_85 = arith.constant 63 : i32
    "tpu.region"() ({
      %run_scoped3A = tpu.sem_alloc : memref<!tpu.dma_semaphore, #tpu.memory_space<semaphore_mem>>
      %dma_start3A_86 = tpu.memref_slice %arg7[%mul3A_2] : memref<320000xf32, #tpu.memory_space<hbm>> -> memref<10000xf32, #tpu.memory_space<hbm>>
      %dma_start3A_87 = tpu.memref_slice %arg7[%mul3A_2] : memref<320000xf32, #tpu.memory_space<hbm>> -> memref<10000xf32, #tpu.memory_space<hbm>>
      tpu.enqueue_dma source(%arg12 : memref<10000xf32, #tpu.memory_space<vmem>>) target(%dma_start3A_87 : memref<10000xf32, #tpu.memory_space<hbm>>) target_semaphore(%run_scoped3A : memref<!tpu.dma_semaphore, #tpu.memory_space<semaphore_mem>>)
      %dma_wait3A = tpu.memref_slice %arg7[%mul3A_2] : memref<320000xf32, #tpu.memory_space<hbm>> -> memref<10000xf32, #tpu.memory_space<hbm>>
      %dma_wait3A_88 = tpu.memref_slice %arg7[%mul3A_2] : memref<320000xf32, #tpu.memory_space<hbm>> -> memref<10000xf32, #tpu.memory_space<hbm>>
      tpu.wait_dma2 semaphore(%run_scoped3A : memref<!tpu.dma_semaphore, #tpu.memory_space<semaphore_mem>>) src(%arg12 : memref<10000xf32, #tpu.memory_space<vmem>>) dst(%dma_wait3A_88 : memref<10000xf32, #tpu.memory_space<hbm>>)
      tpu.yield
    }) : () -> ()
    return
  }
}

module attributes {stable_mosaic.version = 14 : i64} {
  func.func @_gates_body(%arg0: memref<10000x128xf32, #tpu.memory_space<vmem>>, %arg1: memref<2x128xf32, #tpu.memory_space<vmem>>, %arg2: memref<2x1xf32, #tpu.memory_space<vmem>>, %arg3: memref<2x10000xf32, #tpu.memory_space<vmem>>) attributes {dimension_semantics = [], scalar_prefetch = 0 : i64, scratch_operands = 0 : i64, tpu.core_type = #tpu.core_type<tc>} {
    %get3A = arith.constant 0 : index
    %get3A_0 = arith.constant 0 : index
    %get3A_1 = vector.load %arg1[%get3A, %get3A_0] : memref<2x128xf32, #tpu.memory_space<vmem>>, vector<2x128xf32>
    %get3A_2 = arith.constant 0 : index
    %get3A_3 = arith.constant 0 : index
    %get3A_4 = vector.load %arg0[%get3A_2, %get3A_3] : memref<10000x128xf32, #tpu.memory_space<vmem>>, vector<10000x128xf32>
    %dot_general3A = arith.constant dense<0.000000e+00> : vector<2x10000xf32>
    %dot_general3A_5 = tpu.matmul %get3A_1, %get3A_4, %dot_general3A {dimension_numbers = #tpu.dot_dimension_numbers<[1], [1], [0], [0], [0, 0, 1, 0], [], []>, transpose_lhs_hint = false} : vector<2x128xf32>, vector<10000x128xf32>, vector<2x10000xf32> -> vector<2x10000xf32>
    %get3A_6 = arith.constant 0 : index
    %get3A_7 = arith.constant 0 : index
    %get3A_8 = vector.load %arg2[%get3A_6, %get3A_7] : memref<2x1xf32, #tpu.memory_space<vmem>>, vector<2x1xf32>
    %add3A = vector.broadcast %get3A_8 : vector<2x1xf32> to vector<2x10000xf32>
    %add3A_9 = arith.addf %dot_general3A_5, %add3A : vector<2x10000xf32>
    %swap3A = arith.constant 0 : index
    %swap3A_10 = arith.constant 0 : index
    %swap3A_11 = vector.load %arg3[%swap3A, %swap3A_10] : memref<2x10000xf32, #tpu.memory_space<vmem>>, vector<2x10000xf32>
    tpu.vector_store %arg3[%swap3A, %swap3A_10], %add3A_9 {strides = array<i32>} : memref<2x10000xf32, #tpu.memory_space<vmem>>, vector<2x10000xf32>,
    return
  }
}

</mosaic_0001>

<sc_bundles>
// kernel: kernel.4.cloned.1.call-start
scs
__scs_entry_jumppad:
0x0: {  	(pc) =	sbr.rel $0x88, $3  }
0x1: {  	(tag) =	ssettag $0x0;
	lr =	simm.s32 $0x1  }
0x2: {  	[smem:$0x3F98] =	sst lr;
	_ =	strace $0xD0000000  }
0x3: {  	_ = 	snop  }
0x4: {  	_ = 	snop  }
0x5: {  	_ = 	snop  }
0x6: {  	_ = 	snop  }
0x7: {  	_ = 	snop  }
__scs_overlays_trampoline_lowered:
0x8: {  	[smem:$0x3FA7] =	sst s0  }
0x9: {  	[smem:$0x3FA8] =	sst s1  }
0xa: {  	[smem:$0x3FA9] =	sst s2  }
0xb: {  	[smem:$0x3FAA] =	sst s3  }
0xc: {  	[smem:$0x3FAB] =	sst s4  }
0xd: {  	[smem:$0x3FAC] =	sst s5  }
0xe: {  	[smem:$0x3FAD] =	sst s6  }
0xf: {  	[smem:$0x3FAE] =	sst s7  }
0x10: {  	[smem:$0x3FAF] =	sst s8  }
0x11: {  	[smem:$0x3FB0] =	sst s9;
	s0 =	simm.s32 @!p0 $0x0  }
0x12: {  	s1 =	sld [smem:$0x3F96];
	s0 =	simm.s32 @p0 $0x1  }
0x13: {  	[smem:$0x3FB1] =	sst s0;
	s0 =	simm.s32 @!p1 $0x0  }
0x14: {  	s2 =	sld [smem:$0x3F95];
	s0 =	simm.s32 @p1 $0x1  }
0x15: {  	[smem:$0x3FB2] =	sst s0;
	s0 =	simm.s32 @!p2 $0x0  }
0x16: {  	s3 =	sld [smem:$0x3FDB];
	s0 =	simm.s32 @p2 $0x1  }
0x17: {  	s4 =	simm.s32 $0x1BF5;
	[smem:$0x3FB4] =	sst s0  }
0x18: {  	s0 =	sld [smem:$0x3F97];
	_ =	swait.ge [sflag:s4], $0x0  }
0x19: {  	s7 =	sld [smem:$0x3F98]  }
0x1a: {  	s8 =	sadd.s32 $0xFFFFE003, lr  }
0x1b: {  	s9 =	sadd.s32 $0xFFFFFEF7, lr;
	s5 =	simm.s32 $0xFFFFFFFF;
	p2 =	slt.u32 s8, $0xFFFFF086  }
0x1c: {  	p1 =	slt.u32 s9, $0xF7A;
	s5 =	simm.s32 @!p2 $0x0  }
0x1d: {  	s5 =	simm.s32 @p1 $0x1;
	p0 =	seq.s32 s7, s2  }
0x1e: {  	s7 =	smul.u32 @!p0 $0xF7A, s2;
	p2 =	seq.s32 @!p0 s5, $0x0  }
0x1f: {  	s9 =	smul.u32 $0xF7A, s1;
	s8 =	simm.s32 @!p0 $0x1BF5;
	p2 =	por !p2, p0  }
0x20: {  	[sflag:s8] =	ssyncset.s32 @!p0 $0xFFFFF086;
	s6 =	sadd.s32 @!p0 s3, s7;
	s7 =	simm.s32 @!p0 $0x108  }
0x21: {  	s3 =	sadd.s32 s3, s9;
	s6 =	sadd.s32 @!p0 $0x88, s6;
	s7 =	simm.s32 @p2 $0x1082  }
0x22: {  	[simem:s7], [sflag:s8] =	dma.local @!p0 [hbm:s6], $0xF7A  }
0x23: {  	s9 =	sor.u32 $0xD0000000, s2;
	s6 =	simm.s32 $0x108;
	_ =	swait.ge @!p0 [sflag:s8], $0x0  }
0x24: {  	s3 =	sadd.s32 $0x88, s3;
	s6 =	simm.s32 @!p1 $0x1082;
	[sflag:s4] =	ssyncset.s32 $0xFFFFF086  }
0x25: {  	[simem:s6], [sflag:s4] =	dma.local [hbm:s3], $0xF7A  }
0x26: {  	[smem:$0x3F98] =	sst s1;
	(tag) =	ssettag s2;
	_ =	strace s9  }
0x27: {  	s1 =	sld [smem:$0x3FA8]  }
0x28: {  	s2 =	sld [smem:$0x3FA9]  }
0x29: {  	s4 =	sld [smem:$0x3FAB]  }
0x2a: {  	p0 =	seq.s32 s5, $0x0;
	s5 =	sld [smem:$0x3FAC]  }
0x2b: {  	s6 =	sld [smem:$0x3FAD]  }
0x2c: {  	s7 =	sld [smem:$0x3FAE]  }
0x2d: {  	s3 =	simm.s32 $0x108;
	s8 =	sld [smem:$0x3FAF]  }
0x2e: {  	s3 =	simm.s32 @!p0 $0x1082;
	s9 =	sld [smem:$0x3FB0]  }
0x2f: {  	lr =	sadd.s32 s0, s3;
	s0 =	sld [smem:$0x3FA7]  }
0x30: {  	s3 =	sld [smem:$0x3FAA]  }
0x31: {  	[smem:$0x3FB3] =	sst s10  }
0x32: {  	s10 =	sld [smem:$0x3FB1];
	_ =	sdelay $0x3  }
0x33: {  	p0 =	seq.s32 s10, $0x1;
	s10 =	sld [smem:$0x3FB3];
	_ =	sdelay $0x3  }
0x34: {  	[smem:$0x3FB3] =	sst s10  }
0x35: {  	s10 =	sld [smem:$0x3FB2];
	_ =	sdelay $0x3  }
0x36: {  	p1 =	seq.s32 s10, $0x1;
	s10 =	sld [smem:$0x3FB3];
	_ =	sdelay $0x3  }
0x37: {  	[smem:$0x3FB3] =	sst s10  }
0x38: {  	s10 =	sld [smem:$0x3FB4]  }
0x39: {  	_ = 	snop;
	(pc) =	sbr.ind lr, $3  }
0x3a: {  	_ = 	snop  }
0x3b: {  	_ = 	snop  }
0x3c: {  	p2 =	seq.s32 s10, $0x1;
	s10 =	sld [smem:$0x3FB3]  }
0x3d: {  	_ =	shalt  }
0x3e: {  	_ =	shalt  }
0x3f: {  	_ =	shalt  }
0x40: {  	_ =	shalt  }
0x41: {  	_ =	shalt  }
0x42: {  	_ =	shalt  }
0x43: {  	_ =	shalt  }
0x44: {  	_ =	shalt  }
0x45: {  	_ =	shalt  }
0x46: {  	_ =	shalt  }
0x47: {  	_ =	shalt  }
0x48: {  	_ =	shalt  }
0x49: {  	_ =	shalt  }
0x4a: {  	_ =	shalt  }
0x4b: {  	_ =	shalt  }
0x4c: {  	_ =	shalt  }
0x4d: {  	_ =	shalt  }
0x4e: {  	_ =	shalt  }
0x4f: {  	_ =	shalt  }
0x50: {  	_ =	shalt  }
0x51: {  	_ =	shalt  }
0x52: {  	_ =	shalt  }
0x53: {  	_ =	shalt  }
0x54: {  	_ =	shalt  }
0x55: {  	_ =	shalt  }
0x56: {  	_ =	shalt  }
0x57: {  	_ =	shalt  }
0x58: {  	_ =	shalt  }
0x59: {  	_ =	shalt  }
0x5a: {  	_ =	shalt  }
0x5b: {  	_ =	shalt  }
0x5c: {  	_ =	shalt  }
0x5d: {  	_ =	shalt  }
0x5e: {  	_ =	shalt  }
0x5f: {  	_ =	shalt  }
0x60: {  	_ =	shalt  }
0x61: {  	_ =	shalt  }
0x62: {  	_ =	shalt  }
0x63: {  	_ =	shalt  }
0x64: {  	_ =	shalt  }
0x65: {  	_ =	shalt  }
0x66: {  	_ =	shalt  }
0x67: {  	_ =	shalt  }
0x68: {  	_ =	shalt  }
0x69: {  	_ =	shalt  }
0x6a: {  	_ =	shalt  }
0x6b: {  	_ =	shalt  }
0x6c: {  	_ =	shalt  }
0x6d: {  	_ =	shalt  }
0x6e: {  	_ =	shalt  }
0x6f: {  	_ =	shalt  }
0x70: {  	_ =	shalt  }
0x71: {  	_ =	shalt  }
0x72: {  	_ =	shalt  }
0x73: {  	_ =	shalt  }
0x74: {  	_ =	shalt  }
0x75: {  	_ =	shalt  }
0x76: {  	_ =	shalt  }
0x77: {  	_ =	shalt  }
0x78: {  	_ =	shalt  }
0x79: {  	_ =	shalt  }
0x7a: {  	_ =	shalt  }
0x7b: {  	_ =	shalt  }
0x7c: {  	_ =	shalt  }
0x7d: {  	_ =	shalt  }
0x7e: {  	_ =	shalt  }
0x7f: {  	_ =	shalt  }
0x80: {  	_ =	shalt  }
0x81: {  	_ =	shalt  }
0x82: {  	_ =	shalt  }
0x83: {  	_ =	shalt  }
0x84: {  	_ =	shalt  }
0x85: {  	_ =	shalt  }
0x86: {  	_ =	shalt  }
0x87: {  	_ =	shalt  }
.Lfunc_end0:
.L_simem_size_0:
called_computation_lowered:
.L_overlay_start_0:
0x88: {  	s2 =	sld [smem:$0x3FD9]  }
0x89: {  	s3 =	sld [smem:$0x3FFE];
	_ =	sdelay $0x1  }
0x8a: {  	s1 =	srdreg.scid  }
0x8b: {  	s0 =	sand.u32 $0x1, s1  }
0x8c: {  	s17 =	sshll.u32 s0, $0xA;
	s2 =	sadd.s32 s3, s2  }
0x8d: {  	s2 =	sadd.s32 s2, s17  }
0x8e: {  	[smem:$0x3FBF] =	sst s2  }
0x8f: {  	_ = 	snop  }
0x90: {  	s2 =	sld [smem:$0x3FC8]  }
0x91: {  	s18 =	sld [smem:$0x3FC2]  }
0x92: {  	s4 =	sld [smem:$0x3FD0];
	(tm) =	ssettm $0x1  }
0x93: {  	s5 =	sld [smem:$0x3FFB];
	_ =	sdelay $0x3  }
0x94: {  	_ =	strace s5  }
0x95: {  	s5 =	sld [smem:$0x3FFC];
	_ =	sdelay $0x3  }
0x96: {  	_ =	strace s5  }
0x97: {  	s5 =	sld [smem:$0x3FFD];
	_ =	sdelay $0x3  }
0x98: {  	_ =	strace s5  }
0x99: {  	_ =	strace $0x8FFFFFFF  }
0x9a: {  	s19 =	sld [smem:$0x3FDB];
	_ =	sdelay $0x1  }
0x9b: {  	s6 =	simm.s32 $_scs_section_size  }
0x9c: {  	s7 =	simm.s32 $_size__tile_overlayer_lowered;
	s8 =	simm.s32 $_tile_overlayer_lowered  }
0x9d: {  	s22 =	simm.s32 $0x1BFF;
	s21 =	sshll.u32 s8, $0x1;
	s5 =	sadd.s32 s6, s19  }
0x9e: {  	s9 =	simm.s32 $0x0;
	s20 =	sshll.u32 s7, $0x1;
	s7 =	sadd.s32 s21, s5  }
0x9f: {  	[timem:s9], [sflag:s22] =	dma.local [hbm:s7], s20  }
0xa0: {  	_ =	swait.ge [sflag:s22], s20  }
0xa1: {  	s6 =	ssub.s32 $0x0, s20;
	[sflag:s22] =	ssyncset.done $0x0  }
0xa2: {  	[sflag:s22] =	ssyncadd.s32 s6;
	_ =	sdelay $0x1  }
0xa3: {  	s23 =	simm.s32 $0x1B8B  }
0xa4: {  	_ =	swait.ge [sflag:s23], $0x1  }
0xa5: {  	[sflag:s23] =	ssyncset.done $0x0  }
0xa6: {  	s25 =	simm.s32 $0x1B8E;
	s24 =	sld [smem:$0x3FFE];
	[sflag:s23] =	ssyncadd.s32 $0xFFFFFFFF  }
0xa7: {  	s26 =	simm.s32 $execute0_lowered;
	[smem:$0x3FD2] =	sst s25  }
0xa8: {  	s7 =	sshll.u32 s26, $0x1;
	_ =	strace $0x80000046;
	[dreg:$0x1] =	wrdreg $0xFFFFFFFF  }
0xa9: {  	s28 =	simm.s32 $_size_execute0_lowered;
	s5 =	sadd.s32 s5, s7;
	[dreg:$0x0] =	wrdreg $0x0  }
0xaa: {  	s7 =	sshll.u32 s28, $0x1;
	[dreg:$0x2] =	wrdreg s5  }
0xab: {  	[dreg:$0x3] =	wrdreg s7  }
0xac: {  	[dreg:$0x4] =	wrdreg $0xC0  }
0xad: {  	_ =	task [dreg:s9], $0x5FFFF  }
0xae: {  	[dreg:$0x1] =	wrdreg $0xFFFFFFFF  }
0xaf: {  	[dreg:$0x0] =	wrdreg $0x60  }
0xb0: {  	[dreg:$0x2] =	wrdreg s4  }
0xb1: {  	[dreg:$0x3] =	wrdreg s24  }
0xb2: {  	[dreg:$0x4] =	wrdreg s2  }
0xb3: {  	[dreg:$0x5] =	wrdreg s18  }
0xb4: {  	[dreg:$0x6] =	wrdreg $0x9  }
0xb5: {  	_ =	task.clear_ibuf [dreg:s9], $0x7FFFF;
	_ =	strace $0x90000046  }
0xb6: {  	s29 =	simm.s32 $0x9;
	_ =	strace $0x80000048  }
0xb7: {  	_ =	swait.ge [sflag:s29], $0x1  }
0xb8: {  	[sflag:s29] =	ssyncadd.s32 $0xFFFFFFFF  }
0xb9: {  	_ =	strace $0x90000048  }
0xba: {  	_ =	sfence  }
0xbb: {  	s30 =	sld [smem:$0x0];
	_ =	sdelay $0x2  }
0xbc: {  	s31 =	sshll.u32 s1, $0xD;
	s1 =	sshrl.u32 s1, $0x2  }
0xbd: {  	s3 =	sand.u32 $0x4000, s31;
	s1 =	sadd.s32 s1, s30  }
0xbe: {  	s0 =	sor.u32 s3, s0;
	s1 =	sshll.u32 s1, $0x11  }
0xbf: {  	s0 =	sor.u32 s1, s0  }
0xc0: {  	s0 =	sadd.s32 $0x8F2B, s0  }
0xc1: {  	[sflag:s0] =	ssyncadd.remote.s32 $0x1  }
0xc2: {  	_ =	sfence.sel $0xFFFF  }
0xc3: {  	[dreg:$0x0] =	wrdreg $0xFFFFFFFF;
	(pc) =	sbr.abs _section_cstart, $3  }
0xc4: {  	[dreg:$0x1] =	wrdreg $0xFFFFFFFF  }
0xc5: {  	_ =	task.clear_ibuf [dreg:s9], $0x2FFFF;
	_ =	strace $0x9FFFFFFF  }
0xc6: {  	(tm) =	ssettm $0x7FFFFFFF  }
0xc7: {  	_ =	shalt  }
tec
execute0_lowered:
.L_overlay_start_1:
0x0: {  	(tag) =	ssettag $0x1  }
0x1: {  	v0 =	vimm.s32 $0xEFCDAB89;
	v1 =	vimm.s32 $0x67452301  }
0x2: {  	v2 =	vimm.s32 $0xDCFE98BA;
	v3 =	vimm.s32 $0x54761032;
	v4 =	vimm.s32 $0xBA98FEDC  }
0x3: {  	v5 =	vimm.s32 $0x32107654;
	v6 =	vimm.s32 $0xFEDCBA98;
	v7 =	vimm.s32 $0x76543210  }
0x4: {  	vm0 =	vcmask $0x704;
	vm1 =	vcmask $0xB08;
	vm2 =	vcmask $0xF0C  }
0x5: {  	s0 =	rddreg [dreg:$0x0];
	vm3 =	vcmask $0x1310;
	vm4 =	vcmask $0x1714;
	vm5 =	vcmask $0x1B18  }
0x6: {  	s2 =	srdreg.scid;
	s7 =	rddreg [dreg:$0x1];
	vm6 =	vcmask $0x1F1C;
	vm7 =	vcmask $0x2320;
	vm8 =	vcmask $0x2724  }
0x7: {  	s1 =	stileid.u32;
	s4 =	rddreg [dreg:$0x3];
	s6 =	simm.s32 $0x0;
	vm9 =	vcmask $0x2B28;
	vm10 =	vcmask $0x2F2C;
	vm11 =	vcmask $0x3330  }
0x8: {  	s13 =	simm.s32 $0x3;
	s14 =	simm.s32 $0x9D80;
	s15 =	simm.s32 $0xC580;
	vm12 =	vcmask $0x3734;
	v0 =	vunpack.c.l.s4.s8 v0;
	v1 =	vunpack.c.l.s4.s8 v1  }
0x9: {  	s16 =	simm.s32 $0x1;
	v2 =	vunpack.c.l.s4.s8 v2;
	v3 =	vunpack.c.l.s4.s8 v3;
	v4 =	vunpack.c.l.s4.s8 v4;
	s8 =	sand.u32 $0x1, s2;
	s3 =	sshll.u32 s1, $0x1  }
0xa: {  	s17 =	simm.s32 $0x11580;
	s18 =	simm.s32 $0x2;
	v5 =	vunpack.c.l.s4.s8 v5;
	v6 =	vunpack.c.l.s4.s8 v6;
	s9 =	sor.u32 s8, s3;
	v0 =	vunpack.c.0.s8.s32 v0  }
0xb: {  	s19 =	simm.s32 $0x9E00;
	s20 =	simm.s32 $0x0;
	v1 =	vunpack.c.0.s8.s32 v1;
	v2 =	vunpack.c.0.s8.s32 v2;
	v3 =	vunpack.c.0.s8.s32 v3;
	s5 =	smul.u32 $0x2710, s9  }
.Ltmp0:
0xc: {  	s2 =	rddreg [dreg:$0x2];
	v7 =	vunpack.c.l.s4.s8 v7;
	s8 =	ssub.s32 $0x2, s8;
	v4 =	vunpack.c.0.s8.s32 v4;
	v5 =	vunpack.c.0.s8.s32 v5;
	(pc) =	sbr.rel .LBB2_1-.Ltmp0, $4  }
0xd: {  	[smem:$0x7FF] =	sst s6;
	s11 =	sshrl.u32 s8, $0x1;
	s9 =	smul.u32 $0x27100, s9;
	v0 =	vcombine.low v1, v0;
	v1 =	vcombine.low v3, v2;
	v2 =	vunpack.c.0.s8.s32 v6  }
0xe: {  	vm13 =	vcmask $0x3B38;
	_ =	strace $0x80000047;
	s12 =	ssub.s32 s8, s11;
	v3 =	vcombine.low v5, v4;
	v4 =	vunpack.c.0.s8.s32 v7;
	s10 =	sshrl.u32 s5, $0x3  }
0xf: {  	vm14 =	vcmask $0x3F3C;
	s9 =	sadd.s32 s2, s9;
	s12 =	smax.u32 s12, $0x1;
	s7 =	sadd.s32 s7, s10;
	v0 =	vand.u32 $0xF, v0;
	v5 =	vand.u32 $0xF, v2  }
0x10: {  	s10 =	sadd.s32 $0xA0, s5;
	v1 =	vand.u32 $0xF, v1;
	v2 =	vand.u32 $0xF, v3;
	s8 =	sadd.s32 $0x9E00, s7;
	s11 =	sadd.s32 $0x13C00, s7;
	v3 =	vcombine.low v5, v4  }
.LBB2_8:
0x11: {  	s20 =	sadd.s32 $0x1, s20  }
0x12: {  	p0 =	sne.s32 s20, s12  }
.Ltmp1:
0x13: {  	_ = 	snop;
	(pc) =	sbr.rel @!p0 .LBB2_9-.Ltmp1, $4  }
0x14: {  	[hbm4b:s11+s6] =	stream.linear.scatter [tilespmem:s19], [sflag:$0x3], $0x2710, $0x38;
	[tilespmem:$0x11600] =	vst v63  }
0x15: {  	_ =	swait.ge [sflag:s13], $0x2710  }
0x16: {  	[sflag:s13] =	ssyncset.done $0x0  }
0x17: {  	[sflag:s13] =	ssyncadd.s32 $0xFFFFD8F0  }
.LBB2_1:
0x18: {  	[tilespmem:s6], [sflag:$0x3] =	stream.linear.gather [hbm4b:s0+s6], $0x4E80, $0x38;
	[tilespmem:$0x11600] =	vst v63  }
0x19: {  	_ =	swait.ge [sflag:s13], $0x4E80  }
0x1a: {  	[sflag:s13] =	ssyncset.done $0x0  }
0x1b: {  	s21 =	simm.s32 $0x4E80;
	[sflag:s13] =	ssyncadd.s32 $0xFFFFB180  }
0x1c: {  	[tilespmem:s21], [sflag:$0x3] =	stream.linear.gather [hbm4b:s8+s6], $0x2710, $0x38;
	[tilespmem:$0x11600] =	vst v63  }
0x1d: {  	_ =	swait.ge [sflag:s13], $0x2710  }
0x1e: {  	[sflag:s13] =	ssyncset.done $0x0  }
0x1f: {  	s22 =	simm.s32 $0x7600;
	[sflag:s13] =	ssyncadd.s32 $0xFFFFD8F0  }
0x20: {  	[tilespmem:s22], [sflag:$0x3] =	stream.linear.gather [hbm4b:s7+s6], $0x2710, $0x38;
	[tilespmem:$0x11600] =	vst v63  }
0x21: {  	_ =	swait.ge [sflag:s13], $0x2710  }
0x22: {  	[sflag:s13] =	ssyncset.done $0x0  }
0x23: {  	[sflag:s13] =	ssyncadd.s32 $0xFFFFD8F0  }
0x24: {  	[tilespmem:s14], [sflag:$0x3] =	stream.linear.gather [hbm4b:s4+s6], $0x80, $0x38;
	[tilespmem:$0x11600] =	vst v63  }
0x25: {  	_ =	swait.ge [sflag:s13], $0x80  }
0x26: {  	[sflag:s13] =	ssyncset.done $0x0  }
0x27: {  	[sflag:s13] =	ssyncadd.s32 $0xFFFFFF80  }
0x28: {  	v5 =	vld [tilespmem:$0x9D80]  }
0x29: {  	v6 =	vld [tilespmem:$0x9D90]  }
0x2a: {  	v7 =	vld [tilespmem:$0x9DA0]  }
.Ltmp2:
0x2b: {  	v8 =	vld [tilespmem:$0x9DB0];
	(pc) =	sbr.rel .LBB2_2-.Ltmp2, $4  }
0x2c: {  	v9 =	vld [tilespmem:$0x9DC0]  }
0x2d: {  	s23 =	simm.s32 $0x4ED0;
	s24 =	simm.s32 $0x7650;
	v10 =	vld [tilespmem:$0x9DD0]  }
0x2e: {  	s25 =	simm.s32 $0x9E50;
	s26 =	simm.s32 $0x9E00;
	s28 =	simm.s32 $0x0;
	v11 =	vld [tilespmem:$0x9DE0]  }
0x2f: {  	v12 =	vld [tilespmem:$0x9DF0];
	[tilespmem:s15], [sflag:$0x1] =	stream.linear.gather [hbm4b:s9+s6], $0x2800, $0x38  }
.LBB2_7:
0x30: {  	s28 =	sadd.s32 $0x1, s28  }
0x31: {  	p0 =	sne.s32 s28, $0x3F  }
.Ltmp3:
0x32: {  	_ = 	snop;
	(pc) =	sbr.rel @!p0 .LBB2_8-.Ltmp3, $3  }
0x33: {  	_ =	sdelay $0x1  }
0x34: {  	s21 =	sadd.s32 $0xA0, s21;
	s22 =	sadd.s32 $0xA0, s22;
	s26 =	sadd.s32 $0xA0, s26  }
0x35: {  	s23 =	sadd.s32 $0xA0, s23;
	s24 =	sadd.s32 $0xA0, s24;
	s25 =	sadd.s32 $0xA0, s25  }
.LBB2_2:
0x36: {  	s29 =	sshllo.u32 s28, $0x1  }
0x37: {  	p0 =	sgt.u32 s29, $0x7C  }
0x38: {  	s29 =	smul.u32 @!p0 $0x50, s29;
	_ =	sdelay $0x1  }
0x39: {  	_ =	swait.ge [sflag:s16], $0x2800;
	s29 =	sadd.s32 @!p0 s5, s29  }
0x3a: {  	v4 =	vmov s21;
	[sflag:s16] =	ssyncset.done $0x0;
	s29 =	sshll.u32 @!p0 s29, $0x4  }
0x3b: {  	[tilespmem:$0x1FFD0] =	vst v4;
	v4 =	vmov s22;
	[sflag:s16] =	ssyncadd.s32 $0xFFFFD800;
	s29 =	sand.u32 @!p0 $0x1FFFFF00, s29  }
0x3c: {  	s30 =	simm.s32 @!p0 $0x0;
	s31 =	simm.s32 @!p0 $0xED80;
	[tilespmem:$0x1FFE0] =	vst v4;
	s29 =	sadd.s32 @!p0 s2, s29  }
0x3d: {  	v4 =	vmov s26;
	[tilespmem:s31], [sflag:$0x2] =	stream.linear.gather @!p0 [hbm4b:s29+s30], $0x2800, $0x38;
	[tilespmem:$0x11600] =	vst v63  }
0x3e: {  	[tilespmem:$0x1FFF0] =	vst v4;
	s29 =	smul.u32 $0xA0, s28;
	s30 =	simm.s32 $0x0;
	s31 =	simm.s32 $0xC980  }
.LBB2_3:
0x3f: {  	v16 =	vld [tilespmem:s31+$0xFFFFFC00]  }
0x40: {  	v17 =	vld [tilespmem:s31+$0xFFFFFC10]  }
0x41: {  	v18 =	vld [tilespmem:s31+$0xFFFFFC20]  }
0x42: {  	v19 =	vld [tilespmem:s31+$0xFFFFFC30]  }
0x43: {  	v20 =	vld [tilespmem:s31+$0xFFFFFC40]  }
0x44: {  	v21 =	vld [tilespmem:s31+$0xFFFFFC50]  }
0x45: {  	v22 =	vld [tilespmem:s31+$0xFFFFFC60]  }
0x46: {  	v23 =	vld [tilespmem:s31+$0xFFFFFC70]  }
0x47: {  	v24 =	vld [tilespmem:s31+$0xFFFFFC80]  }
0x48: {  	v25 =	vld [tilespmem:s31+$0xFFFFFC90]  }
0x49: {  	v26 =	vld [tilespmem:s31+$0xFFFFFCA0]  }
0x4a: {  	v27 =	vld [tilespmem:s31+$0xFFFFFCB0]  }
0x4b: {  	v28 =	vld [tilespmem:s31+$0xFFFFFCC0]  }
0x4c: {  	v29 =	vld [tilespmem:s31+$0xFFFFFCD0]  }
0x4d: {  	v30 =	vld [tilespmem:s31+$0xFFFFFCE0]  }
0x4e: {  	v31 =	vld [tilespmem:s31+$0xFFFFFCF0]  }
0x4f: {  	v32 =	vld [tilespmem:s31+$0xFFFFFD00]  }
0x50: {  	v33 =	vld [tilespmem:s31+$0xFFFFFD10]  }
0x51: {  	v34 =	vld [tilespmem:s31+$0xFFFFFD20]  }
0x52: {  	v35 =	vld [tilespmem:s31+$0xFFFFFD30]  }
0x53: {  	v36 =	vld [tilespmem:s31+$0xFFFFFD40]  }
0x54: {  	v37 =	vld [tilespmem:s31+$0xFFFFFD50]  }
0x55: {  	v38 =	vld [tilespmem:s31+$0xFFFFFD60]  }
0x56: {  	v39 =	vld [tilespmem:s31+$0xFFFFFD70]  }
0x57: {  	v40 =	vld [tilespmem:s31+$0xFFFFFD80]  }
0x58: {  	v41 =	vld [tilespmem:s31+$0xFFFFFD90]  }
0x59: {  	v42 =	vld [tilespmem:s31+$0xFFFFFDA0]  }
0x5a: {  	v43 =	vld [tilespmem:s31+$0xFFFFFDB0]  }
0x5b: {  	v44 =	vld [tilespmem:s31+$0xFFFFFDC0]  }
0x5c: {  	v45 =	vld [tilespmem:s31+$0xFFFFFDD0]  }
0x5d: {  	v46 =	vld [tilespmem:s31+$0xFFFFFDE0]  }
0x5e: {  	v47 =	vld [tilespmem:s31+$0xFFFFFDF0]  }
0x5f: {  	v48 =	vld [tilespmem:s31+$0xFFFFFE00]  }
0x60: {  	v49 =	vld [tilespmem:s31+$0xFFFFFE10]  }
0x61: {  	v50 =	vld [tilespmem:s31+$0xFFFFFE20]  }
0x62: {  	v51 =	vld [tilespmem:s31+$0xFFFFFE30]  }
0x63: {  	v52 =	vld [tilespmem:s31+$0xFFFFFE40]  }
0x64: {  	v53 =	vld [tilespmem:s31+$0xFFFFFE50]  }
0x65: {  	v54 =	vld [tilespmem:s31+$0xFFFFFE60]  }
0x66: {  	v55 =	vld [tilespmem:s31+$0xFFFFFE70]  }
0x67: {  	v56 =	vld [tilespmem:s31+$0xFFFFFE80]  }
0x68: {  	v57 =	vld [tilespmem:s31+$0xFFFFFE90]  }
0x69: {  	v58 =	vld [tilespmem:s31+$0xFFFFFEA0]  }
0x6a: {  	v59 =	vld [tilespmem:s31+$0xFFFFFEB0]  }
0x6b: {  	v60 =	vld [tilespmem:s31+$0xFFFFFEC0]  }
0x6c: {  	v61 =	vld [tilespmem:s31+$0xFFFFFED0]  }
0x6d: {  	v62 =	vld [tilespmem:s31+$0xFFFFFEE0]  }
0x6e: {  	v63 =	vld [tilespmem:s31+$0xFFFFFEF0]  }
0x6f: {  	v13 =	vld [tilespmem:s31+$0xFFFFFF00];
	v16 =	vmul.f32 v16, v5;
	v17 =	vmul.f32 v17, v6  }
0x70: {  	v14 =	vld [tilespmem:s31+$0xFFFFFF10];
	v18 =	vmul.f32 v18, v7;
	v19 =	vmul.f32 v19, v8  }
0x71: {  	v15 =	vld [tilespmem:s31+$0xFFFFFF20];
	v20 =	vmul.f32 v20, v9;
	v21 =	vmul.f32 v21, v10  }
0x72: {  	v4 =	vld [tilespmem:s31+$0xFFFFFF30];
	v22 =	vmul.f32 v22, v11;
	v23 =	vmul.f32 v23, v12;
	v16 =	vadd.f32 v17, v16  }
0x73: {  	v17 =	vadd.f32 v19, v18;
	v18 =	vadd.f32 v21, v20;
	v21 =	vld [tilespmem:s31+$0xFFFFFF40]  }
0x74: {  	v13 =	vmul.f32 v13, v5;
	v19 =	vadd.f32 v23, v22;
	v22 =	vld [tilespmem:s31+$0xFFFFFF50]  }
0x75: {  	v14 =	vmul.f32 v14, v6;
	v23 =	vld [tilespmem:s31+$0xFFFFFF60];
	v20 =	vmul.f32 v27, v8  }
0x76: {  	v27 =	vmul.f32 v29, v10;
	v29 =	vmul.f32 v31, v12;
	v31 =	vld [tilespmem:s31+$0xFFFFFFB0]  }
0x77: {  	v13 =	vadd.f32 v14, v13;
	v14 =	vld [tilespmem:s31+$0x150]  }
0x78: {  	v16 =	vadd.f32 v17, v16;
	v17 =	vadd.f32 v19, v18;
	v18 =	vmul.f32 v24, v5;
	v24 =	vld [tilespmem:s31+$0xFFFFFF70]  }
0x79: {  	v15 =	vmul.f32 v15, v7;
	v19 =	vmul.f32 v25, v6;
	v25 =	vld [tilespmem:s31+$0xFFFFFF80]  }
0x7a: {  	v16 =	vadd.f32 v17, v16;
	v17 =	vmul.f32 v26, v7;
	v26 =	vmul.f32 v28, v9;
	v28 =	vld [tilespmem:s31+$0xFFFFFF90]  }
0x7b: {  	v4 =	vmul.f32 v4, v8;
	v18 =	vadd.f32 v19, v18;
	v19 =	vmul.f32 v30, v11;
	v30 =	vld [tilespmem:s31+$0xFFFFFFA0]  }
0x7c: {  	v17 =	vadd.f32 v20, v17;
	v20 =	vadd.f32 v27, v26;
	v27 =	vmul.f32 v33, v6;
	v33 =	vld [tilespmem:s31+$0xFFFFFFC0]  }
0x7d: {  	v4 =	vadd.f32 v4, v15;
	v26 =	vmul.f32 v32, v5;
	v32 =	vmul.f32 v35, v8;
	v35 =	vld [tilespmem:s31+$0xFFFFFFD0]  }
0x7e: {  	v19 =	vadd.f32 v29, v19;
	v29 =	vmul.f32 v34, v7;
	v34 =	vmul.f32 v37, v10;
	v37 =	vld [tilespmem:s31+$0xFFFFFFE0]  }
0x7f: {  	v4 =	vadd.f32 v4, v13;
	v13 =	vmul.f32 v25, v5;
	v25 =	vld [tilespmem:s31+$0x170];
	v17 =	vadd.f32 v17, v18  }
0x80: {  	v18 =	vmul.f32 v36, v9;
	v36 =	vmul.f32 v39, v12;
	v39 =	vadd.f32 v32, v29;
	v29 =	vld [tilespmem:s31+$0xFFFFFFF0]  }
0x81: {  	v32 =	vld [tilespmem:s31+$0x0]  }
0x82: {  	v19 =	vadd.f32 v19, v20;
	v20 =	vmul.f32 v38, v11;
	v38 =	vmul.f32 v43, v8;
	v43 =	vld [tilespmem:s31+$0x40]  }
0x83: {  	v26 =	vadd.f32 v27, v26;
	v27 =	vmul.f32 v40, v5;
	v40 =	vmul.f32 v45, v10;
	v45 =	vld [tilespmem:s31+$0x50]  }
0x84: {  	v54 =	vmul.f32 v54, v11;
	v20 =	vadd.f32 v36, v20;
	v36 =	vld [tilespmem:s31+$0x10]  }
0x85: {  	v55 =	vmul.f32 v55, v12;
	v18 =	vadd.f32 v34, v18;
	v26 =	vadd.f32 v39, v26;
	v39 =	vld [tilespmem:s31+$0x20]  }
0x86: {  	v34 =	vmul.f32 v41, v6;
	v17 =	vadd.f32 v19, v17;
	v19 =	vmul.f32 v44, v9;
	v41 =	vld [tilespmem:s31+$0x30]  }
0x87: {  	v44 =	vmul.f32 v49, v6;
	v49 =	vld [tilespmem:s31+$0x70];
	v18 =	vadd.f32 v20, v18;
	v20 =	vmul.f32 v42, v7  }
0x88: {  	v42 =	vmul.f32 v47, v12;
	v27 =	vadd.f32 v34, v27;
	v34 =	vmul.f32 v48, v5;
	v47 =	vld [tilespmem:s31+$0x60]  }
0x89: {  	v19 =	vadd.f32 v40, v19;
	v40 =	vmul.f32 v52, v9;
	v48 =	vmul.f32 v53, v10;
	v53 =	vld [tilespmem:s31+$0x110]  }
0x8a: {  	v18 =	vadd.f32 v18, v26;
	v26 =	vmul.f32 v46, v11;
	v46 =	vmul.f32 v51, v8;
	v51 =	vld [tilespmem:s31+$0x80]  }
0x8b: {  	v21 =	vmul.f32 v21, v9;
	v22 =	vmul.f32 v22, v10;
	v34 =	vadd.f32 v44, v34;
	v44 =	vld [tilespmem:s31+$0x90]  }
0x8c: {  	v20 =	vadd.f32 v38, v20;
	v38 =	vmul.f32 v50, v7;
	v40 =	vadd.f32 v48, v40;
	v48 =	vld [tilespmem:s31+$0xD0]  }
0x8d: {  	v15 =	vadd.f32 v22, v21;
	v50 =	vld [tilespmem:s31+$0xE0];
	v26 =	vadd.f32 v42, v26  }
0x8e: {  	v23 =	vmul.f32 v23, v11;
	v38 =	vadd.f32 v46, v38;
	v42 =	vadd.f32 v55, v54;
	v46 =	vld [tilespmem:s31+$0xA0]  }
0x8f: {  	v24 =	vmul.f32 v24, v12;
	v20 =	vadd.f32 v20, v27;
	v19 =	vadd.f32 v26, v19;
	v26 =	vld [tilespmem:s31+$0xB0]  }
0x90: {  	v27 =	vmul.f32 v58, v7;
	v58 =	vmul.f32 v60, v9;
	v54 =	vadd.f32 v38, v34;
	v38 =	vld [tilespmem:s31+$0xC0]  }
0x91: {  	v60 =	vmul.f32 v62, v11;
	v62 =	vadd.f32 v24, v23;
	v55 =	vadd.f32 v42, v40;
	v42 =	vld [tilespmem:s31+$0xF0]  }
0x92: {  	v40 =	vmul.f32 v56, v5;
	v34 =	vld [tilespmem:s31+$0x100]  }
0x93: {  	v56 =	vmul.f32 v57, v6;
	v15 =	vadd.f32 v62, v15;
	v62 =	vmul.f32 v36, v6;
	v36 =	vld [tilespmem:s31+$0x200]  }
0x94: {  	v57 =	vmul.f32 v59, v8;
	v19 =	vadd.f32 v19, v20;
	v20 =	vadd.f32 v55, v54;
	v55 =	vld [tilespmem:s31+$0x120]  }
0x95: {  	v59 =	vmul.f32 v61, v10;
	v40 =	vadd.f32 v56, v40;
	v56 =	vld [tilespmem:s31+$0x160]  }
0x96: {  	v27 =	vadd.f32 v57, v27;
	v57 =	vmul.f32 v30, v7;
	v30 =	vld [tilespmem:s31+$0x180]  }
0x97: {  	v61 =	vmul.f32 v63, v12;
	v52 =	vadd.f32 v59, v58;
	v59 =	vmul.f32 v33, v9;
	v33 =	vld [tilespmem:s31+$0x190]  }
0x98: {  	v14 =	vmul.f32 v14, v10;
	v22 =	vadd.f32 v15, v4;
	v15 =	vmul.f32 v29, v12;
	v29 =	vld [tilespmem:s31+$0x1A0]  }
0x99: {  	v25 =	vmul.f32 v25, v12;
	v54 =	vadd.f32 v61, v60;
	v60 =	vmul.f32 v35, v10;
	v35 =	vld [tilespmem:s31+$0x1B0]  }
0x9a: {  	v63 =	vmul.f32 v28, v6;
	v4 =	vmul.f32 v37, v11;
	v37 =	vld [tilespmem:s31+$0x1C0]  }
0x9b: {  	v58 =	vmul.f32 v31, v8;
	v61 =	vmul.f32 v32, v5;
	v32 =	vld [tilespmem:s31+$0x1F0]  }
0x9c: {  	v13 =	vadd.f32 v63, v13;
	v63 =	vmul.f32 v39, v7;
	v39 =	vld [tilespmem:s31+$0x330];
	v27 =	vadd.f32 v27, v40  }
0x9d: {  	v40 =	vld [tilespmem:s31+$0x130];
	v52 =	vadd.f32 v54, v52;
	v24 =	vadd.f32 v58, v57;
	v57 =	vmul.f32 v43, v9  }
0x9e: {  	v54 =	vld [tilespmem:s31+$0x140];
	v58 =	vmul.f32 v45, v10;
	v4 =	vadd.f32 v15, v4;
	v15 =	vmul.f32 v47, v11  }
0x9f: {  	v23 =	vadd.f32 v62, v61;
	v62 =	vld [tilespmem:s31+$0x230];
	v26 =	vmul.f32 v26, v8;
	v38 =	vmul.f32 v38, v9  }
0xa0: {  	v47 =	vld [tilespmem:s31+$0x280];
	v42 =	vmul.f32 v42, v12;
	v34 =	vmul.f32 v34, v5;
	v21 =	vadd.f32 v52, v27  }
0xa1: {  	v43 =	vld [tilespmem:s31+$0x2B0];
	v52 =	vmul.f32 v41, v8;
	v27 =	vadd.f32 v60, v59;
	v59 =	vmul.f32 v49, v12  }
0xa2: {  	v45 =	vld [tilespmem:s31+$0x3C0];
	v49 =	vmul.f32 v48, v10;
	v55 =	vmul.f32 v55, v7  }
0xa3: {  	v41 =	vld [tilespmem:s31+$0x1D0];
	v31 =	vadd.f32 v58, v57;
	v57 =	vmul.f32 v56, v11;
	v30 =	vmul.f32 v30, v5  }
0xa4: {  	v60 =	vld [tilespmem:s31+$0x1E0];
	v33 =	vmul.f32 v33, v6;
	v58 =	vmul.f32 v35, v8  }
0xa5: {  	v13 =	vadd.f32 v24, v13;
	v48 =	vld [tilespmem:s31+$0x290];
	v37 =	vmul.f32 v37, v9;
	v32 =	vmul.f32 v32, v12  }
0xa6: {  	v35 =	vld [tilespmem:s31+$0x2E0];
	v39 =	vmul.f32 v39, v8;
	v28 =	vadd.f32 v52, v63;
	v15 =	vadd.f32 v59, v15  }
0xa7: {  	v4 =	vadd.f32 v4, v27;
	v27 =	vld [tilespmem:s31+$0x210];
	v38 =	vadd.f32 v49, v38;
	v52 =	vmul.f32 v53, v6  }
0xa8: {  	v63 =	vld [tilespmem:s31+$0x240];
	v40 =	vmul.f32 v40, v8;
	v30 =	vadd.f32 v33, v30;
	v62 =	vmul.f32 v62, v8  }
0xa9: {  	v53 =	vld [tilespmem:s31+$0x270];
	v61 =	vadd.f32 v28, v23;
	v23 =	vadd.f32 v4, v13;
	v4 =	vmul.f32 v51, v5  }
0xaa: {  	v49 =	vld [tilespmem:s31+$0x2A0];
	v15 =	vadd.f32 v15, v31;
	v13 =	vmul.f32 v44, v6;
	v51 =	vmul.f32 v50, v11  }
0xab: {  	v28 =	vld [tilespmem:s31+$0x220];
	v34 =	vadd.f32 v52, v34;
	v40 =	vadd.f32 v40, v55;
	v59 =	vmul.f32 v41, v10  }
0xac: {  	v31 =	vld [tilespmem:s31+$0x320];
	v60 =	vmul.f32 v60, v11;
	v24 =	vadd.f32 v15, v61;
	v15 =	vmul.f32 v46, v7  }
0xad: {  	v41 =	vld [tilespmem:s31+$0x2F0];
	v4 =	vadd.f32 v13, v4;
	v42 =	vadd.f32 v42, v51;
	v61 =	vmul.f32 v36, v5  }
0xae: {  	v55 =	vld [tilespmem:s31+$0x370];
	v35 =	vmul.f32 v35, v11;
	v34 =	vadd.f32 v40, v34;
	v27 =	vmul.f32 v27, v6  }
0xaf: {  	v13 =	vld [tilespmem:s31+$0x250];
	v37 =	vadd.f32 v59, v37;
	v63 =	vmul.f32 v63, v9;
	v32 =	vadd.f32 v32, v60  }
0xb0: {  	v36 =	vld [tilespmem:s31+$0x310];
	v50 =	vmul.f32 v53, v12;
	v60 =	vmul.f32 v49, v7;
	v15 =	vadd.f32 v26, v15  }
0xb1: {  	v51 =	vld [tilespmem:s31+$0x340];
	v38 =	vadd.f32 v42, v38;
	v28 =	vmul.f32 v28, v7;
	v27 =	vadd.f32 v27, v61  }
0xb2: {  	v40 =	vld [tilespmem:s31+$0x2D0];
	v61 =	vmul.f32 v43, v8;
	v31 =	vmul.f32 v31, v7;
	v4 =	vadd.f32 v15, v4  }
0xb3: {  	v53 =	vld [tilespmem:s31+$0x360];
	v15 =	vmul.f32 v54, v9;
	v54 =	vadd.f32 v32, v37;
	v41 =	vmul.f32 v41, v12  }
0xb4: {  	v26 =	vld [tilespmem:s31+$0x260];
	v32 =	vmul.f32 v55, v12;
	v13 =	vmul.f32 v13, v10;
	v28 =	vadd.f32 v62, v28  }
0xb5: {  	v42 =	vld [tilespmem:s31+$0x300];
	v36 =	vmul.f32 v36, v6;
	v31 =	vadd.f32 v39, v31;
	v14 =	vadd.f32 v14, v15  }
0xb6: {  	v52 =	vld [tilespmem:s31+$0x350];
	v49 =	vmul.f32 v51, v9;
	v15 =	vadd.f32 v25, v57;
	v4 =	vadd.f32 v38, v4  }
0xb7: {  	v59 =	vld [tilespmem:s31+$0x390];
	v57 =	vmul.f32 v47, v5;
	v40 =	vmul.f32 v40, v10;
	v35 =	vadd.f32 v41, v35  }
0xb8: {  	v62 =	vld [tilespmem:s31+$0x3A0];
	v33 =	vmul.f32 v53, v11;
	v53 =	vmul.f32 v45, v9;
	v13 =	vadd.f32 v13, v63  }
0xb9: {  	v25 =	vld [tilespmem:s31+$0x2C0];
	v26 =	vmul.f32 v26, v11;
	v27 =	vadd.f32 v28, v27;
	v14 =	vadd.f32 v15, v14  }
0xba: {  	v56 =	vld [tilespmem:s31+$0x380];
	v46 =	vmul.f32 v42, v5;
	v15 =	vmul.f32 v29, v7;
	v32 =	vadd.f32 v32, v33  }
0xbb: {  	v63 =	vld [tilespmem:s31+$0x3B0];
	v29 =	vmul.f32 v52, v10;
	v26 =	vadd.f32 v50, v26;
	v14 =	vadd.f32 v14, v34  }
0xbc: {  	v15 =	vadd.f32 v58, v15;
	v58 =	vmul.f32 v48, v6;
	v34 =	vmul.f32 v59, v6  }
0xbd: {  	v51 =	vadd.f32 v36, v46;
	v52 =	vmul.f32 v62, v7;
	v59 =	vperm.xlane v18, v0  }
0xbe: {  	v62 =	vperm.xlane v21, v0;
	v13 =	vadd.f32 v26, v13;
	v25 =	vmul.f32 v25, v9  }
0xbf: {  	v26 =	vmul.f32 v56, v5;
	v31 =	vadd.f32 v31, v51;
	v15 =	vadd.f32 v15, v30  }
0xc0: {  	v47 =	vld [tilespmem:s31+$0x3D0];
	v28 =	vadd.f32 v58, v57;
	v30 =	vmul.f32 v63, v8;
	v57 =	vperm.xlane v16, v0  }
0xc1: {  	v50 =	vld [tilespmem:s31+$0x3F0];
	v58 =	vperm.xlane v17, v0;
	v18 =	vadd.f32 v59, v18;
	v63 =	vperm.xlane v22, v0  }
0xc2: {  	v21 =	vadd.f32 v62, v21;
	v36 =	vperm.xlane v14, v0;
	v13 =	vadd.f32 v13, v27  }
0xc3: {  	v27 =	vadd.f32 v61, v60;
	v25 =	vadd.f32 v40, v25;
	v60 =	vperm.xlane v19, v0  }
0xc4: {  	v48 =	vld [tilespmem:s31+$0x3E0];
	v26 =	vadd.f32 v34, v26;
	v61 =	vperm.xlane v20, v0;
	v34 =	vperm.xlane v24, v0  }
0xc5: {  	v15 =	vadd.f32 v54, v15;
	v54 =	vmul.f32 v47, v10;
	v30 =	vadd.f32 v30, v52  }
0xc6: {  	v56 =	vmul.f32 v50, v12;
	v16 =	vadd.f32 v57, v16;
	v17 =	vadd.f32 v58, v17  }
0xc7: {  	v22 =	vadd.f32 v63, v22;
	v14 =	vadd.f32 v36, v14;
	v44 =	vperm.xlane v18, v1  }
0xc8: {  	v47 =	vperm.xlane v21, v1;
	v27 =	vadd.f32 v27, v28;
	v25 =	vadd.f32 v35, v25  }
0xc9: {  	v28 =	vadd.f32 v29, v49;
	v55 =	vmul.f32 v48, v11;
	v19 =	vadd.f32 v60, v19  }
0xca: {  	v20 =	vadd.f32 v61, v20;
	v35 =	vperm.xlane v4, v0;
	v24 =	vadd.f32 v34, v24  }
0xcb: {  	v38 =	vperm.xlane v13, v0;
	v29 =	vadd.f32 v54, v53;
	v37 =	vperm.xlane v15, v0  }
0xcc: {  	v26 =	vadd.f32 v30, v26;
	v42 =	vperm.xlane v16, v1;
	v43 =	vperm.xlane v17, v1  }
0xcd: {  	v18 =	vadd.f32 v44, v18;
	v48 =	vperm.xlane v22, v1;
	v21 =	vadd.f32 v47, v21  }
0xce: {  	v52 =	vperm.xlane v14, v1;
	v33 =	vadd.f32 v56, v55;
	v28 =	vadd.f32 v32, v28  }
0xcf: {  	v44 =	vlaneseq.u32;
	v25 =	vadd.f32 v25, v27;
	v4 =	vadd.f32 v35, v4  }
0xd0: {  	v13 =	vadd.f32 v38, v13;
	v45 =	vperm.xlane v19, v1;
	v15 =	vadd.f32 v37, v15  }
0xd1: {  	v46 =	vperm.xlane v20, v1;
	v16 =	vadd.f32 v42, v16;
	v17 =	vadd.f32 v43, v17  }
0xd2: {  	v50 =	vperm.xlane v24, v1;
	v22 =	vadd.f32 v48, v22;
	v14 =	vadd.f32 v52, v14  }
0xd3: {  	v60 =	vperm.xlane v18, v2;
	v63 =	vperm.xlane v21, v2;
	v29 =	vadd.f32 v33, v29  }
0xd4: {  	v28 =	vadd.f32 v28, v31;
	v33 =	vperm.xlane v23, v0;
	v39 =	vperm.xlane v25, v0  }
0xd5: {  	v19 =	vadd.f32 v45, v19;
	v20 =	vadd.f32 v46, v20;
	v51 =	vperm.xlane v4, v1  }
0xd6: {  	v24 =	vadd.f32 v50, v24;
	v54 =	vperm.xlane v13, v1;
	v53 =	vperm.xlane v15, v1  }
0xd7: {  	v58 =	vperm.xlane v16, v2;
	v59 =	vperm.xlane v17, v2;
	v18 =	vadd.f32 v60, v18  }
0xd8: {  	v32 =	vperm.xlane v22, v2;
	v21 =	vadd.f32 v63, v21;
	v26 =	vadd.f32 v29, v26  }
0xd9: {  	v36 =	vperm.xlane v14, v2;
	v23 =	vadd.f32 v33, v23;
	v25 =	vadd.f32 v39, v25  }
0xda: {  	v40 =	vperm.xlane v28, v0;
	v4 =	vadd.f32 v51, v4;
	v13 =	vadd.f32 v54, v13  }
0xdb: {  	v61 =	vperm.xlane v19, v2;
	v62 =	vperm.xlane v20, v2;
	v15 =	vadd.f32 v53, v15  }
0xdc: {  	v34 =	vperm.xlane v24, v2;
	v16 =	vadd.f32 v58, v16;
	v17 =	vadd.f32 v59, v17  }
0xdd: {  	v22 =	vadd.f32 v32, v22;
	v14 =	vadd.f32 v36, v14;
	v45 =	vperm.xlane v18, v3  }
0xde: {  	v41 =	vperm.xlane v26, v0;
	v28 =	vadd.f32 v40, v28;
	v49 =	vperm.xlane v23, v1  }
0xdf: {  	v55 =	vperm.xlane v25, v1;
	v19 =	vadd.f32 v61, v19;
	v20 =	vadd.f32 v62, v20  }
0xe0: {  	v35 =	vperm.xlane v4, v2;
	v24 =	vadd.f32 v34, v24;
	v38 =	vperm.xlane v13, v2  }
0xe1: {  	v37 =	vperm.xlane v15, v2;
	v43 =	vperm.xlane v17, v3;
	v18 =	vadd.f32 v45, v18  }
0xe2: {  	v51 =	vperm.xlane v22, v3;
	v59 =	vperm.xlane v14, v3;
	v26 =	vadd.f32 v41, v26  }
0xe3: {  	v23 =	vadd.f32 v49, v23;
	v56 =	vperm.xlane v28, v1;
	v25 =	vadd.f32 v55, v25  }
0xe4: {  	v4 =	vadd.f32 v35, v4;
	v13 =	vadd.f32 v38, v13;
	v41 =	vperm.xlane v16, v3  }
0xe5: {  	v46 =	vperm.xlane v19, v3;
	v47 =	vperm.xlane v20, v3;
	v15 =	vadd.f32 v37, v15  }
0xe6: {  	v49 =	vperm.xlane v21, v3;
	v17 =	vadd.f32 v43, v17;
	v54 =	vadd.f32 v51, v22  }
0xe7: {  	v55 =	vperm.xlane v24, v3;
	v14 =	vadd.f32 v59, v14;
	v16 =	vadd.f32 v41, v16  }
0xe8: {  	v57 =	vperm.xlane v26, v1;
	v27 =	vadd.f32 v56, v28;
	v33 =	vperm.xlane v23, v2  }
0xe9: {  	v39 =	vperm.xlane v25, v2;
	v48 =	vadd.f32 v46, v19;
	[tilespmem:v44+s17+$0x0] =	vst.idx.msk $0x1, v16  }
0xea: {  	v50 =	vadd.f32 v47, v20;
	v23 =	vadd.f32 v33, v23;
	[tilespmem:v44+s17+$0x0] =	vst.idx.msk vm0, v17  }
0xeb: {  	v52 =	vadd.f32 v49, v21;
	v58 =	vadd.f32 v55, v24;
	[tilespmem:v44+s17+$0x0] =	vst.idx.msk vm1, v18  }
0xec: {  	v61 =	vperm.xlane v13, v3;
	v53 =	vperm.xlane v23, v3;
	[tilespmem:v44+s17+$0x0] =	vst.idx.msk vm2, v48  }
0xed: {  	v60 =	vperm.xlane v15, v3;
	v26 =	vadd.f32 v57, v26;
	[tilespmem:v44+s17+$0x0] =	vst.idx.msk vm3, v50  }
0xee: {  	v57 =	vperm.xlane v4, v3;
	v56 =	vadd.f32 v53, v23;
	[tilespmem:v44+s17+$0x0] =	vst.idx.msk vm4, v52  }
0xef: {  	v40 =	vperm.xlane v27, v2;
	v25 =	vadd.f32 v39, v25;
	[tilespmem:v44+s17+$0x0] =	vst.idx.msk vm5, v54  }
0xf0: {  	v42 =	vperm.xlane v26, v2;
	v4 =	vadd.f32 v57, v4;
	[tilespmem:v44+s17+$0x0] =	vst.idx.msk vm6, v56  }
0xf1: {  	v15 =	vadd.f32 v60, v15;
	v27 =	vadd.f32 v40, v27;
	[tilespmem:v44+s17+$0x0] =	vst.idx.msk vm7, v58  }
0xf2: {  	v62 =	vperm.xlane v25, v3;
	v26 =	vadd.f32 v42, v26;
	[tilespmem:v44+s17+$0x0] =	vst.idx.msk vm8, v4  }
0xf3: {  	v4 =	vadd.f32 v61, v13;
	v13 =	vperm.xlane v27, v3;
	[tilespmem:v44+s17+$0x0] =	vst.idx.msk vm9, v14  }
0xf4: {  	v63 =	vperm.xlane v26, v3;
	v14 =	vadd.f32 v62, v25;
	[tilespmem:v44+s17+$0x0] =	vst.idx.msk vm10, v15  }
0xf5: {  	v13 =	vadd.f32 v13, v27;
	[tilespmem:v44+s17+$0x0] =	vst.idx.msk vm11, v4  }
0xf6: {  	v4 =	vadd.f32 v63, v26;
	[tilespmem:v44+s17+$0x0] =	vst.idx.msk vm12, v14  }
0xf7: {  	[tilespmem:v44+s17+$0x0] =	vst.idx.msk vm13, v13;
	v13 =	vld [tilespmem:$0x1FFE0]  }
0xf8: {  	[tilespmem:v44+s17+$0x0] =	vst.idx.msk vm14, v4;
	v4 =	vld [tilespmem:$0x1FFD0];
	_ =	sdelay $0x5  }
0xf9: {  	s3 =	sshra.s32 s30, $0x2  }
0xfa: {  	v13 =	vld.idx.msk [tilespmem:v13+s3+$0x0 ss:$0x1], $0xffff  }
0xfb: {  	v4 =	vld.idx.msk [tilespmem:v4+s3+$0x0 ss:$0x1], $0xffff;
	_ =	sdelay $0x4  }
0xfc: {  	v13 =	vadd.s32 $0x2710, v13;
	_ =	sdelay $0x1  }
0xfd: {  	v14 =	vld [tilespmem:$0x11580]  }
0xfe: {  	v4 =	vld.idx.msk [tilespmem:v4+s6+$0x0], $0xffff;
	_ =	sdelay $0x1  }
0xff: {  	v13 =	vld.idx.msk [tilespmem:v13+s6+$0x0], $0xffff;
	_ =	sdelay $0x2  }
0x100: {  	v4 =	vadd.f32 v4, v14;
	_ =	sdelay $0x1  }
0x101: {  	v4 =	vadd.f32 v13, v4;
	_ =	sdelay $0x1  }
0x102: {  	v4 =	vsub.f32 $0.0e+00, v4;
	_ =	sdelay $0x1  }
0x103: {  	v4 =	vmul.f32 $1.442695020e+00, v4;
	_ =	sdelay $0x1  }
0x104: {  	(erf) = vpow2.f32 v4;
	_ =	sdelay $0x8  }
0x105: {  	v4 =	vpop (erf)  }
0x106: {  	v4 =	vadd.f32 $1.000000000e+00, v4;
	_ =	sdelay $0x1  }
0x107: {  	(erf) = vrcp.f32 v4;
	_ =	sdelay $0x1  }
0x108: {  	v13 =	vld [tilespmem:$0x1FFF0];
	_ =	sdelay $0x2  }
0x109: {  	p1 =	sne.s32 s30, $0x100  }
.Ltmp4:
0x10a: {  	_ = 	snop;
	(pc) =	sbr.rel @p1 .LBB2_3-.Ltmp4, $3  }
0x10b: {  	_ =	sdelay $0x1  }
0x10c: {  	v4 =	vpop (erf)  }
0x10d: {  	s30 =	sadd.s32 $0x40, s30;
	s31 =	sadd.s32 $0x800, s31;
	[tilespmem:v13+s3+$0x0 ss:$0x1] =	vst.idx.msk $0xffff, v4  }
.Ltmp5:
0x10e: {  	(pc) =	sbr.rel @p0 .LBB2_7-.Ltmp5, $1  }
0x10f: {  	_ =	sdelay $0x3  }
0x110: {  	s3 =	sadd.s32 s29, s10;
	_ =	swait.ge [sflag:s18], $0x2800;
	v4 =	vmov s23  }
0x111: {  	s3 =	sshll.u32 s3, $0x4;
	[tilespmem:$0x1FFA0] =	vst v4;
	v4 =	vmov s24  }
0x112: {  	s29 =	simm.s32 $0x0;
	[sflag:s18] =	ssyncset.done $0x0;
	s3 =	sand.u32 $0x1FFFFF00, s3;
	[tilespmem:$0x1FFB0] =	vst v4;
	v4 =	vmov s25  }
0x113: {  	s30 =	simm.s32 $0xF180;
	[sflag:s18] =	ssyncadd.s32 $0xFFFFD800;
	s3 =	sadd.s32 s2, s3;
	[tilespmem:$0x1FFC0] =	vst v4  }
0x114: {  	[tilespmem:s15], [sflag:$0x1] =	stream.linear.gather [hbm4b:s3+s29], $0x2800, $0x38;
	[tilespmem:$0x11600] =	vst v63  }
.LBB2_6:
0x115: {  	v4 =	vld [tilespmem:s30+$0xFFFFFC00]  }
0x116: {  	v16 =	vld [tilespmem:s30+$0xFFFFFC10]  }
0x117: {  	v17 =	vld [tilespmem:s30+$0xFFFFFC20]  }
0x118: {  	v18 =	vld [tilespmem:s30+$0xFFFFFC30]  }
0x119: {  	v19 =	vld [tilespmem:s30+$0xFFFFFC40]  }
0x11a: {  	v20 =	vld [tilespmem:s30+$0xFFFFFC50]  }
0x11b: {  	v21 =	vld [tilespmem:s30+$0xFFFFFC60]  }
0x11c: {  	v22 =	vld [tilespmem:s30+$0xFFFFFC70]  }
0x11d: {  	v23 =	vld [tilespmem:s30+$0xFFFFFC80]  }
0x11e: {  	v24 =	vld [tilespmem:s30+$0xFFFFFC90]  }
0x11f: {  	v25 =	vld [tilespmem:s30+$0xFFFFFCA0]  }
0x120: {  	v26 =	vld [tilespmem:s30+$0xFFFFFCB0]  }
0x121: {  	v27 =	vld [tilespmem:s30+$0xFFFFFCC0]  }
0x122: {  	v28 =	vld [tilespmem:s30+$0xFFFFFCD0]  }
0x123: {  	v29 =	vld [tilespmem:s30+$0xFFFFFCE0]  }
0x124: {  	v30 =	vld [tilespmem:s30+$0xFFFFFCF0]  }
0x125: {  	v31 =	vld [tilespmem:s30+$0xFFFFFD00]  }
0x126: {  	v32 =	vld [tilespmem:s30+$0xFFFFFD10]  }
0x127: {  	v33 =	vld [tilespmem:s30+$0xFFFFFD20]  }
0x128: {  	v34 =	vld [tilespmem:s30+$0xFFFFFD30]  }
0x129: {  	v35 =	vld [tilespmem:s30+$0xFFFFFD40]  }
0x12a: {  	v36 =	vld [tilespmem:s30+$0xFFFFFD50]  }
0x12b: {  	v37 =	vld [tilespmem:s30+$0xFFFFFD60]  }
0x12c: {  	v38 =	vld [tilespmem:s30+$0xFFFFFD70]  }
0x12d: {  	v39 =	vld [tilespmem:s30+$0xFFFFFD80]  }
0x12e: {  	v40 =	vld [tilespmem:s30+$0xFFFFFD90]  }
0x12f: {  	v41 =	vld [tilespmem:s30+$0xFFFFFDA0]  }
0x130: {  	v42 =	vld [tilespmem:s30+$0xFFFFFDB0]  }
0x131: {  	v43 =	vld [tilespmem:s30+$0xFFFFFDC0]  }
0x132: {  	v44 =	vld [tilespmem:s30+$0xFFFFFDD0]  }
0x133: {  	v45 =	vld [tilespmem:s30+$0xFFFFFDE0]  }
0x134: {  	v46 =	vld [tilespmem:s30+$0xFFFFFDF0]  }
0x135: {  	v47 =	vld [tilespmem:s30+$0xFFFFFE00]  }
0x136: {  	v48 =	vld [tilespmem:s30+$0xFFFFFE10]  }
0x137: {  	v49 =	vld [tilespmem:s30+$0xFFFFFE20]  }
0x138: {  	v50 =	vld [tilespmem:s30+$0xFFFFFE30]  }
0x139: {  	v51 =	vld [tilespmem:s30+$0xFFFFFE40]  }
0x13a: {  	v52 =	vld [tilespmem:s30+$0xFFFFFE50]  }
0x13b: {  	v53 =	vld [tilespmem:s30+$0xFFFFFE60]  }
0x13c: {  	v54 =	vld [tilespmem:s30+$0xFFFFFE70]  }
0x13d: {  	v55 =	vld [tilespmem:s30+$0xFFFFFE80]  }
0x13e: {  	v56 =	vld [tilespmem:s30+$0xFFFFFE90]  }
0x13f: {  	v57 =	vld [tilespmem:s30+$0xFFFFFEA0]  }
0x140: {  	v58 =	vld [tilespmem:s30+$0xFFFFFEB0]  }
0x141: {  	v59 =	vld [tilespmem:s30+$0xFFFFFEC0]  }
0x142: {  	v60 =	vld [tilespmem:s30+$0xFFFFFED0]  }
0x143: {  	v61 =	vld [tilespmem:s30+$0xFFFFFEE0]  }
0x144: {  	v14 =	vld [tilespmem:s30+$0xFFFFFF20]  }
0x145: {  	v15 =	vld [tilespmem:s30+$0xFFFFFF30];
	v4 =	vmul.f32 v4, v5;
	v16 =	vmul.f32 v16, v6  }
0x146: {  	v62 =	vld [tilespmem:s30+$0xFFFFFEF0];
	v17 =	vmul.f32 v17, v7;
	v18 =	vmul.f32 v18, v8  }
0x147: {  	v63 =	vld [tilespmem:s30+$0xFFFFFF00];
	v21 =	vmul.f32 v21, v11;
	v22 =	vmul.f32 v22, v12  }
0x148: {  	v13 =	vld [tilespmem:s30+$0xFFFFFF10];
	v19 =	vmul.f32 v19, v9;
	v4 =	vadd.f32 v16, v4  }
0x149: {  	v20 =	vmul.f32 v20, v10;
	v16 =	vadd.f32 v18, v17;
	v18 =	vadd.f32 v22, v21;
	v21 =	vld [tilespmem:s30+$0xFFFFFF40]  }
0x14a: {  	v14 =	vmul.f32 v14, v7;
	v15 =	vmul.f32 v15, v8;
	v22 =	vld [tilespmem:s30+$0xFFFFFF50]  }
0x14b: {  	v17 =	vadd.f32 v20, v19;
	v19 =	vmul.f32 v24, v6;
	v20 =	vmul.f32 v26, v8;
	v24 =	vld [tilespmem:s30+$0xFFFFFF80]  }
0x14c: {  	v26 =	vmul.f32 v28, v10;
	v28 =	vmul.f32 v30, v12;
	v30 =	vld [tilespmem:s30+$0xFFFFFFB0];
	v14 =	vadd.f32 v15, v14  }
0x14d: {  	v15 =	vld [tilespmem:s30+$0x150];
	v4 =	vadd.f32 v16, v4;
	v16 =	vadd.f32 v18, v17  }
0x14e: {  	v17 =	vld [tilespmem:s30+$0xFFFFFF60]  }
0x14f: {  	v18 =	vmul.f32 v23, v5;
	v23 =	vld [tilespmem:s30+$0xFFFFFF70];
	v16 =	vadd.f32 v16, v4;
	v4 =	vmul.f32 v25, v7  }
0x150: {  	v25 =	vmul.f32 v27, v9;
	v27 =	vld [tilespmem:s30+$0xFFFFFF90]  }
0x151: {  	v18 =	vadd.f32 v19, v18;
	v19 =	vmul.f32 v29, v11;
	v29 =	vld [tilespmem:s30+$0xFFFFFFA0];
	v4 =	vadd.f32 v20, v4  }
0x152: {  	v20 =	vadd.f32 v26, v25;
	v25 =	vmul.f32 v31, v5;
	v26 =	vmul.f32 v32, v6;
	v32 =	vld [tilespmem:s30+$0xFFFFFFC0]  }
0x153: {  	v19 =	vadd.f32 v28, v19;
	v28 =	vmul.f32 v33, v7;
	v31 =	vmul.f32 v34, v8;
	v34 =	vld [tilespmem:s30+$0xFFFFFFD0]  }
0x154: {  	v33 =	vmul.f32 v36, v10;
	v36 =	vld [tilespmem:s30+$0xFFFFFFE0];
	v4 =	vadd.f32 v4, v18  }
0x155: {  	v18 =	vmul.f32 v35, v9;
	v35 =	vmul.f32 v38, v12;
	v38 =	vadd.f32 v31, v28;
	v28 =	vld [tilespmem:s30+$0xFFFFFFF0]  }
0x156: {  	v19 =	vadd.f32 v19, v20;
	v31 =	vld [tilespmem:s30+$0x0]  }
0x157: {  	v20 =	vmul.f32 v37, v11;
	v25 =	vadd.f32 v26, v25;
	v37 =	vmul.f32 v42, v8;
	v42 =	vld [tilespmem:s30+$0x40]  }
0x158: {  	v26 =	vmul.f32 v39, v5;
	v39 =	vmul.f32 v44, v10;
	v44 =	vld [tilespmem:s30+$0x50];
	v18 =	vadd.f32 v33, v18  }
0x159: {  	v20 =	vadd.f32 v35, v20;
	v25 =	vadd.f32 v38, v25;
	v35 =	vld [tilespmem:s30+$0x10]  }
0x15a: {  	v33 =	vmul.f32 v40, v6;
	v38 =	vld [tilespmem:s30+$0x20];
	v4 =	vadd.f32 v19, v4;
	v19 =	vmul.f32 v43, v9  }
0x15b: {  	v40 =	vld [tilespmem:s30+$0x30];
	v43 =	vmul.f32 v48, v6;
	v18 =	vadd.f32 v20, v18;
	v20 =	vmul.f32 v41, v7  }
0x15c: {  	v48 =	vld [tilespmem:s30+$0x70];
	v41 =	vmul.f32 v46, v12;
	v26 =	vadd.f32 v33, v26;
	v33 =	vmul.f32 v47, v5  }
0x15d: {  	v46 =	vld [tilespmem:s30+$0x60];
	v19 =	vadd.f32 v39, v19;
	v39 =	vmul.f32 v51, v9;
	v47 =	vmul.f32 v52, v10  }
0x15e: {  	v18 =	vadd.f32 v18, v25;
	v25 =	vmul.f32 v45, v11;
	v45 =	vmul.f32 v50, v8;
	v50 =	vld [tilespmem:s30+$0x80]  }
0x15f: {  	v53 =	vmul.f32 v53, v11;
	v52 =	vmul.f32 v54, v12;
	v33 =	vadd.f32 v43, v33;
	v43 =	vld [tilespmem:s30+$0x90]  }
0x160: {  	v20 =	vadd.f32 v37, v20;
	v37 =	vmul.f32 v49, v7;
	v39 =	vadd.f32 v47, v39;
	v47 =	vld [tilespmem:s30+$0xD0]  }
0x161: {  	v49 =	vld [tilespmem:s30+$0xE0];
	v25 =	vadd.f32 v41, v25  }
0x162: {  	v37 =	vadd.f32 v45, v37;
	v41 =	vadd.f32 v52, v53;
	v45 =	vld [tilespmem:s30+$0xA0]  }
0x163: {  	v20 =	vadd.f32 v20, v26;
	v26 =	vmul.f32 v57, v7;
	v57 =	vmul.f32 v60, v10;
	v52 =	vld [tilespmem:s30+$0x160]  }
0x164: {  	v60 =	vmul.f32 v63, v5;
	v63 =	vmul.f32 v30, v8;
	v30 =	vld [tilespmem:s30+$0x180]  }
0x165: {  	v56 =	vmul.f32 v56, v6;
	v13 =	vmul.f32 v13, v6;
	v19 =	vadd.f32 v25, v19;
	v25 =	vld [tilespmem:s30+$0xB0]  }
0x166: {  	v21 =	vmul.f32 v21, v9;
	v22 =	vmul.f32 v22, v10;
	v53 =	vadd.f32 v37, v33;
	v37 =	vld [tilespmem:s30+$0xC0]  }
0x167: {  	v17 =	vmul.f32 v17, v11;
	v51 =	vmul.f32 v59, v9;
	v54 =	vadd.f32 v41, v39;
	v41 =	vld [tilespmem:s30+$0xF0]  }
0x168: {  	v39 =	vmul.f32 v55, v5;
	v33 =	vmul.f32 v58, v8;
	v55 =	vld [tilespmem:s30+$0x110]  }
0x169: {  	v58 =	vmul.f32 v61, v11;
	v61 =	vmul.f32 v27, v6;
	v27 =	vld [tilespmem:s30+$0x170]  }
0x16a: {  	v23 =	vmul.f32 v23, v12;
	v51 =	vadd.f32 v57, v51;
	v57 =	vmul.f32 v34, v10;
	v34 =	vld [tilespmem:s30+$0x190]  }
0x16b: {  	v21 =	vadd.f32 v22, v21;
	v13 =	vadd.f32 v13, v60;
	v60 =	vmul.f32 v35, v6;
	v35 =	vld [tilespmem:s30+$0x1B0]  }
0x16c: {  	v17 =	vadd.f32 v23, v17;
	v59 =	vmul.f32 v62, v12;
	v26 =	vadd.f32 v33, v26;
	v33 =	vld [tilespmem:s30+$0x100]  }
0x16d: {  	v62 =	vmul.f32 v29, v7;
	v19 =	vadd.f32 v19, v20;
	v20 =	vadd.f32 v54, v53;
	v54 =	vld [tilespmem:s30+$0x120]  }
0x16e: {  	v53 =	vadd.f32 v59, v58;
	v13 =	vadd.f32 v14, v13;
	v58 =	vmul.f32 v28, v12;
	v28 =	vld [tilespmem:s30+$0x1A0]  }
0x16f: {  	v14 =	vmul.f32 v24, v5;
	v24 =	vadd.f32 v63, v62;
	v63 =	vmul.f32 v42, v9;
	v42 =	vld [tilespmem:s30+$0x1D0]  }
0x170: {  	v39 =	vadd.f32 v56, v39;
	v59 =	vmul.f32 v31, v5;
	v31 =	vld [tilespmem:s30+$0x1F0]  }
0x171: {  	v17 =	vadd.f32 v17, v21;
	v62 =	vmul.f32 v40, v8;
	v40 =	vld [tilespmem:s30+$0x240]  }
0x172: {  	v15 =	vmul.f32 v15, v10;
	v56 =	vmul.f32 v32, v9;
	v26 =	vadd.f32 v26, v39;
	v39 =	vld [tilespmem:s30+$0x130]  }
0x173: {  	v30 =	vmul.f32 v30, v5;
	v51 =	vadd.f32 v53, v51;
	v53 =	vld [tilespmem:s30+$0x140];
	v22 =	vadd.f32 v17, v13  }
0x174: {  	v13 =	vmul.f32 v36, v11;
	v14 =	vadd.f32 v61, v14;
	v61 =	vmul.f32 v38, v7;
	v38 =	vld [tilespmem:s30+$0x1C0]  }
0x175: {  	v23 =	vadd.f32 v60, v59;
	v36 =	vld [tilespmem:s30+$0x200];
	v59 =	vmul.f32 v45, v7;
	v60 =	vmul.f32 v47, v10  }
0x176: {  	v45 =	vld [tilespmem:s30+$0x270];
	v25 =	vmul.f32 v25, v8;
	v37 =	vmul.f32 v37, v9  }
0x177: {  	v47 =	vld [tilespmem:s30+$0x280];
	v41 =	vmul.f32 v41, v12;
	v27 =	vmul.f32 v27, v12  }
0x178: {  	v21 =	vadd.f32 v51, v26;
	v26 =	vadd.f32 v57, v56;
	v56 =	vmul.f32 v46, v11;
	v46 =	vld [tilespmem:s30+$0x1E0]  }
0x179: {  	v34 =	vmul.f32 v34, v6;
	v57 =	vmul.f32 v48, v12;
	v48 =	vld [tilespmem:s30+$0x290]  }
0x17a: {  	v51 =	vmul.f32 v44, v10;
	v29 =	vadd.f32 v62, v61;
	v61 =	vmul.f32 v49, v11;
	v49 =	vld [tilespmem:s30+$0x2A0]  }
0x17b: {  	v13 =	vadd.f32 v58, v13;
	v62 =	vmul.f32 v55, v6;
	v55 =	vmul.f32 v52, v11;
	v52 =	vld [tilespmem:s30+$0x330]  }
0x17c: {  	v14 =	vadd.f32 v24, v14;
	v37 =	vadd.f32 v60, v37;
	v60 =	vmul.f32 v42, v10;
	v42 =	vld [tilespmem:s30+$0x300]  }
0x17d: {  	v33 =	vmul.f32 v33, v5;
	v30 =	vadd.f32 v34, v30;
	v13 =	vadd.f32 v13, v26;
	v26 =	vld [tilespmem:s30+$0x210]  }
0x17e: {  	v31 =	vmul.f32 v31, v12;
	v32 =	vadd.f32 v51, v63;
	v58 =	vadd.f32 v29, v23;
	v29 =	vld [tilespmem:s30+$0x220]  }
0x17f: {  	v17 =	vadd.f32 v57, v56;
	v63 =	vmul.f32 v54, v7;
	v56 =	vadd.f32 v27, v55;
	v27 =	vld [tilespmem:s30+$0x2C0]  }
0x180: {  	v41 =	vadd.f32 v41, v61;
	v57 =	vmul.f32 v28, v7;
	v51 =	vmul.f32 v40, v9;
	v55 =	vld [tilespmem:s30+$0x350]  }
0x181: {  	v39 =	vmul.f32 v39, v8;
	v33 =	vadd.f32 v62, v33;
	v62 =	vmul.f32 v36, v5;
	v36 =	vld [tilespmem:s30+$0x310]  }
0x182: {  	v54 =	vmul.f32 v53, v9;
	v53 =	vmul.f32 v45, v12;
	v17 =	vadd.f32 v17, v32;
	v32 =	vld [tilespmem:s30+$0x230]  }
0x183: {  	v23 =	vadd.f32 v13, v14;
	v14 =	vmul.f32 v43, v6;
	v37 =	vadd.f32 v41, v37;
	v43 =	vld [tilespmem:s30+$0x2B0]  }
0x184: {  	v13 =	vmul.f32 v50, v5;
	v41 =	vld [tilespmem:s30+$0x2F0];
	v39 =	vadd.f32 v39, v63;
	v15 =	vadd.f32 v15, v54  }
0x185: {  	v61 =	vmul.f32 v46, v11;
	v54 =	vld [tilespmem:s30+$0x340];
	v40 =	vmul.f32 v52, v8;
	v24 =	vadd.f32 v17, v58  }
0x186: {  	v46 =	vld [tilespmem:s30+$0x3A0];
	v13 =	vadd.f32 v14, v13;
	v17 =	vadd.f32 v25, v59;
	v58 =	vmul.f32 v35, v8  }
0x187: {  	v14 =	vld [tilespmem:s30+$0x250];
	v59 =	vmul.f32 v38, v9;
	v33 =	vadd.f32 v39, v33;
	v26 =	vmul.f32 v26, v6  }
0x188: {  	v25 =	vld [tilespmem:s30+$0x260];
	v63 =	vmul.f32 v29, v7;
	v31 =	vadd.f32 v31, v61;
	v61 =	vmul.f32 v48, v6  }
0x189: {  	v35 =	vld [tilespmem:s30+$0x2E0];
	v15 =	vadd.f32 v56, v15;
	v27 =	vmul.f32 v27, v9;
	v29 =	vmul.f32 v55, v10  }
0x18a: {  	v39 =	vld [tilespmem:s30+$0x2D0];
	v13 =	vadd.f32 v17, v13;
	v36 =	vmul.f32 v36, v6;
	v50 =	vmul.f32 v32, v8  }
0x18b: {  	v56 =	vld [tilespmem:s30+$0x360];
	v17 =	vadd.f32 v58, v57;
	v45 =	vmul.f32 v43, v8;
	v41 =	vmul.f32 v41, v12  }
0x18c: {  	v48 =	vld [tilespmem:s30+$0x3C0];
	v13 =	vadd.f32 v37, v13;
	v37 =	vadd.f32 v60, v59;
	v60 =	vmul.f32 v47, v5  }
0x18d: {  	v15 =	vadd.f32 v15, v33;
	v52 =	vmul.f32 v54, v9;
	v55 =	vmul.f32 v46, v7  }
0x18e: {  	v26 =	vadd.f32 v26, v62;
	v14 =	vmul.f32 v14, v10;
	v25 =	vmul.f32 v25, v11  }
0x18f: {  	v58 =	vld [tilespmem:s30+$0x370];
	v28 =	vadd.f32 v50, v63;
	v63 =	vmul.f32 v49, v7;
	v35 =	vmul.f32 v35, v11  }
0x190: {  	v17 =	vadd.f32 v17, v30;
	v49 =	vmul.f32 v42, v5;
	v39 =	vmul.f32 v39, v10  }
0x191: {  	v32 =	vld [tilespmem:s30+$0x320];
	v57 =	vadd.f32 v31, v37;
	v33 =	vmul.f32 v56, v11;
	v56 =	vmul.f32 v48, v9  }
0x192: {  	v62 =	vld [tilespmem:s30+$0x390];
	v37 =	vperm.xlane v24, v0;
	v14 =	vadd.f32 v14, v51;
	v25 =	vadd.f32 v53, v25  }
0x193: {  	v38 =	vperm.xlane v13, v0;
	v26 =	vadd.f32 v28, v26;
	v28 =	vadd.f32 v61, v60  }
0x194: {  	v59 =	vld [tilespmem:s30+$0x380];
	v35 =	vadd.f32 v41, v35;
	v31 =	vmul.f32 v58, v12;
	v60 =	vperm.xlane v16, v0  }
0x195: {  	v47 =	vld [tilespmem:s30+$0x3B0];
	v54 =	vadd.f32 v36, v49;
	v61 =	vperm.xlane v4, v0;
	v36 =	vperm.xlane v23, v0  }
0x196: {  	v50 =	vld [tilespmem:s30+$0x3D0];
	v17 =	vadd.f32 v57, v17;
	v27 =	vadd.f32 v39, v27;
	v32 =	vmul.f32 v32, v7  }
0x197: {  	v34 =	vmul.f32 v62, v6;
	v62 =	vperm.xlane v18, v0;
	v24 =	vadd.f32 v37, v24  }
0x198: {  	v39 =	vperm.xlane v15, v0;
	v13 =	vadd.f32 v38, v13;
	v14 =	vadd.f32 v25, v14  }
0x199: {  	v25 =	vmul.f32 v59, v5;
	v31 =	vadd.f32 v31, v33;
	v16 =	vadd.f32 v60, v16  }
0x19a: {  	v51 =	vld [tilespmem:s30+$0x3E0];
	v30 =	vmul.f32 v47, v8;
	v4 =	vadd.f32 v61, v4;
	v23 =	vadd.f32 v36, v23  }
0x19b: {  	v53 =	vld [tilespmem:s30+$0x3F0];
	v27 =	vadd.f32 v35, v27;
	v32 =	vadd.f32 v40, v32;
	v57 =	vmul.f32 v50, v10  }
0x19c: {  	v18 =	vadd.f32 v62, v18;
	v35 =	vperm.xlane v22, v0;
	v15 =	vadd.f32 v39, v15  }
0x19d: {  	v40 =	vperm.xlane v17, v0;
	v14 =	vadd.f32 v14, v26;
	v26 =	vadd.f32 v45, v63  }
0x19e: {  	v25 =	vadd.f32 v34, v25;
	v63 =	vperm.xlane v19, v0;
	v34 =	vperm.xlane v21, v0  }
0x19f: {  	v30 =	vadd.f32 v30, v55;
	v45 =	vperm.xlane v16, v1;
	v46 =	vperm.xlane v4, v1  }
0x1a0: {  	v58 =	vmul.f32 v51, v11;
	v59 =	vmul.f32 v53, v12;
	v32 =	vadd.f32 v32, v54  }
0x1a1: {  	v22 =	vadd.f32 v35, v22;
	v17 =	vadd.f32 v40, v17;
	v47 =	vperm.xlane v18, v1  }
0x1a2: {  	v53 =	vperm.xlane v24, v1;
	v26 =	vadd.f32 v26, v28;
	v28 =	vadd.f32 v29, v52  }
0x1a3: {  	v54 =	vperm.xlane v13, v1;
	v29 =	vadd.f32 v57, v56;
	v25 =	vadd.f32 v30, v25  }
0x1a4: {  	v55 =	vperm.xlane v15, v1;
	v19 =	vadd.f32 v63, v19;
	v21 =	vadd.f32 v34, v21  }
0x1a5: {  	v41 =	vperm.xlane v14, v0;
	v16 =	vadd.f32 v45, v16;
	v4 =	vadd.f32 v46, v4  }
0x1a6: {  	v52 =	vperm.xlane v23, v1;
	v33 =	vadd.f32 v59, v58;
	v18 =	vadd.f32 v47, v18  }
0x1a7: {  	v51 =	vperm.xlane v22, v1;
	v24 =	vadd.f32 v53, v24;
	v13 =	vadd.f32 v54, v13  }
0x1a8: {  	v56 =	vperm.xlane v17, v1;
	v15 =	vadd.f32 v55, v15;
	v28 =	vadd.f32 v31, v28  }
0x1a9: {  	v26 =	vadd.f32 v27, v26;
	v14 =	vadd.f32 v41, v14;
	v48 =	vperm.xlane v19, v1  }
0x1aa: {  	v50 =	vperm.xlane v21, v1;
	v23 =	vadd.f32 v52, v23;
	v61 =	vperm.xlane v16, v2  }
0x1ab: {  	v62 =	vperm.xlane v4, v2;
	v29 =	vadd.f32 v33, v29;
	v33 =	vperm.xlane v20, v0  }
0x1ac: {  	v22 =	vadd.f32 v51, v22;
	v63 =	vperm.xlane v18, v2;
	v38 =	vperm.xlane v24, v2  }
0x1ad: {  	v17 =	vadd.f32 v56, v17;
	v39 =	vperm.xlane v13, v2;
	v40 =	vperm.xlane v15, v2  }
0x1ae: {  	v28 =	vadd.f32 v28, v32;
	v42 =	vperm.xlane v26, v0;
	v19 =	vadd.f32 v48, v19  }
0x1af: {  	v21 =	vadd.f32 v50, v21;
	v57 =	vperm.xlane v14, v1;
	v16 =	vadd.f32 v61, v16  }
0x1b0: {  	v4 =	vadd.f32 v62, v4;
	v37 =	vperm.xlane v23, v2;
	v25 =	vadd.f32 v29, v25  }
0x1b1: {  	v48 =	vlaneseq.u32;
	v20 =	vadd.f32 v33, v20;
	v18 =	vadd.f32 v63, v18  }
0x1b2: {  	v36 =	vperm.xlane v22, v2;
	v41 =	vperm.xlane v17, v2;
	v24 =	vadd.f32 v38, v24  }
0x1b3: {  	v13 =	vadd.f32 v39, v13;
	v15 =	vadd.f32 v40, v15;
	v43 =	vperm.xlane v28, v0  }
0x1b4: {  	v26 =	vadd.f32 v42, v26;
	v33 =	vperm.xlane v19, v2;
	v35 =	vperm.xlane v21, v2  }
0x1b5: {  	v14 =	vadd.f32 v57, v14;
	v45 =	vperm.xlane v16, v3;
	v47 =	vperm.xlane v4, v3  }
0x1b6: {  	v23 =	vadd.f32 v37, v23;
	v44 =	vperm.xlane v25, v0;
	v49 =	vperm.xlane v20, v1  }
0x1b7: {  	v22 =	vadd.f32 v36, v22;
	v17 =	vadd.f32 v41, v17;
	v61 =	vperm.xlane v15, v3  }
0x1b8: {  	v28 =	vadd.f32 v43, v28;
	v58 =	vperm.xlane v26, v1;
	v19 =	vadd.f32 v33, v19  }
0x1b9: {  	v21 =	vadd.f32 v35, v21;
	v42 =	vperm.xlane v14, v2;
	v16 =	vadd.f32 v45, v16  }
0x1ba: {  	v56 =	vperm.xlane v23, v3;
	v20 =	vadd.f32 v49, v20;
	v49 =	vperm.xlane v18, v3  }
0x1bb: {  	v4 =	vadd.f32 v47, v4;
	v54 =	vperm.xlane v22, v3;
	v62 =	vperm.xlane v17, v3  }
0x1bc: {  	v25 =	vadd.f32 v44, v25;
	v59 =	vperm.xlane v28, v1;
	v34 =	vperm.xlane v20, v2  }
0x1bd: {  	v26 =	vadd.f32 v58, v26;
	v14 =	vadd.f32 v42, v14;
	v50 =	vperm.xlane v19, v3  }
0x1be: {  	[tilespmem:v48+s17+$0x0] =	vst.idx.msk $0x1, v16;
	v53 =	vperm.xlane v21, v3;
	v20 =	vadd.f32 v34, v20  }
0x1bf: {  	v58 =	vperm.xlane v24, v3;
	v60 =	vperm.xlane v25, v1;
	v18 =	vadd.f32 v49, v18  }
0x1c0: {  	v57 =	vadd.f32 v54, v22;
	v16 =	vadd.f32 v62, v17;
	v51 =	vperm.xlane v20, v3  }
0x1c1: {  	[tilespmem:v48+s17+$0x0] =	vst.idx.msk vm0, v4;
	v27 =	vadd.f32 v59, v28;
	v52 =	vadd.f32 v50, v19  }
0x1c2: {  	v43 =	vperm.xlane v26, v2;
	[tilespmem:v48+s17+$0x0] =	vst.idx.msk vm1, v18;
	v4 =	vadd.f32 v51, v20  }
0x1c3: {  	v55 =	vadd.f32 v53, v21;
	v59 =	vperm.xlane v13, v3;
	[tilespmem:v48+s17+$0x0] =	vst.idx.msk vm2, v52  }
0x1c4: {  	v25 =	vadd.f32 v60, v25;
	v60 =	vadd.f32 v58, v24;
	[tilespmem:v48+s17+$0x0] =	vst.idx.msk vm3, v4  }
0x1c5: {  	v44 =	vperm.xlane v27, v2;
	v4 =	vadd.f32 v56, v23;
	[tilespmem:v48+s17+$0x0] =	vst.idx.msk vm4, v55  }
0x1c6: {  	v26 =	vadd.f32 v43, v26;
	v13 =	vadd.f32 v59, v13;
	[tilespmem:v48+s17+$0x0] =	vst.idx.msk vm5, v57  }
0x1c7: {  	v46 =	vperm.xlane v25, v2;
	v27 =	vadd.f32 v44, v27;
	[tilespmem:v48+s17+$0x0] =	vst.idx.msk vm6, v4  }
0x1c8: {  	v4 =	vadd.f32 v61, v15;
	v15 =	vperm.xlane v14, v3;
	[tilespmem:v48+s17+$0x0] =	vst.idx.msk vm7, v60  }
0x1c9: {  	v63 =	vperm.xlane v26, v3;
	v25 =	vadd.f32 v46, v25;
	[tilespmem:v48+s17+$0x0] =	vst.idx.msk vm8, v13  }
0x1ca: {  	v13 =	vadd.f32 v15, v14;
	v14 =	vperm.xlane v27, v3;
	[tilespmem:v48+s17+$0x0] =	vst.idx.msk vm9, v4  }
0x1cb: {  	v15 =	vperm.xlane v25, v3;
	v4 =	vadd.f32 v63, v26;
	[tilespmem:v48+s17+$0x0] =	vst.idx.msk vm10, v16  }
0x1cc: {  	v14 =	vadd.f32 v14, v27;
	[tilespmem:v48+s17+$0x0] =	vst.idx.msk vm11, v13  }
0x1cd: {  	v13 =	vadd.f32 v15, v25;
	[tilespmem:v48+s17+$0x0] =	vst.idx.msk vm12, v4  }
0x1ce: {  	v4 =	vld [tilespmem:$0x1FFA0];
	[tilespmem:v48+s17+$0x0] =	vst.idx.msk vm13, v14  }
0x1cf: {  	[tilespmem:v48+s17+$0x0] =	vst.idx.msk vm14, v13;
	v13 =	vld [tilespmem:$0x1FFB0];
	_ =	sdelay $0x5  }
0x1d0: {  	s3 =	sshra.s32 s29, $0x2  }
0x1d1: {  	v4 =	vld.idx.msk [tilespmem:v4+s3+$0x0 ss:$0x1], $0xffff  }
0x1d2: {  	v13 =	vld.idx.msk [tilespmem:v13+s3+$0x0 ss:$0x1], $0xffff;
	_ =	sdelay $0x4  }
0x1d3: {  	v13 =	vadd.s32 $0x2710, v13;
	_ =	sdelay $0x1  }
0x1d4: {  	v14 =	vld [tilespmem:$0x11580]  }
0x1d5: {  	v4 =	vld.idx.msk [tilespmem:v4+s6+$0x0], $0xffff;
	_ =	sdelay $0x1  }
0x1d6: {  	v13 =	vld.idx.msk [tilespmem:v13+s6+$0x0], $0xffff;
	_ =	sdelay $0x2  }
0x1d7: {  	v4 =	vadd.f32 v4, v14;
	_ =	sdelay $0x1  }
0x1d8: {  	v4 =	vadd.f32 v13, v4;
	_ =	sdelay $0x1  }
0x1d9: {  	v4 =	vsub.f32 $0.0e+00, v4;
	_ =	sdelay $0x1  }
0x1da: {  	v4 =	vmul.f32 $1.442695020e+00, v4;
	_ =	sdelay $0x1  }
0x1db: {  	(erf) = vpow2.f32 v4;
	_ =	sdelay $0x8  }
0x1dc: {  	v4 =	vpop (erf)  }
0x1dd: {  	v4 =	vadd.f32 $1.000000000e+00, v4;
	_ =	sdelay $0x1  }
0x1de: {  	(erf) = vrcp.f32 v4;
	_ =	sdelay $0x1  }
0x1df: {  	v13 =	vld [tilespmem:$0x1FFC0];
	_ =	sdelay $0x2  }
0x1e0: {  	p0 =	sne.s32 s29, $0x100  }
.Ltmp6:
0x1e1: {  	_ = 	snop;
	(pc) =	sbr.rel @p0 .LBB2_6-.Ltmp6, $3  }
0x1e2: {  	_ =	sdelay $0x1  }
0x1e3: {  	v4 =	vpop (erf)  }
0x1e4: {  	s29 =	sadd.s32 $0x40, s29;
	s30 =	sadd.s32 $0x800, s30;
	[tilespmem:v13+s3+$0x0 ss:$0x1] =	vst.idx.msk $0xffff, v4  }
.Ltmp7:
0x1e5: {  	_ = 	snop;
	(pc) =	sbr.rel .LBB2_7-.Ltmp7, $1  }
0x1e6: {  	_ =	sdelay $0x3  }
.LBB2_9:
0x1e7: {  	_ =	sfence.sel $0x180000  }
0x1e8: {  	[bflag:$0x0] =	sbarrier.arrive $0xFFFF  }
0x1e9: {  	_ =	strace $0x90000047  }
0x1ea: {  	[bflag:$0x2] =	sbarrier.arrive $0xFFFF  }
0x1eb: {  	p0 =	sne.s32 s1, $0x0;
	s0 =	rddreg [dreg:$0x4]  }
0x1ec: {  	s0 =	sadd.s32 @!p0 $0x100000, s0  }
0x1ed: {  	[sflag:s0] =	ssyncadd.tile.s32 @!p0 $0x1;
	_ =	shalt  }
.Lfunc_end2:
_tile_overlayer_lowered:
.L_overlay_start_2:
0x1ee: {  	(tag) =	ssettag $0x2  }
0x1ef: {  	s0 =	rddreg [dreg:$0x0];
	s2 =	stileid.u32  }
0x1f0: {  	s1 =	rddreg [dreg:$0x1];
	p0 =	sne.s32 s2, $0x0  }
0x1f1: {  	s3 =	rddreg [dreg:$0x2];
	[bflag:$0x3] =	sbarrier.arrive $0xFFFF;
	s2 =	simm.s32 @!p0 $0x1C03  }
0x1f2: {  	[timem:s3], [sflag:s2] =	dma.local @!p0 [hbm:s0], s1  }
0x1f3: {  	s0 =	simm.s32 @!p0 $0x3  }
0x1f4: {  	_ =	swait.ge @!p0 [sflag:s0], s1  }
0x1f5: {  	s1 =	ssub.s32 @!p0 $0x0, s1;
	[sflag:s0] =	ssyncset.done @!p0 $0x0  }
0x1f6: {  	[sflag:s0] =	ssyncadd.s32 @!p0 s1  }
0x1f7: {  	[bflag:$0x3] =	sbarrier.arrive $0xFFFF  }
0x1f8: {  	_ =	shalt  }

</sc_bundles>
